<compile_context>
chip_gen: v7x
topology: tpu7x:2x2x1
jax: 0.10.2.dev20260603
libtpu: 0.0.44.dev20260713+nightly
codegen_flags: <defaults>
</compile_context>

<pallas_src>
import functools

import jax
import jax.numpy as jnp
from jax import lax
from jax.experimental import pallas as pl
from jax.experimental.pallas import tpu as pltpu
from jax.experimental.pallas import tpu_sc as plsc

D3 = 128
BATCH = 16384
NC = 2
NS = 16
NW = NC * NS
BPW = BATCH // NW
CH = 64
NCH = BPW // CH
NBUF = 4
SLAB = 256 // NS

_mesh = plsc.VectorSubcoreMesh(core_axis_name="c", subcore_axis_name="s")


@functools.partial(
    pl.kernel,
    mesh=_mesh,
    compiler_params=pltpu.CompilerParams(
        disable_bounds_checks=True,
        disable_semaphore_checks=True,
    ),
    out_type=jax.ShapeDtypeStruct((BATCH, 3 * D3), jnp.float32),
    scratch_types=[
        pltpu.VMEM_SHARED((256, D3), jnp.float32),
        pltpu.VMEM_SHARED((256, D3), jnp.float32),
        pltpu.VMEM_SHARED((256, D3), jnp.float32),
        pltpu.VMEM((BPW,), jnp.int32),
        pltpu.VMEM((BPW,), jnp.int32),
        pltpu.VMEM((BPW,), jnp.int32),
        pltpu.VMEM((NBUF, CH, D3), jnp.float32),
        pltpu.VMEM((NBUF, CH, D3), jnp.float32),
        pltpu.VMEM((NBUF, CH, D3), jnp.float32),
        pltpu.SemaphoreType.DMA,
        pltpu.SemaphoreType.DMA,
        pltpu.SemaphoreType.DMA,
        pltpu.SemaphoreType.DMA,
        pltpu.SemaphoreType.DMA,
        pltpu.SemaphoreType.DMA,
        pltpu.SemaphoreType.DMA,
        pltpu.SemaphoreType.DMA,
        pltpu.SemaphoreType.DMA,
    ],
)
def _pe3d(xh, yh, zh, xt, yt, zt, out, spx, spy, spz, xi, yi, zi,
          rx, ry, rz, g0, g1, g2, g3, w0, w1, w2, w3, ssem):
    gsems = (g0, g1, g2, g3)
    wsems = (w0, w1, w2, w3)
    sid = lax.axis_index("s")
    wid = sid * NC + lax.axis_index("c")
    base = wid * BPW

    slab = pl.ds(sid * SLAB, SLAB)
    s1 = pltpu.async_copy(xt.at[slab], spx.at[slab], ssem)
    s2 = pltpu.async_copy(yt.at[slab], spy.at[slab], ssem)
    s3 = pltpu.async_copy(zt.at[slab], spz.at[slab], ssem)
    i1 = pltpu.async_copy(xh.at[pl.ds(base, BPW)], xi, ssem)
    i2 = pltpu.async_copy(yh.at[pl.ds(base, BPW)], yi, ssem)
    i3 = pltpu.async_copy(zh.at[pl.ds(base, BPW)], zi, ssem)
    i1.wait()
    i2.wait()
    i3.wait()
    s1.wait()
    s2.wait()
    s3.wait()
    plsc.subcore_barrier()

    gathers = [None] * NCH
    writes = [None] * NCH

    def issue_writes(ci):
        for g in gathers[ci]:
            g.wait()
        b = ci % NBUF
        r0 = base + ci * CH
        ws = wsems[b]
        writes[ci] = (
            pltpu.async_copy(rx.at[b], out.at[pl.ds(r0, CH), pl.ds(0, D3)], ws),
            pltpu.async_copy(ry.at[b], out.at[pl.ds(r0, CH), pl.ds(D3, D3)], ws),
            pltpu.async_copy(rz.at[b], out.at[pl.ds(r0, CH), pl.ds(2 * D3, D3)], ws),
        )

    for ci in range(NCH):
        b = ci % NBUF
        if ci >= NBUF:
            for w in writes[ci - NBUF]:
                w.wait()
        sl = pl.ds(ci * CH, CH)
        gs = gsems[b]
        gathers[ci] = (
            pltpu.async_copy(spx.at[xi.at[sl]], rx.at[b], gs),
            pltpu.async_copy(spy.at[yi.at[sl]], ry.at[b], gs),
            pltpu.async_copy(spz.at[zi.at[sl]], rz.at[b], gs),
        )
        if ci >= 2:
            issue_writes(ci - 2)
    issue_writes(NCH - 2)
    issue_writes(NCH - 1)
    for ci in range(NCH - NBUF, NCH):
        for w in writes[ci]:
            w.wait()


def kernel(x, y, z, x_pos, y_pos, z_pos):
    return _pe3d(
        x.astype(jnp.int32),
        y.astype(jnp.int32),
        z.astype(jnp.int32),
        x_pos,
        y_pos,
        z_pos,
    )

# --- scband reference (transcript-rebuilt; emitter-appended) ---
"""Pipeline reference for scband-positional-encoding3-d-86827058855968 (READ-ONLY COPY).

The authoritative reference and input builder live on the scoring server;
editing this copy changes nothing except your own understanding.
"""

import jax, jax.numpy as jnp
import numpy as np
import math

D_MODEL = 384
MAX_X = 256
MAX_Y = 256
MAX_Z = 256
BATCH = 16384

def _positional_encoding_1d(length, d_model):
    position = np.arange(0, length, dtype=np.float64)[:, None]
    div_term = np.exp(np.arange(0, d_model, 2, dtype=np.float64) * -(math.log(10000.0) / d_model))
    pe = np.zeros((length, d_model), dtype=np.float64)
    pe[:, 0::2] = np.sin(position * div_term)
    pe[:, 1::2] = np.cos(position * div_term)
    return jnp.asarray(pe, dtype=jnp.float32)

def setup_inputs(seed: int = 0) -> dict:
    key = jax.random.key(seed)
    k1, k2, k3 = jax.random.split(key, 3)
    d3 = D_MODEL // 3
    return {
        "x": jax.random.randint(k1, (BATCH,), 0, MAX_X, dtype=jnp.int64) if jax.config.jax_enable_x64 else jax.random.randint(k1, (BATCH,), 0, MAX_X, dtype=jnp.int32),
        "y": jax.random.randint(k2, (BATCH,), 0, MAX_Y, dtype=jnp.int32),
        "z": jax.random.randint(k3, (BATCH,), 0, MAX_Z, dtype=jnp.int32),
        "x_pos": _positional_encoding_1d(MAX_X, d3),
        "y_pos": _positional_encoding_1d(MAX_Y, d3),
        "z_pos": _positional_encoding_1d(MAX_Z, d3),
    }

def reference(x, y, z, x_pos, y_pos, z_pos):
    x_emb = jnp.take(x_pos, x, axis=0)
    y_emb = jnp.take(y_pos, y, axis=0)
    z_emb = jnp.take(z_pos, z, axis=0)
    pos_emb = jnp.concatenate((x_emb, y_emb, z_emb), axis=-1)
    return pos_emb

if __name__ == "__main__":
    import jax
    _d = setup_inputs()
    print(jax.jit(kernel)(*tuple(_d.values())))

</pallas_src>

<mosaic_0001>
#map = affine_map<(d0, d1) -> (0)>
#map1 = affine_map<(d0, d1) -> (0, 0)>
module attributes {stable_mosaic.version = 14 : i64} {
  func.func @_pe3d(%arg0: i32, %arg1: i32, %arg2: memref<16384xi32, #tpu.memory_space<hbm>>, %arg3: memref<16384xi32, #tpu.memory_space<hbm>>, %arg4: memref<16384xi32, #tpu.memory_space<hbm>>, %arg5: memref<256x128xf32, #tpu.memory_space<hbm>>, %arg6: memref<256x128xf32, #tpu.memory_space<hbm>>, %arg7: memref<256x128xf32, #tpu.memory_space<hbm>>, %arg8: memref<16384x384xf32, #tpu.memory_space<hbm>>, %arg9: memref<256x128xf32, #tpu.memory_space<vmem_shared>>, %arg10: memref<256x128xf32, #tpu.memory_space<vmem_shared>>, %arg11: memref<256x128xf32, #tpu.memory_space<vmem_shared>>, %arg12: memref<512xi32, #tpu.memory_space<vmem>>, %arg13: memref<512xi32, #tpu.memory_space<vmem>>, %arg14: memref<512xi32, #tpu.memory_space<vmem>>, %arg15: memref<4x64x128xf32, #tpu.memory_space<vmem>>, %arg16: memref<4x64x128xf32, #tpu.memory_space<vmem>>, %arg17: memref<4x64x128xf32, #tpu.memory_space<vmem>>, %arg18: memref<!tpu.dma_semaphore, #tpu.memory_space<semaphore_mem>>, %arg19: memref<!tpu.dma_semaphore, #tpu.memory_space<semaphore_mem>>, %arg20: memref<!tpu.dma_semaphore, #tpu.memory_space<semaphore_mem>>, %arg21: memref<!tpu.dma_semaphore, #tpu.memory_space<semaphore_mem>>, %arg22: memref<!tpu.dma_semaphore, #tpu.memory_space<semaphore_mem>>, %arg23: memref<!tpu.dma_semaphore, #tpu.memory_space<semaphore_mem>>, %arg24: memref<!tpu.dma_semaphore, #tpu.memory_space<semaphore_mem>>, %arg25: memref<!tpu.dma_semaphore, #tpu.memory_space<semaphore_mem>>, %arg26: memref<!tpu.dma_semaphore, #tpu.memory_space<semaphore_mem>>) attributes {dimension_semantics = [#tpu.dimension_semantics<core_parallel>, #tpu.dimension_semantics<subcore_parallel>], iteration_bounds = array<i64: 2, 16>, scalar_prefetch = 0 : i64, scratch_operands = 18 : i64, tpu.core_type = #tpu.core_type<sc_vector_subcore>, window_params = [{transform_indices = #map}, {transform_indices = #map}, {transform_indices = #map}, {transform_indices = #map1}, {transform_indices = #map1}, {transform_indices = #map1}, {transform_indices = #map1}]} {
    %mul3A = arith.constant 2 : i32
    %mul3A_0 = arith.muli %arg1, %mul3A : i32
    %add3A = arith.addi %mul3A_0, %arg0 : i32
    %mul3A_1 = arith.constant 512 : i32
    %mul3A_2 = arith.muli %add3A, %mul3A_1 : i32
    %mul3A_3 = arith.constant 16 : i32
    %mul3A_4 = arith.muli %arg1, %mul3A_3 : i32
    %dma_start3A = arith.constant 0 : i32
    %dma_start3A_5 = tpu.memref_slice %arg9[%mul3A_4, %dma_start3A] : memref<256x128xf32, #tpu.memory_space<vmem_shared>> -> memref<16x128xf32, #tpu.memory_space<vmem_shared>>
    %dma_start3A_6 = arith.constant 0 : i32
    %dma_start3A_7 = tpu.memref_slice %arg5[%mul3A_4, %dma_start3A_6] : memref<256x128xf32, #tpu.memory_space<hbm>> -> memref<16x128xf32, #tpu.memory_space<hbm>>
    tpu.enqueue_dma source(%dma_start3A_7 : memref<16x128xf32, #tpu.memory_space<hbm>>) target(%dma_start3A_5 : memref<16x128xf32, #tpu.memory_space<vmem_shared>>) target_semaphore(%arg26 : memref<!tpu.dma_semaphore, #tpu.memory_space<semaphore_mem>>)
    %dma_start3A_8 = arith.constant 0 : i32
    %dma_start3A_9 = tpu.memref_slice %arg10[%mul3A_4, %dma_start3A_8] : memref<256x128xf32, #tpu.memory_space<vmem_shared>> -> memref<16x128xf32, #tpu.memory_space<vmem_shared>>
    %dma_start3A_10 = arith.constant 0 : i32
    %dma_start3A_11 = tpu.memref_slice %arg6[%mul3A_4, %dma_start3A_10] : memref<256x128xf32, #tpu.memory_space<hbm>> -> memref<16x128xf32, #tpu.memory_space<hbm>>
    tpu.enqueue_dma source(%dma_start3A_11 : memref<16x128xf32, #tpu.memory_space<hbm>>) target(%dma_start3A_9 : memref<16x128xf32, #tpu.memory_space<vmem_shared>>) target_semaphore(%arg26 : memref<!tpu.dma_semaphore, #tpu.memory_space<semaphore_mem>>)
    %dma_start3A_12 = arith.constant 0 : i32
    %dma_start3A_13 = tpu.memref_slice %arg11[%mul3A_4, %dma_start3A_12] : memref<256x128xf32, #tpu.memory_space<vmem_shared>> -> memref<16x128xf32, #tpu.memory_space<vmem_shared>>
    %dma_start3A_14 = arith.constant 0 : i32
    %dma_start3A_15 = tpu.memref_slice %arg7[%mul3A_4, %dma_start3A_14] : memref<256x128xf32, #tpu.memory_space<hbm>> -> memref<16x128xf32, #tpu.memory_space<hbm>>
    tpu.enqueue_dma source(%dma_start3A_15 : memref<16x128xf32, #tpu.memory_space<hbm>>) target(%dma_start3A_13 : memref<16x128xf32, #tpu.memory_space<vmem_shared>>) target_semaphore(%arg26 : memref<!tpu.dma_semaphore, #tpu.memory_space<semaphore_mem>>)
    %dma_start3A_16 = tpu.memref_slice %arg2[%mul3A_2] : memref<16384xi32, #tpu.memory_space<hbm>> -> memref<512xi32, #tpu.memory_space<hbm>>
    %dma_start3A_17 = tpu.memref_slice %arg2[%mul3A_2] : memref<16384xi32, #tpu.memory_space<hbm>> -> memref<512xi32, #tpu.memory_space<hbm>>
    tpu.enqueue_dma source(%dma_start3A_17 : memref<512xi32, #tpu.memory_space<hbm>>) target(%arg12 : memref<512xi32, #tpu.memory_space<vmem>>) target_semaphore(%arg26 : memref<!tpu.dma_semaphore, #tpu.memory_space<semaphore_mem>>)
    %dma_start3A_18 = tpu.memref_slice %arg3[%mul3A_2] : memref<16384xi32, #tpu.memory_space<hbm>> -> memref<512xi32, #tpu.memory_space<hbm>>
    %dma_start3A_19 = tpu.memref_slice %arg3[%mul3A_2] : memref<16384xi32, #tpu.memory_space<hbm>> -> memref<512xi32, #tpu.memory_space<hbm>>
    tpu.enqueue_dma source(%dma_start3A_19 : memref<512xi32, #tpu.memory_space<hbm>>) target(%arg13 : memref<512xi32, #tpu.memory_space<vmem>>) target_semaphore(%arg26 : memref<!tpu.dma_semaphore, #tpu.memory_space<semaphore_mem>>)
    %dma_start3A_20 = tpu.memref_slice %arg4[%mul3A_2] : memref<16384xi32, #tpu.memory_space<hbm>> -> memref<512xi32, #tpu.memory_space<hbm>>
    %dma_start3A_21 = tpu.memref_slice %arg4[%mul3A_2] : memref<16384xi32, #tpu.memory_space<hbm>> -> memref<512xi32, #tpu.memory_space<hbm>>
    tpu.enqueue_dma source(%dma_start3A_21 : memref<512xi32, #tpu.memory_space<hbm>>) target(%arg14 : memref<512xi32, #tpu.memory_space<vmem>>) target_semaphore(%arg26 : memref<!tpu.dma_semaphore, #tpu.memory_space<semaphore_mem>>)
    %dma_wait3A = tpu.memref_slice %arg2[%mul3A_2] : memref<16384xi32, #tpu.memory_space<hbm>> -> memref<512xi32, #tpu.memory_space<hbm>>
    %dma_wait3A_22 = tpu.memref_slice %arg2[%mul3A_2] : memref<16384xi32, #tpu.memory_space<hbm>> -> memref<512xi32, #tpu.memory_space<hbm>>
    tpu.wait_dma2 semaphore(%arg26 : memref<!tpu.dma_semaphore, #tpu.memory_space<semaphore_mem>>) src(%dma_wait3A_22 : memref<512xi32, #tpu.memory_space<hbm>>) dst(%arg12 : memref<512xi32, #tpu.memory_space<vmem>>)
    %dma_wait3A_23 = tpu.memref_slice %arg3[%mul3A_2] : memref<16384xi32, #tpu.memory_space<hbm>> -> memref<512xi32, #tpu.memory_space<hbm>>
    %dma_wait3A_24 = tpu.memref_slice %arg3[%mul3A_2] : memref<16384xi32, #tpu.memory_space<hbm>> -> memref<512xi32, #tpu.memory_space<hbm>>
    tpu.wait_dma2 semaphore(%arg26 : memref<!tpu.dma_semaphore, #tpu.memory_space<semaphore_mem>>) src(%dma_wait3A_24 : memref<512xi32, #tpu.memory_space<hbm>>) dst(%arg13 : memref<512xi32, #tpu.memory_space<vmem>>)
    %dma_wait3A_25 = tpu.memref_slice %arg4[%mul3A_2] : memref<16384xi32, #tpu.memory_space<hbm>> -> memref<512xi32, #tpu.memory_space<hbm>>
    %dma_wait3A_26 = tpu.memref_slice %arg4[%mul3A_2] : memref<16384xi32, #tpu.memory_space<hbm>> -> memref<512xi32, #tpu.memory_space<hbm>>
    tpu.wait_dma2 semaphore(%arg26 : memref<!tpu.dma_semaphore, #tpu.memory_space<semaphore_mem>>) src(%dma_wait3A_26 : memref<512xi32, #tpu.memory_space<hbm>>) dst(%arg14 : memref<512xi32, #tpu.memory_space<vmem>>)
    %dma_wait3A_27 = arith.constant 0 : i32
    %dma_wait3A_28 = tpu.memref_slice %arg9[%mul3A_4, %dma_wait3A_27] : memref<256x128xf32, #tpu.memory_space<vmem_shared>> -> memref<16x128xf32, #tpu.memory_space<vmem_shared>>
    %dma_wait3A_29 = arith.constant 0 : i32
    %dma_wait3A_30 = tpu.memref_slice %arg5[%mul3A_4, %dma_wait3A_29] : memref<256x128xf32, #tpu.memory_space<hbm>> -> memref<16x128xf32, #tpu.memory_space<hbm>>
    tpu.wait_dma2 semaphore(%arg26 : memref<!tpu.dma_semaphore, #tpu.memory_space<semaphore_mem>>) src(%dma_wait3A_30 : memref<16x128xf32, #tpu.memory_space<hbm>>) dst(%dma_wait3A_28 : memref<16x128xf32, #tpu.memory_space<vmem_shared>>)
    %dma_wait3A_31 = arith.constant 0 : i32
    %dma_wait3A_32 = tpu.memref_slice %arg10[%mul3A_4, %dma_wait3A_31] : memref<256x128xf32, #tpu.memory_space<vmem_shared>> -> memref<16x128xf32, #tpu.memory_space<vmem_shared>>
    %dma_wait3A_33 = arith.constant 0 : i32
    %dma_wait3A_34 = tpu.memref_slice %arg6[%mul3A_4, %dma_wait3A_33] : memref<256x128xf32, #tpu.memory_space<hbm>> -> memref<16x128xf32, #tpu.memory_space<hbm>>
    tpu.wait_dma2 semaphore(%arg26 : memref<!tpu.dma_semaphore, #tpu.memory_space<semaphore_mem>>) src(%dma_wait3A_34 : memref<16x128xf32, #tpu.memory_space<hbm>>) dst(%dma_wait3A_32 : memref<16x128xf32, #tpu.memory_space<vmem_shared>>)
    %dma_wait3A_35 = arith.constant 0 : i32
    %dma_wait3A_36 = tpu.memref_slice %arg11[%mul3A_4, %dma_wait3A_35] : memref<256x128xf32, #tpu.memory_space<vmem_shared>> -> memref<16x128xf32, #tpu.memory_space<vmem_shared>>
    %dma_wait3A_37 = arith.constant 0 : i32
    %dma_wait3A_38 = tpu.memref_slice %arg7[%mul3A_4, %dma_wait3A_37] : memref<256x128xf32, #tpu.memory_space<hbm>> -> memref<16x128xf32, #tpu.memory_space<hbm>>
    tpu.wait_dma2 semaphore(%arg26 : memref<!tpu.dma_semaphore, #tpu.memory_space<semaphore_mem>>) src(%dma_wait3A_38 : memref<16x128xf32, #tpu.memory_space<hbm>>) dst(%dma_wait3A_36 : memref<16x128xf32, #tpu.memory_space<vmem_shared>>)
    %barrier3A = arith.constant 0 : index
    tpu.barrier barrier_id(%barrier3A)
    %dma_start3A_39 = arith.constant 0 : i32
    %dma_start3A_40 = arith.constant 0 : i32
    %dma_start3A_41 = arith.constant 0 : i32
    %dma_start3A_42 = tpu.memref_slice %arg15[%dma_start3A_39, %dma_start3A_40, %dma_start3A_41] : memref<4x64x128xf32, #tpu.memory_space<vmem>> -> memref<1x64x128xf32, #tpu.memory_space<vmem>>
    %dma_start3A_43 = tpu.memref_squeeze %dma_start3A_42 : memref<1x64x128xf32, #tpu.memory_space<vmem>> -> memref<64x128xf32, #tpu.memory_space<vmem>>
    %dma_start3A_44 = arith.constant 0 : i32
    %dma_start3A_45 = tpu.memref_slice %arg12[%dma_start3A_44] : memref<512xi32, #tpu.memory_space<vmem>> -> memref<64xi32, #tpu.memory_space<vmem>>
    %dma_start3A_46 = arith.constant 0 : i32
    %dma_start3A_47 = arith.constant 0 : i32
    %dma_start3A_48 = tpu.memref_slice %arg9[%dma_start3A_46, %dma_start3A_47] : memref<256x128xf32, #tpu.memory_space<vmem_shared>> -> memref<256x128xf32, #tpu.memory_space<vmem_shared>>
    tpu.enqueue_indirect_dma source(%dma_start3A_48 : memref<256x128xf32, #tpu.memory_space<vmem_shared>>) target(%dma_start3A_43 : memref<64x128xf32, #tpu.memory_space<vmem>>) offsets(%dma_start3A_45 : memref<64xi32, #tpu.memory_space<vmem>>) semaphore(%arg18 : memref<!tpu.dma_semaphore, #tpu.memory_space<semaphore_mem>>)
    %dma_start3A_49 = arith.constant 0 : i32
    %dma_start3A_50 = arith.constant 0 : i32
    %dma_start3A_51 = arith.constant 0 : i32
    %dma_start3A_52 = tpu.memref_slice %arg16[%dma_start3A_49, %dma_start3A_50, %dma_start3A_51] : memref<4x64x128xf32, #tpu.memory_space<vmem>> -> memref<1x64x128xf32, #tpu.memory_space<vmem>>
    %dma_start3A_53 = tpu.memref_squeeze %dma_start3A_52 : memref<1x64x128xf32, #tpu.memory_space<vmem>> -> memref<64x128xf32, #tpu.memory_space<vmem>>
    %dma_start3A_54 = arith.constant 0 : i32
    %dma_start3A_55 = tpu.memref_slice %arg13[%dma_start3A_54] : memref<512xi32, #tpu.memory_space<vmem>> -> memref<64xi32, #tpu.memory_space<vmem>>
    %dma_start3A_56 = arith.constant 0 : i32
    %dma_start3A_57 = arith.constant 0 : i32
    %dma_start3A_58 = tpu.memref_slice %arg10[%dma_start3A_56, %dma_start3A_57] : memref<256x128xf32, #tpu.memory_space<vmem_shared>> -> memref<256x128xf32, #tpu.memory_space<vmem_shared>>
    tpu.enqueue_indirect_dma source(%dma_start3A_58 : memref<256x128xf32, #tpu.memory_space<vmem_shared>>) target(%dma_start3A_53 : memref<64x128xf32, #tpu.memory_space<vmem>>) offsets(%dma_start3A_55 : memref<64xi32, #tpu.memory_space<vmem>>) semaphore(%arg18 : memref<!tpu.dma_semaphore, #tpu.memory_space<semaphore_mem>>)
    %dma_start3A_59 = arith.constant 0 : i32
    %dma_start3A_60 = arith.constant 0 : i32
    %dma_start3A_61 = arith.constant 0 : i32
    %dma_start3A_62 = tpu.memref_slice %arg17[%dma_start3A_59, %dma_start3A_60, %dma_start3A_61] : memref<4x64x128xf32, #tpu.memory_space<vmem>> -> memref<1x64x128xf32, #tpu.memory_space<vmem>>
    %dma_start3A_63 = tpu.memref_squeeze %dma_start3A_62 : memref<1x64x128xf32, #tpu.memory_space<vmem>> -> memref<64x128xf32, #tpu.memory_space<vmem>>
    %dma_start3A_64 = arith.constant 0 : i32
    %dma_start3A_65 = tpu.memref_slice %arg14[%dma_start3A_64] : memref<512xi32, #tpu.memory_space<vmem>> -> memref<64xi32, #tpu.memory_space<vmem>>
    %dma_start3A_66 = arith.constant 0 : i32
    %dma_start3A_67 = arith.constant 0 : i32
    %dma_start3A_68 = tpu.memref_slice %arg11[%dma_start3A_66, %dma_start3A_67] : memref<256x128xf32, #tpu.memory_space<vmem_shared>> -> memref<256x128xf32, #tpu.memory_space<vmem_shared>>
    tpu.enqueue_indirect_dma source(%dma_start3A_68 : memref<256x128xf32, #tpu.memory_space<vmem_shared>>) target(%dma_start3A_63 : memref<64x128xf32, #tpu.memory_space<vmem>>) offsets(%dma_start3A_65 : memref<64xi32, #tpu.memory_space<vmem>>) semaphore(%arg18 : memref<!tpu.dma_semaphore, #tpu.memory_space<semaphore_mem>>)
    %dma_start3A_69 = arith.constant 1 : i32
    %dma_start3A_70 = arith.constant 0 : i32
    %dma_start3A_71 = arith.constant 0 : i32
    %dma_start3A_72 = tpu.memref_slice %arg15[%dma_start3A_69, %dma_start3A_70, %dma_start3A_71] : memref<4x64x128xf32, #tpu.memory_space<vmem>> -> memref<1x64x128xf32, #tpu.memory_space<vmem>>
    %dma_start3A_73 = tpu.memref_squeeze %dma_start3A_72 : memref<1x64x128xf32, #tpu.memory_space<vmem>> -> memref<64x128xf32, #tpu.memory_space<vmem>>
    %dma_start3A_74 = arith.constant 64 : i32
    %dma_start3A_75 = tpu.memref_slice %arg12[%dma_start3A_74] : memref<512xi32, #tpu.memory_space<vmem>> -> memref<64xi32, #tpu.memory_space<vmem>>
    %dma_start3A_76 = arith.constant 0 : i32
    %dma_start3A_77 = arith.constant 0 : i32
    %dma_start3A_78 = tpu.memref_slice %arg9[%dma_start3A_76, %dma_start3A_77] : memref<256x128xf32, #tpu.memory_space<vmem_shared>> -> memref<256x128xf32, #tpu.memory_space<vmem_shared>>
    tpu.enqueue_indirect_dma source(%dma_start3A_78 : memref<256x128xf32, #tpu.memory_space<vmem_shared>>) target(%dma_start3A_73 : memref<64x128xf32, #tpu.memory_space<vmem>>) offsets(%dma_start3A_75 : memref<64xi32, #tpu.memory_space<vmem>>) semaphore(%arg19 : memref<!tpu.dma_semaphore, #tpu.memory_space<semaphore_mem>>)
    %dma_start3A_79 = arith.constant 1 : i32
    %dma_start3A_80 = arith.constant 0 : i32
    %dma_start3A_81 = arith.constant 0 : i32
    %dma_start3A_82 = tpu.memref_slice %arg16[%dma_start3A_79, %dma_start3A_80, %dma_start3A_81] : memref<4x64x128xf32, #tpu.memory_space<vmem>> -> memref<1x64x128xf32, #tpu.memory_space<vmem>>
    %dma_start3A_83 = tpu.memref_squeeze %dma_start3A_82 : memref<1x64x128xf32, #tpu.memory_space<vmem>> -> memref<64x128xf32, #tpu.memory_space<vmem>>
    %dma_start3A_84 = arith.constant 64 : i32
    %dma_start3A_85 = tpu.memref_slice %arg13[%dma_start3A_84] : memref<512xi32, #tpu.memory_space<vmem>> -> memref<64xi32, #tpu.memory_space<vmem>>
    %dma_start3A_86 = arith.constant 0 : i32
    %dma_start3A_87 = arith.constant 0 : i32
    %dma_start3A_88 = tpu.memref_slice %arg10[%dma_start3A_86, %dma_start3A_87] : memref<256x128xf32, #tpu.memory_space<vmem_shared>> -> memref<256x128xf32, #tpu.memory_space<vmem_shared>>
    tpu.enqueue_indirect_dma source(%dma_start3A_88 : memref<256x128xf32, #tpu.memory_space<vmem_shared>>) target(%dma_start3A_83 : memref<64x128xf32, #tpu.memory_space<vmem>>) offsets(%dma_start3A_85 : memref<64xi32, #tpu.memory_space<vmem>>) semaphore(%arg19 : memref<!tpu.dma_semaphore, #tpu.memory_space<semaphore_mem>>)
    %dma_start3A_89 = arith.constant 1 : i32
    %dma_start3A_90 = arith.constant 0 : i32
    %dma_start3A_91 = arith.constant 0 : i32
    %dma_start3A_92 = tpu.memref_slice %arg17[%dma_start3A_89, %dma_start3A_90, %dma_start3A_91] : memref<4x64x128xf32, #tpu.memory_space<vmem>> -> memref<1x64x128xf32, #tpu.memory_space<vmem>>
    %dma_start3A_93 = tpu.memref_squeeze %dma_start3A_92 : memref<1x64x128xf32, #tpu.memory_space<vmem>> -> memref<64x128xf32, #tpu.memory_space<vmem>>
    %dma_start3A_94 = arith.constant 64 : i32
    %dma_start3A_95 = tpu.memref_slice %arg14[%dma_start3A_94] : memref<512xi32, #tpu.memory_space<vmem>> -> memref<64xi32, #tpu.memory_space<vmem>>
    %dma_start3A_96 = arith.constant 0 : i32
    %dma_start3A_97 = arith.constant 0 : i32
    %dma_start3A_98 = tpu.memref_slice %arg11[%dma_start3A_96, %dma_start3A_97] : memref<256x128xf32, #tpu.memory_space<vmem_shared>> -> memref<256x128xf32, #tpu.memory_space<vmem_shared>>
    tpu.enqueue_indirect_dma source(%dma_start3A_98 : memref<256x128xf32, #tpu.memory_space<vmem_shared>>) target(%dma_start3A_93 : memref<64x128xf32, #tpu.memory_space<vmem>>) offsets(%dma_start3A_95 : memref<64xi32, #tpu.memory_space<vmem>>) semaphore(%arg19 : memref<!tpu.dma_semaphore, #tpu.memory_space<semaphore_mem>>)
    %dma_start3A_99 = arith.constant 2 : i32
    %dma_start3A_100 = arith.constant 0 : i32
    %dma_start3A_101 = arith.constant 0 : i32
    %dma_start3A_102 = tpu.memref_slice %arg15[%dma_start3A_99, %dma_start3A_100, %dma_start3A_101] : memref<4x64x128xf32, #tpu.memory_space<vmem>> -> memref<1x64x128xf32, #tpu.memory_space<vmem>>
    %dma_start3A_103 = tpu.memref_squeeze %dma_start3A_102 : memref<1x64x128xf32, #tpu.memory_space<vmem>> -> memref<64x128xf32, #tpu.memory_space<vmem>>
    %dma_start3A_104 = arith.constant 128 : i32
    %dma_start3A_105 = tpu.memref_slice %arg12[%dma_start3A_104] : memref<512xi32, #tpu.memory_space<vmem>> -> memref<64xi32, #tpu.memory_space<vmem>>
    %dma_start3A_106 = arith.constant 0 : i32
    %dma_start3A_107 = arith.constant 0 : i32
    %dma_start3A_108 = tpu.memref_slice %arg9[%dma_start3A_106, %dma_start3A_107] : memref<256x128xf32, #tpu.memory_space<vmem_shared>> -> memref<256x128xf32, #tpu.memory_space<vmem_shared>>
    tpu.enqueue_indirect_dma source(%dma_start3A_108 : memref<256x128xf32, #tpu.memory_space<vmem_shared>>) target(%dma_start3A_103 : memref<64x128xf32, #tpu.memory_space<vmem>>) offsets(%dma_start3A_105 : memref<64xi32, #tpu.memory_space<vmem>>) semaphore(%arg20 : memref<!tpu.dma_semaphore, #tpu.memory_space<semaphore_mem>>)
    %dma_start3A_109 = arith.constant 2 : i32
    %dma_start3A_110 = arith.constant 0 : i32
    %dma_start3A_111 = arith.constant 0 : i32
    %dma_start3A_112 = tpu.memref_slice %arg16[%dma_start3A_109, %dma_start3A_110, %dma_start3A_111] : memref<4x64x128xf32, #tpu.memory_space<vmem>> -> memref<1x64x128xf32, #tpu.memory_space<vmem>>
    %dma_start3A_113 = tpu.memref_squeeze %dma_start3A_112 : memref<1x64x128xf32, #tpu.memory_space<vmem>> -> memref<64x128xf32, #tpu.memory_space<vmem>>
    %dma_start3A_114 = arith.constant 128 : i32
    %dma_start3A_115 = tpu.memref_slice %arg13[%dma_start3A_114] : memref<512xi32, #tpu.memory_space<vmem>> -> memref<64xi32, #tpu.memory_space<vmem>>
    %dma_start3A_116 = arith.constant 0 : i32
    %dma_start3A_117 = arith.constant 0 : i32
    %dma_start3A_118 = tpu.memref_slice %arg10[%dma_start3A_116, %dma_start3A_117] : memref<256x128xf32, #tpu.memory_space<vmem_shared>> -> memref<256x128xf32, #tpu.memory_space<vmem_shared>>
    tpu.enqueue_indirect_dma source(%dma_start3A_118 : memref<256x128xf32, #tpu.memory_space<vmem_shared>>) target(%dma_start3A_113 : memref<64x128xf32, #tpu.memory_space<vmem>>) offsets(%dma_start3A_115 : memref<64xi32, #tpu.memory_space<vmem>>) semaphore(%arg20 : memref<!tpu.dma_semaphore, #tpu.memory_space<semaphore_mem>>)
    %dma_start3A_119 = arith.constant 2 : i32
    %dma_start3A_120 = arith.constant 0 : i32
    %dma_start3A_121 = arith.constant 0 : i32
    %dma_start3A_122 = tpu.memref_slice %arg17[%dma_start3A_119, %dma_start3A_120, %dma_start3A_121] : memref<4x64x128xf32, #tpu.memory_space<vmem>> -> memref<1x64x128xf32, #tpu.memory_space<vmem>>
    %dma_start3A_123 = tpu.memref_squeeze %dma_start3A_122 : memref<1x64x128xf32, #tpu.memory_space<vmem>> -> memref<64x128xf32, #tpu.memory_space<vmem>>
    %dma_start3A_124 = arith.constant 128 : i32
    %dma_start3A_125 = tpu.memref_slice %arg14[%dma_start3A_124] : memref<512xi32, #tpu.memory_space<vmem>> -> memref<64xi32, #tpu.memory_space<vmem>>
    %dma_start3A_126 = arith.constant 0 : i32
    %dma_start3A_127 = arith.constant 0 : i32
    %dma_start3A_128 = tpu.memref_slice %arg11[%dma_start3A_126, %dma_start3A_127] : memref<256x128xf32, #tpu.memory_space<vmem_shared>> -> memref<256x128xf32, #tpu.memory_space<vmem_shared>>
    tpu.enqueue_indirect_dma source(%dma_start3A_128 : memref<256x128xf32, #tpu.memory_space<vmem_shared>>) target(%dma_start3A_123 : memref<64x128xf32, #tpu.memory_space<vmem>>) offsets(%dma_start3A_125 : memref<64xi32, #tpu.memory_space<vmem>>) semaphore(%arg20 : memref<!tpu.dma_semaphore, #tpu.memory_space<semaphore_mem>>)
    %dma_wait3A_129 = arith.constant 0 : i32
    %dma_wait3A_130 = arith.constant 0 : i32
    %dma_wait3A_131 = arith.constant 0 : i32
    %dma_wait3A_132 = tpu.memref_slice %arg15[%dma_wait3A_129, %dma_wait3A_130, %dma_wait3A_131] : memref<4x64x128xf32, #tpu.memory_space<vmem>> -> memref<1x64x128xf32, #tpu.memory_space<vmem>>
    %dma_wait3A_133 = tpu.memref_squeeze %dma_wait3A_132 : memref<1x64x128xf32, #tpu.memory_space<vmem>> -> memref<64x128xf32, #tpu.memory_space<vmem>>
    %dma_wait3A_134 = arith.constant 0 : i32
    %dma_wait3A_135 = tpu.memref_slice %arg12[%dma_wait3A_134] : memref<512xi32, #tpu.memory_space<vmem>> -> memref<64xi32, #tpu.memory_space<vmem>>
    %dma_wait3A_136 = arith.constant 0 : i32
    %dma_wait3A_137 = arith.constant 0 : i32
    %dma_wait3A_138 = tpu.memref_slice %arg9[%dma_wait3A_136, %dma_wait3A_137] : memref<256x128xf32, #tpu.memory_space<vmem_shared>> -> memref<256x128xf32, #tpu.memory_space<vmem_shared>>
    tpu.wait_indirect_dma semaphore(%arg18 : memref<!tpu.dma_semaphore, #tpu.memory_space<semaphore_mem>>) src(%dma_wait3A_138 : memref<256x128xf32, #tpu.memory_space<vmem_shared>>) dst(%dma_wait3A_133 : memref<64x128xf32, #tpu.memory_space<vmem>>)
    %dma_wait3A_139 = arith.constant 0 : i32
    %dma_wait3A_140 = arith.constant 0 : i32
    %dma_wait3A_141 = arith.constant 0 : i32
    %dma_wait3A_142 = tpu.memref_slice %arg16[%dma_wait3A_139, %dma_wait3A_140, %dma_wait3A_141] : memref<4x64x128xf32, #tpu.memory_space<vmem>> -> memref<1x64x128xf32, #tpu.memory_space<vmem>>
    %dma_wait3A_143 = tpu.memref_squeeze %dma_wait3A_142 : memref<1x64x128xf32, #tpu.memory_space<vmem>> -> memref<64x128xf32, #tpu.memory_space<vmem>>
    %dma_wait3A_144 = arith.constant 0 : i32
    %dma_wait3A_145 = tpu.memref_slice %arg13[%dma_wait3A_144] : memref<512xi32, #tpu.memory_space<vmem>> -> memref<64xi32, #tpu.memory_space<vmem>>
    %dma_wait3A_146 = arith.constant 0 : i32
    %dma_wait3A_147 = arith.constant 0 : i32
    %dma_wait3A_148 = tpu.memref_slice %arg10[%dma_wait3A_146, %dma_wait3A_147] : memref<256x128xf32, #tpu.memory_space<vmem_shared>> -> memref<256x128xf32, #tpu.memory_space<vmem_shared>>
    tpu.wait_indirect_dma semaphore(%arg18 : memref<!tpu.dma_semaphore, #tpu.memory_space<semaphore_mem>>) src(%dma_wait3A_148 : memref<256x128xf32, #tpu.memory_space<vmem_shared>>) dst(%dma_wait3A_143 : memref<64x128xf32, #tpu.memory_space<vmem>>)
    %dma_wait3A_149 = arith.constant 0 : i32
    %dma_wait3A_150 = arith.constant 0 : i32
    %dma_wait3A_151 = arith.constant 0 : i32
    %dma_wait3A_152 = tpu.memref_slice %arg17[%dma_wait3A_149, %dma_wait3A_150, %dma_wait3A_151] : memref<4x64x128xf32, #tpu.memory_space<vmem>> -> memref<1x64x128xf32, #tpu.memory_space<vmem>>
    %dma_wait3A_153 = tpu.memref_squeeze %dma_wait3A_152 : memref<1x64x128xf32, #tpu.memory_space<vmem>> -> memref<64x128xf32, #tpu.memory_space<vmem>>
    %dma_wait3A_154 = arith.constant 0 : i32
    %dma_wait3A_155 = tpu.memref_slice %arg14[%dma_wait3A_154] : memref<512xi32, #tpu.memory_space<vmem>> -> memref<64xi32, #tpu.memory_space<vmem>>
    %dma_wait3A_156 = arith.constant 0 : i32
    %dma_wait3A_157 = arith.constant 0 : i32
    %dma_wait3A_158 = tpu.memref_slice %arg11[%dma_wait3A_156, %dma_wait3A_157] : memref<256x128xf32, #tpu.memory_space<vmem_shared>> -> memref<256x128xf32, #tpu.memory_space<vmem_shared>>
    tpu.wait_indirect_dma semaphore(%arg18 : memref<!tpu.dma_semaphore, #tpu.memory_space<semaphore_mem>>) src(%dma_wait3A_158 : memref<256x128xf32, #tpu.memory_space<vmem_shared>>) dst(%dma_wait3A_153 : memref<64x128xf32, #tpu.memory_space<vmem>>)
    %add3A_159 = arith.constant 0 : i32
    %add3A_160 = arith.addi %mul3A_2, %add3A_159 : i32
    %dma_start3A_161 = arith.constant 0 : i32
    %dma_start3A_162 = arith.constant 0 : i32
    %dma_start3A_163 = arith.constant 0 : i32
    %dma_start3A_164 = tpu.memref_slice %arg15[%dma_start3A_161, %dma_start3A_162, %dma_start3A_163] : memref<4x64x128xf32, #tpu.memory_space<vmem>> -> memref<1x64x128xf32, #tpu.memory_space<vmem>>
    %dma_start3A_165 = tpu.memref_squeeze %dma_start3A_164 : memref<1x64x128xf32, #tpu.memory_space<vmem>> -> memref<64x128xf32, #tpu.memory_space<vmem>>
    %dma_start3A_166 = arith.constant 0 : i32
    %dma_start3A_167 = tpu.memref_slice %arg8[%add3A_160, %dma_start3A_166] : memref<16384x384xf32, #tpu.memory_space<hbm>> -> memref<64x128xf32, #tpu.memory_space<hbm>>
    %dma_start3A_168 = arith.constant 0 : i32
    %dma_start3A_169 = tpu.memref_slice %arg8[%add3A_160, %dma_start3A_168] : memref<16384x384xf32, #tpu.memory_space<hbm>> -> memref<64x128xf32, #tpu.memory_space<hbm>>
    %dma_start3A_170 = arith.constant 0 : i32
    %dma_start3A_171 = arith.constant 0 : i32
    %dma_start3A_172 = tpu.memref_slice %arg15[%dma_start3A_161, %dma_start3A_170, %dma_start3A_171] : memref<4x64x128xf32, #tpu.memory_space<vmem>> -> memref<1x64x128xf32, #tpu.memory_space<vmem>>
    %dma_start3A_173 = tpu.memref_squeeze %dma_start3A_172 : memref<1x64x128xf32, #tpu.memory_space<vmem>> -> memref<64x128xf32, #tpu.memory_space<vmem>>
    tpu.enqueue_dma source(%dma_start3A_173 : memref<64x128xf32, #tpu.memory_space<vmem>>) target(%dma_start3A_169 : memref<64x128xf32, #tpu.memory_space<hbm>>) target_semaphore(%arg22 : memref<!tpu.dma_semaphore, #tpu.memory_space<semaphore_mem>>)
    %dma_start3A_174 = arith.constant 0 : i32
    %dma_start3A_175 = arith.constant 0 : i32
    %dma_start3A_176 = arith.constant 0 : i32
    %dma_start3A_177 = tpu.memref_slice %arg16[%dma_start3A_174, %dma_start3A_175, %dma_start3A_176] : memref<4x64x128xf32, #tpu.memory_space<vmem>> -> memref<1x64x128xf32, #tpu.memory_space<vmem>>
    %dma_start3A_178 = tpu.memref_squeeze %dma_start3A_177 : memref<1x64x128xf32, #tpu.memory_space<vmem>> -> memref<64x128xf32, #tpu.memory_space<vmem>>
    %dma_start3A_179 = arith.constant 128 : i32
    %dma_start3A_180 = tpu.memref_slice %arg8[%add3A_160, %dma_start3A_179] : memref<16384x384xf32, #tpu.memory_space<hbm>> -> memref<64x128xf32, #tpu.memory_space<hbm>>
    %dma_start3A_181 = arith.constant 128 : i32
    %dma_start3A_182 = tpu.memref_slice %arg8[%add3A_160, %dma_start3A_181] : memref<16384x384xf32, #tpu.memory_space<hbm>> -> memref<64x128xf32, #tpu.memory_space<hbm>>
    %dma_start3A_183 = arith.constant 0 : i32
    %dma_start3A_184 = arith.constant 0 : i32
    %dma_start3A_185 = tpu.memref_slice %arg16[%dma_start3A_174, %dma_start3A_183, %dma_start3A_184] : memref<4x64x128xf32, #tpu.memory_space<vmem>> -> memref<1x64x128xf32, #tpu.memory_space<vmem>>
    %dma_start3A_186 = tpu.memref_squeeze %dma_start3A_185 : memref<1x64x128xf32, #tpu.memory_space<vmem>> -> memref<64x128xf32, #tpu.memory_space<vmem>>
    tpu.enqueue_dma source(%dma_start3A_186 : memref<64x128xf32, #tpu.memory_space<vmem>>) target(%dma_start3A_182 : memref<64x128xf32, #tpu.memory_space<hbm>>) target_semaphore(%arg22 : memref<!tpu.dma_semaphore, #tpu.memory_space<semaphore_mem>>)
    %dma_start3A_187 = arith.constant 0 : i32
    %dma_start3A_188 = arith.constant 0 : i32
    %dma_start3A_189 = arith.constant 0 : i32
    %dma_start3A_190 = tpu.memref_slice %arg17[%dma_start3A_187, %dma_start3A_188, %dma_start3A_189] : memref<4x64x128xf32, #tpu.memory_space<vmem>> -> memref<1x64x128xf32, #tpu.memory_space<vmem>>
    %dma_start3A_191 = tpu.memref_squeeze %dma_start3A_190 : memref<1x64x128xf32, #tpu.memory_space<vmem>> -> memref<64x128xf32, #tpu.memory_space<vmem>>
    %dma_start3A_192 = arith.constant 256 : i32
    %dma_start3A_193 = tpu.memref_slice %arg8[%add3A_160, %dma_start3A_192] : memref<16384x384xf32, #tpu.memory_space<hbm>> -> memref<64x128xf32, #tpu.memory_space<hbm>>
    %dma_start3A_194 = arith.constant 256 : i32
    %dma_start3A_195 = tpu.memref_slice %arg8[%add3A_160, %dma_start3A_194] : memref<16384x384xf32, #tpu.memory_space<hbm>> -> memref<64x128xf32, #tpu.memory_space<hbm>>
    %dma_start3A_196 = arith.constant 0 : i32
    %dma_start3A_197 = arith.constant 0 : i32
    %dma_start3A_198 = tpu.memref_slice %arg17[%dma_start3A_187, %dma_start3A_196, %dma_start3A_197] : memref<4x64x128xf32, #tpu.memory_space<vmem>> -> memref<1x64x128xf32, #tpu.memory_space<vmem>>
    %dma_start3A_199 = tpu.memref_squeeze %dma_start3A_198 : memref<1x64x128xf32, #tpu.memory_space<vmem>> -> memref<64x128xf32, #tpu.memory_space<vmem>>
    tpu.enqueue_dma source(%dma_start3A_199 : memref<64x128xf32, #tpu.memory_space<vmem>>) target(%dma_start3A_195 : memref<64x128xf32, #tpu.memory_space<hbm>>) target_semaphore(%arg22 : memref<!tpu.dma_semaphore, #tpu.memory_space<semaphore_mem>>)
    %dma_start3A_200 = arith.constant 3 : i32
    %dma_start3A_201 = arith.constant 0 : i32
    %dma_start3A_202 = arith.constant 0 : i32
    %dma_start3A_203 = tpu.memref_slice %arg15[%dma_start3A_200, %dma_start3A_201, %dma_start3A_202] : memref<4x64x128xf32, #tpu.memory_space<vmem>> -> memref<1x64x128xf32, #tpu.memory_space<vmem>>
    %dma_start3A_204 = tpu.memref_squeeze %dma_start3A_203 : memref<1x64x128xf32, #tpu.memory_space<vmem>> -> memref<64x128xf32, #tpu.memory_space<vmem>>
    %dma_start3A_205 = arith.constant 192 : i32
    %dma_start3A_206 = tpu.memref_slice %arg12[%dma_start3A_205] : memref<512xi32, #tpu.memory_space<vmem>> -> memref<64xi32, #tpu.memory_space<vmem>>
    %dma_start3A_207 = arith.constant 0 : i32
    %dma_start3A_208 = arith.constant 0 : i32
    %dma_start3A_209 = tpu.memref_slice %arg9[%dma_start3A_207, %dma_start3A_208] : memref<256x128xf32, #tpu.memory_space<vmem_shared>> -> memref<256x128xf32, #tpu.memory_space<vmem_shared>>
    tpu.enqueue_indirect_dma source(%dma_start3A_209 : memref<256x128xf32, #tpu.memory_space<vmem_shared>>) target(%dma_start3A_204 : memref<64x128xf32, #tpu.memory_space<vmem>>) offsets(%dma_start3A_206 : memref<64xi32, #tpu.memory_space<vmem>>) semaphore(%arg21 : memref<!tpu.dma_semaphore, #tpu.memory_space<semaphore_mem>>)
    %dma_start3A_210 = arith.constant 3 : i32
    %dma_start3A_211 = arith.constant 0 : i32
    %dma_start3A_212 = arith.constant 0 : i32
    %dma_start3A_213 = tpu.memref_slice %arg16[%dma_start3A_210, %dma_start3A_211, %dma_start3A_212] : memref<4x64x128xf32, #tpu.memory_space<vmem>> -> memref<1x64x128xf32, #tpu.memory_space<vmem>>
    %dma_start3A_214 = tpu.memref_squeeze %dma_start3A_213 : memref<1x64x128xf32, #tpu.memory_space<vmem>> -> memref<64x128xf32, #tpu.memory_space<vmem>>
    %dma_start3A_215 = arith.constant 192 : i32
    %dma_start3A_216 = tpu.memref_slice %arg13[%dma_start3A_215] : memref<512xi32, #tpu.memory_space<vmem>> -> memref<64xi32, #tpu.memory_space<vmem>>
    %dma_start3A_217 = arith.constant 0 : i32
    %dma_start3A_218 = arith.constant 0 : i32
    %dma_start3A_219 = tpu.memref_slice %arg10[%dma_start3A_217, %dma_start3A_218] : memref<256x128xf32, #tpu.memory_space<vmem_shared>> -> memref<256x128xf32, #tpu.memory_space<vmem_shared>>
    tpu.enqueue_indirect_dma source(%dma_start3A_219 : memref<256x128xf32, #tpu.memory_space<vmem_shared>>) target(%dma_start3A_214 : memref<64x128xf32, #tpu.memory_space<vmem>>) offsets(%dma_start3A_216 : memref<64xi32, #tpu.memory_space<vmem>>) semaphore(%arg21 : memref<!tpu.dma_semaphore, #tpu.memory_space<semaphore_mem>>)
    %dma_start3A_220 = arith.constant 3 : i32
    %dma_start3A_221 = arith.constant 0 : i32
    %dma_start3A_222 = arith.constant 0 : i32
    %dma_start3A_223 = tpu.memref_slice %arg17[%dma_start3A_220, %dma_start3A_221, %dma_start3A_222] : memref<4x64x128xf32, #tpu.memory_space<vmem>> -> memref<1x64x128xf32, #tpu.memory_space<vmem>>
    %dma_start3A_224 = tpu.memref_squeeze %dma_start3A_223 : memref<1x64x128xf32, #tpu.memory_space<vmem>> -> memref<64x128xf32, #tpu.memory_space<vmem>>
    %dma_start3A_225 = arith.constant 192 : i32
    %dma_start3A_226 = tpu.memref_slice %arg14[%dma_start3A_225] : memref<512xi32, #tpu.memory_space<vmem>> -> memref<64xi32, #tpu.memory_space<vmem>>
    %dma_start3A_227 = arith.constant 0 : i32
    %dma_start3A_228 = arith.constant 0 : i32
    %dma_start3A_229 = tpu.memref_slice %arg11[%dma_start3A_227, %dma_start3A_228] : memref<256x128xf32, #tpu.memory_space<vmem_shared>> -> memref<256x128xf32, #tpu.memory_space<vmem_shared>>
    tpu.enqueue_indirect_dma source(%dma_start3A_229 : memref<256x128xf32, #tpu.memory_space<vmem_shared>>) target(%dma_start3A_224 : memref<64x128xf32, #tpu.memory_space<vmem>>) offsets(%dma_start3A_226 : memref<64xi32, #tpu.memory_space<vmem>>) semaphore(%arg21 : memref<!tpu.dma_semaphore, #tpu.memory_space<semaphore_mem>>)
    %dma_wait3A_230 = arith.constant 1 : i32
    %dma_wait3A_231 = arith.constant 0 : i32
    %dma_wait3A_232 = arith.constant 0 : i32
    %dma_wait3A_233 = tpu.memref_slice %arg15[%dma_wait3A_230, %dma_wait3A_231, %dma_wait3A_232] : memref<4x64x128xf32, #tpu.memory_space<vmem>> -> memref<1x64x128xf32, #tpu.memory_space<vmem>>
    %dma_wait3A_234 = tpu.memref_squeeze %dma_wait3A_233 : memref<1x64x128xf32, #tpu.memory_space<vmem>> -> memref<64x128xf32, #tpu.memory_space<vmem>>
    %dma_wait3A_235 = arith.constant 64 : i32
    %dma_wait3A_236 = tpu.memref_slice %arg12[%dma_wait3A_235] : memref<512xi32, #tpu.memory_space<vmem>> -> memref<64xi32, #tpu.memory_space<vmem>>
    %dma_wait3A_237 = arith.constant 0 : i32
    %dma_wait3A_238 = arith.constant 0 : i32
    %dma_wait3A_239 = tpu.memref_slice %arg9[%dma_wait3A_237, %dma_wait3A_238] : memref<256x128xf32, #tpu.memory_space<vmem_shared>> -> memref<256x128xf32, #tpu.memory_space<vmem_shared>>
    tpu.wait_indirect_dma semaphore(%arg19 : memref<!tpu.dma_semaphore, #tpu.memory_space<semaphore_mem>>) src(%dma_wait3A_239 : memref<256x128xf32, #tpu.memory_space<vmem_shared>>) dst(%dma_wait3A_234 : memref<64x128xf32, #tpu.memory_space<vmem>>)
    %dma_wait3A_240 = arith.constant 1 : i32
    %dma_wait3A_241 = arith.constant 0 : i32
    %dma_wait3A_242 = arith.constant 0 : i32
    %dma_wait3A_243 = tpu.memref_slice %arg16[%dma_wait3A_240, %dma_wait3A_241, %dma_wait3A_242] : memref<4x64x128xf32, #tpu.memory_space<vmem>> -> memref<1x64x128xf32, #tpu.memory_space<vmem>>
    %dma_wait3A_244 = tpu.memref_squeeze %dma_wait3A_243 : memref<1x64x128xf32, #tpu.memory_space<vmem>> -> memref<64x128xf32, #tpu.memory_space<vmem>>
    %dma_wait3A_245 = arith.constant 64 : i32
    %dma_wait3A_246 = tpu.memref_slice %arg13[%dma_wait3A_245] : memref<512xi32, #tpu.memory_space<vmem>> -> memref<64xi32, #tpu.memory_space<vmem>>
    %dma_wait3A_247 = arith.constant 0 : i32
    %dma_wait3A_248 = arith.constant 0 : i32
    %dma_wait3A_249 = tpu.memref_slice %arg10[%dma_wait3A_247, %dma_wait3A_248] : memref<256x128xf32, #tpu.memory_space<vmem_shared>> -> memref<256x128xf32, #tpu.memory_space<vmem_shared>>
    tpu.wait_indirect_dma semaphore(%arg19 : memref<!tpu.dma_semaphore, #tpu.memory_space<semaphore_mem>>) src(%dma_wait3A_249 : memref<256x128xf32, #tpu.memory_space<vmem_shared>>) dst(%dma_wait3A_244 : memref<64x128xf32, #tpu.memory_space<vmem>>)
    %dma_wait3A_250 = arith.constant 1 : i32
    %dma_wait3A_251 = arith.constant 0 : i32
    %dma_wait3A_252 = arith.constant 0 : i32
    %dma_wait3A_253 = tpu.memref_slice %arg17[%dma_wait3A_250, %dma_wait3A_251, %dma_wait3A_252] : memref<4x64x128xf32, #tpu.memory_space<vmem>> -> memref<1x64x128xf32, #tpu.memory_space<vmem>>
    %dma_wait3A_254 = tpu.memref_squeeze %dma_wait3A_253 : memref<1x64x128xf32, #tpu.memory_space<vmem>> -> memref<64x128xf32, #tpu.memory_space<vmem>>
    %dma_wait3A_255 = arith.constant 64 : i32
    %dma_wait3A_256 = tpu.memref_slice %arg14[%dma_wait3A_255] : memref<512xi32, #tpu.memory_space<vmem>> -> memref<64xi32, #tpu.memory_space<vmem>>
    %dma_wait3A_257 = arith.constant 0 : i32
    %dma_wait3A_258 = arith.constant 0 : i32
    %dma_wait3A_259 = tpu.memref_slice %arg11[%dma_wait3A_257, %dma_wait3A_258] : memref<256x128xf32, #tpu.memory_space<vmem_shared>> -> memref<256x128xf32, #tpu.memory_space<vmem_shared>>
    tpu.wait_indirect_dma semaphore(%arg19 : memref<!tpu.dma_semaphore, #tpu.memory_space<semaphore_mem>>) src(%dma_wait3A_259 : memref<256x128xf32, #tpu.memory_space<vmem_shared>>) dst(%dma_wait3A_254 : memref<64x128xf32, #tpu.memory_space<vmem>>)
    %add3A_260 = arith.constant 64 : i32
    %add3A_261 = arith.addi %mul3A_2, %add3A_260 : i32
    %dma_start3A_262 = arith.constant 1 : i32
    %dma_start3A_263 = arith.constant 0 : i32
    %dma_start3A_264 = arith.constant 0 : i32
    %dma_start3A_265 = tpu.memref_slice %arg15[%dma_start3A_262, %dma_start3A_263, %dma_start3A_264] : memref<4x64x128xf32, #tpu.memory_space<vmem>> -> memref<1x64x128xf32, #tpu.memory_space<vmem>>
    %dma_start3A_266 = tpu.memref_squeeze %dma_start3A_265 : memref<1x64x128xf32, #tpu.memory_space<vmem>> -> memref<64x128xf32, #tpu.memory_space<vmem>>
    %dma_start3A_267 = arith.constant 0 : i32
    %dma_start3A_268 = tpu.memref_slice %arg8[%add3A_261, %dma_start3A_267] : memref<16384x384xf32, #tpu.memory_space<hbm>> -> memref<64x128xf32, #tpu.memory_space<hbm>>
    %dma_start3A_269 = arith.constant 0 : i32
    %dma_start3A_270 = tpu.memref_slice %arg8[%add3A_261, %dma_start3A_269] : memref<16384x384xf32, #tpu.memory_space<hbm>> -> memref<64x128xf32, #tpu.memory_space<hbm>>
    %dma_start3A_271 = arith.constant 0 : i32
    %dma_start3A_272 = arith.constant 0 : i32
    %dma_start3A_273 = tpu.memref_slice %arg15[%dma_start3A_262, %dma_start3A_271, %dma_start3A_272] : memref<4x64x128xf32, #tpu.memory_space<vmem>> -> memref<1x64x128xf32, #tpu.memory_space<vmem>>
    %dma_start3A_274 = tpu.memref_squeeze %dma_start3A_273 : memref<1x64x128xf32, #tpu.memory_space<vmem>> -> memref<64x128xf32, #tpu.memory_space<vmem>>
    tpu.enqueue_dma source(%dma_start3A_274 : memref<64x128xf32, #tpu.memory_space<vmem>>) target(%dma_start3A_270 : memref<64x128xf32, #tpu.memory_space<hbm>>) target_semaphore(%arg23 : memref<!tpu.dma_semaphore, #tpu.memory_space<semaphore_mem>>)
    %dma_start3A_275 = arith.constant 1 : i32
    %dma_start3A_276 = arith.constant 0 : i32
    %dma_start3A_277 = arith.constant 0 : i32
    %dma_start3A_278 = tpu.memref_slice %arg16[%dma_start3A_275, %dma_start3A_276, %dma_start3A_277] : memref<4x64x128xf32, #tpu.memory_space<vmem>> -> memref<1x64x128xf32, #tpu.memory_space<vmem>>
    %dma_start3A_279 = tpu.memref_squeeze %dma_start3A_278 : memref<1x64x128xf32, #tpu.memory_space<vmem>> -> memref<64x128xf32, #tpu.memory_space<vmem>>
    %dma_start3A_280 = arith.constant 128 : i32
    %dma_start3A_281 = tpu.memref_slice %arg8[%add3A_261, %dma_start3A_280] : memref<16384x384xf32, #tpu.memory_space<hbm>> -> memref<64x128xf32, #tpu.memory_space<hbm>>
    %dma_start3A_282 = arith.constant 128 : i32
    %dma_start3A_283 = tpu.memref_slice %arg8[%add3A_261, %dma_start3A_282] : memref<16384x384xf32, #tpu.memory_space<hbm>> -> memref<64x128xf32, #tpu.memory_space<hbm>>
    %dma_start3A_284 = arith.constant 0 : i32
    %dma_start3A_285 = arith.constant 0 : i32
    %dma_start3A_286 = tpu.memref_slice %arg16[%dma_start3A_275, %dma_start3A_284, %dma_start3A_285] : memref<4x64x128xf32, #tpu.memory_space<vmem>> -> memref<1x64x128xf32, #tpu.memory_space<vmem>>
    %dma_start3A_287 = tpu.memref_squeeze %dma_start3A_286 : memref<1x64x128xf32, #tpu.memory_space<vmem>> -> memref<64x128xf32, #tpu.memory_space<vmem>>
    tpu.enqueue_dma source(%dma_start3A_287 : memref<64x128xf32, #tpu.memory_space<vmem>>) target(%dma_start3A_283 : memref<64x128xf32, #tpu.memory_space<hbm>>) target_semaphore(%arg23 : memref<!tpu.dma_semaphore, #tpu.memory_space<semaphore_mem>>)
    %dma_start3A_288 = arith.constant 1 : i32
    %dma_start3A_289 = arith.constant 0 : i32
    %dma_start3A_290 = arith.constant 0 : i32
    %dma_start3A_291 = tpu.memref_slice %arg17[%dma_start3A_288, %dma_start3A_289, %dma_start3A_290] : memref<4x64x128xf32, #tpu.memory_space<vmem>> -> memref<1x64x128xf32, #tpu.memory_space<vmem>>
    %dma_start3A_292 = tpu.memref_squeeze %dma_start3A_291 : memref<1x64x128xf32, #tpu.memory_space<vmem>> -> memref<64x128xf32, #tpu.memory_space<vmem>>
    %dma_start3A_293 = arith.constant 256 : i32
    %dma_start3A_294 = tpu.memref_slice %arg8[%add3A_261, %dma_start3A_293] : memref<16384x384xf32, #tpu.memory_space<hbm>> -> memref<64x128xf32, #tpu.memory_space<hbm>>
    %dma_start3A_295 = arith.constant 256 : i32
    %dma_start3A_296 = tpu.memref_slice %arg8[%add3A_261, %dma_start3A_295] : memref<16384x384xf32, #tpu.memory_space<hbm>> -> memref<64x128xf32, #tpu.memory_space<hbm>>
    %dma_start3A_297 = arith.constant 0 : i32
    %dma_start3A_298 = arith.constant 0 : i32
    %dma_start3A_299 = tpu.memref_slice %arg17[%dma_start3A_288, %dma_start3A_297, %dma_start3A_298] : memref<4x64x128xf32, #tpu.memory_space<vmem>> -> memref<1x64x128xf32, #tpu.memory_space<vmem>>
    %dma_start3A_300 = tpu.memref_squeeze %dma_start3A_299 : memref<1x64x128xf32, #tpu.memory_space<vmem>> -> memref<64x128xf32, #tpu.memory_space<vmem>>
    tpu.enqueue_dma source(%dma_start3A_300 : memref<64x128xf32, #tpu.memory_space<vmem>>) target(%dma_start3A_296 : memref<64x128xf32, #tpu.memory_space<hbm>>) target_semaphore(%arg23 : memref<!tpu.dma_semaphore, #tpu.memory_space<semaphore_mem>>)
    %dma_wait3A_301 = arith.constant 0 : i32
    %dma_wait3A_302 = arith.constant 0 : i32
    %dma_wait3A_303 = arith.constant 0 : i32
    %dma_wait3A_304 = tpu.memref_slice %arg15[%dma_wait3A_301, %dma_wait3A_302, %dma_wait3A_303] : memref<4x64x128xf32, #tpu.memory_space<vmem>> -> memref<1x64x128xf32, #tpu.memory_space<vmem>>
    %dma_wait3A_305 = tpu.memref_squeeze %dma_wait3A_304 : memref<1x64x128xf32, #tpu.memory_space<vmem>> -> memref<64x128xf32, #tpu.memory_space<vmem>>
    %dma_wait3A_306 = arith.constant 0 : i32
    %dma_wait3A_307 = tpu.memref_slice %arg8[%add3A_160, %dma_wait3A_306] : memref<16384x384xf32, #tpu.memory_space<hbm>> -> memref<64x128xf32, #tpu.memory_space<hbm>>
    %dma_wait3A_308 = arith.constant 0 : i32
    %dma_wait3A_309 = tpu.memref_slice %arg8[%add3A_160, %dma_wait3A_308] : memref<16384x384xf32, #tpu.memory_space<hbm>> -> memref<64x128xf32, #tpu.memory_space<hbm>>
    %dma_wait3A_310 = arith.constant 0 : i32
    %dma_wait3A_311 = arith.constant 0 : i32
    %dma_wait3A_312 = tpu.memref_slice %arg15[%dma_wait3A_301, %dma_wait3A_310, %dma_wait3A_311] : memref<4x64x128xf32, #tpu.memory_space<vmem>> -> memref<1x64x128xf32, #tpu.memory_space<vmem>>
    %dma_wait3A_313 = tpu.memref_squeeze %dma_wait3A_312 : memref<1x64x128xf32, #tpu.memory_space<vmem>> -> memref<64x128xf32, #tpu.memory_space<vmem>>
    tpu.wait_dma2 semaphore(%arg22 : memref<!tpu.dma_semaphore, #tpu.memory_space<semaphore_mem>>) src(%dma_wait3A_313 : memref<64x128xf32, #tpu.memory_space<vmem>>) dst(%dma_wait3A_309 : memref<64x128xf32, #tpu.memory_space<hbm>>)
    %dma_wait3A_314 = arith.constant 0 : i32
    %dma_wait3A_315 = arith.constant 0 : i32
    %dma_wait3A_316 = arith.constant 0 : i32
    %dma_wait3A_317 = tpu.memref_slice %arg16[%dma_wait3A_314, %dma_wait3A_315, %dma_wait3A_316] : memref<4x64x128xf32, #tpu.memory_space<vmem>> -> memref<1x64x128xf32, #tpu.memory_space<vmem>>
    %dma_wait3A_318 = tpu.memref_squeeze %dma_wait3A_317 : memref<1x64x128xf32, #tpu.memory_space<vmem>> -> memref<64x128xf32, #tpu.memory_space<vmem>>
    %dma_wait3A_319 = arith.constant 128 : i32
    %dma_wait3A_320 = tpu.memref_slice %arg8[%add3A_160, %dma_wait3A_319] : memref<16384x384xf32, #tpu.memory_space<hbm>> -> memref<64x128xf32, #tpu.memory_space<hbm>>
    %dma_wait3A_321 = arith.constant 128 : i32
    %dma_wait3A_322 = tpu.memref_slice %arg8[%add3A_160, %dma_wait3A_321] : memref<16384x384xf32, #tpu.memory_space<hbm>> -> memref<64x128xf32, #tpu.memory_space<hbm>>
    %dma_wait3A_323 = arith.constant 0 : i32
    %dma_wait3A_324 = arith.constant 0 : i32
    %dma_wait3A_325 = tpu.memref_slice %arg16[%dma_wait3A_314, %dma_wait3A_323, %dma_wait3A_324] : memref<4x64x128xf32, #tpu.memory_space<vmem>> -> memref<1x64x128xf32, #tpu.memory_space<vmem>>
    %dma_wait3A_326 = tpu.memref_squeeze %dma_wait3A_325 : memref<1x64x128xf32, #tpu.memory_space<vmem>> -> memref<64x128xf32, #tpu.memory_space<vmem>>
    tpu.wait_dma2 semaphore(%arg22 : memref<!tpu.dma_semaphore, #tpu.memory_space<semaphore_mem>>) src(%dma_wait3A_326 : memref<64x128xf32, #tpu.memory_space<vmem>>) dst(%dma_wait3A_322 : memref<64x128xf32, #tpu.memory_space<hbm>>)
    %dma_wait3A_327 = arith.constant 0 : i32
    %dma_wait3A_328 = arith.constant 0 : i32
    %dma_wait3A_329 = arith.constant 0 : i32
    %dma_wait3A_330 = tpu.memref_slice %arg17[%dma_wait3A_327, %dma_wait3A_328, %dma_wait3A_329] : memref<4x64x128xf32, #tpu.memory_space<vmem>> -> memref<1x64x128xf32, #tpu.memory_space<vmem>>
    %dma_wait3A_331 = tpu.memref_squeeze %dma_wait3A_330 : memref<1x64x128xf32, #tpu.memory_space<vmem>> -> memref<64x128xf32, #tpu.memory_space<vmem>>
    %dma_wait3A_332 = arith.constant 256 : i32
    %dma_wait3A_333 = tpu.memref_slice %arg8[%add3A_160, %dma_wait3A_332] : memref<16384x384xf32, #tpu.memory_space<hbm>> -> memref<64x128xf32, #tpu.memory_space<hbm>>
    %dma_wait3A_334 = arith.constant 256 : i32
    %dma_wait3A_335 = tpu.memref_slice %arg8[%add3A_160, %dma_wait3A_334] : memref<16384x384xf32, #tpu.memory_space<hbm>> -> memref<64x128xf32, #tpu.memory_space<hbm>>
    %dma_wait3A_336 = arith.constant 0 : i32
    %dma_wait3A_337 = arith.constant 0 : i32
    %dma_wait3A_338 = tpu.memref_slice %arg17[%dma_wait3A_327, %dma_wait3A_336, %dma_wait3A_337] : memref<4x64x128xf32, #tpu.memory_space<vmem>> -> memref<1x64x128xf32, #tpu.memory_space<vmem>>
    %dma_wait3A_339 = tpu.memref_squeeze %dma_wait3A_338 : memref<1x64x128xf32, #tpu.memory_space<vmem>> -> memref<64x128xf32, #tpu.memory_space<vmem>>
    tpu.wait_dma2 semaphore(%arg22 : memref<!tpu.dma_semaphore, #tpu.memory_space<semaphore_mem>>) src(%dma_wait3A_339 : memref<64x128xf32, #tpu.memory_space<vmem>>) dst(%dma_wait3A_335 : memref<64x128xf32, #tpu.memory_space<hbm>>)
    %dma_start3A_340 = arith.constant 0 : i32
    %dma_start3A_341 = arith.constant 0 : i32
    %dma_start3A_342 = arith.constant 0 : i32
    %dma_start3A_343 = tpu.memref_slice %arg15[%dma_start3A_340, %dma_start3A_341, %dma_start3A_342] : memref<4x64x128xf32, #tpu.memory_space<vmem>> -> memref<1x64x128xf32, #tpu.memory_space<vmem>>
    %dma_start3A_344 = tpu.memref_squeeze %dma_start3A_343 : memref<1x64x128xf32, #tpu.memory_space<vmem>> -> memref<64x128xf32, #tpu.memory_space<vmem>>
    %dma_start3A_345 = arith.constant 256 : i32
    %dma_start3A_346 = tpu.memref_slice %arg12[%dma_start3A_345] : memref<512xi32, #tpu.memory_space<vmem>> -> memref<64xi32, #tpu.memory_space<vmem>>
    %dma_start3A_347 = arith.constant 0 : i32
    %dma_start3A_348 = arith.constant 0 : i32
    %dma_start3A_349 = tpu.memref_slice %arg9[%dma_start3A_347, %dma_start3A_348] : memref<256x128xf32, #tpu.memory_space<vmem_shared>> -> memref<256x128xf32, #tpu.memory_space<vmem_shared>>
    tpu.enqueue_indirect_dma source(%dma_start3A_349 : memref<256x128xf32, #tpu.memory_space<vmem_shared>>) target(%dma_start3A_344 : memref<64x128xf32, #tpu.memory_space<vmem>>) offsets(%dma_start3A_346 : memref<64xi32, #tpu.memory_space<vmem>>) semaphore(%arg18 : memref<!tpu.dma_semaphore, #tpu.memory_space<semaphore_mem>>)
    %dma_start3A_350 = arith.constant 0 : i32
    %dma_start3A_351 = arith.constant 0 : i32
    %dma_start3A_352 = arith.constant 0 : i32
    %dma_start3A_353 = tpu.memref_slice %arg16[%dma_start3A_350, %dma_start3A_351, %dma_start3A_352] : memref<4x64x128xf32, #tpu.memory_space<vmem>> -> memref<1x64x128xf32, #tpu.memory_space<vmem>>
    %dma_start3A_354 = tpu.memref_squeeze %dma_start3A_353 : memref<1x64x128xf32, #tpu.memory_space<vmem>> -> memref<64x128xf32, #tpu.memory_space<vmem>>
    %dma_start3A_355 = arith.constant 256 : i32
    %dma_start3A_356 = tpu.memref_slice %arg13[%dma_start3A_355] : memref<512xi32, #tpu.memory_space<vmem>> -> memref<64xi32, #tpu.memory_space<vmem>>
    %dma_start3A_357 = arith.constant 0 : i32
    %dma_start3A_358 = arith.constant 0 : i32
    %dma_start3A_359 = tpu.memref_slice %arg10[%dma_start3A_357, %dma_start3A_358] : memref<256x128xf32, #tpu.memory_space<vmem_shared>> -> memref<256x128xf32, #tpu.memory_space<vmem_shared>>
    tpu.enqueue_indirect_dma source(%dma_start3A_359 : memref<256x128xf32, #tpu.memory_space<vmem_shared>>) target(%dma_start3A_354 : memref<64x128xf32, #tpu.memory_space<vmem>>) offsets(%dma_start3A_356 : memref<64xi32, #tpu.memory_space<vmem>>) semaphore(%arg18 : memref<!tpu.dma_semaphore, #tpu.memory_space<semaphore_mem>>)
    %dma_start3A_360 = arith.constant 0 : i32
    %dma_start3A_361 = arith.constant 0 : i32
    %dma_start3A_362 = arith.constant 0 : i32
    %dma_start3A_363 = tpu.memref_slice %arg17[%dma_start3A_360, %dma_start3A_361, %dma_start3A_362] : memref<4x64x128xf32, #tpu.memory_space<vmem>> -> memref<1x64x128xf32, #tpu.memory_space<vmem>>
    %dma_start3A_364 = tpu.memref_squeeze %dma_start3A_363 : memref<1x64x128xf32, #tpu.memory_space<vmem>> -> memref<64x128xf32, #tpu.memory_space<vmem>>
    %dma_start3A_365 = arith.constant 256 : i32
    %dma_start3A_366 = tpu.memref_slice %arg14[%dma_start3A_365] : memref<512xi32, #tpu.memory_space<vmem>> -> memref<64xi32, #tpu.memory_space<vmem>>
    %dma_start3A_367 = arith.constant 0 : i32
    %dma_start3A_368 = arith.constant 0 : i32
    %dma_start3A_369 = tpu.memref_slice %arg11[%dma_start3A_367, %dma_start3A_368] : memref<256x128xf32, #tpu.memory_space<vmem_shared>> -> memref<256x128xf32, #tpu.memory_space<vmem_shared>>
    tpu.enqueue_indirect_dma source(%dma_start3A_369 : memref<256x128xf32, #tpu.memory_space<vmem_shared>>) target(%dma_start3A_364 : memref<64x128xf32, #tpu.memory_space<vmem>>) offsets(%dma_start3A_366 : memref<64xi32, #tpu.memory_space<vmem>>) semaphore(%arg18 : memref<!tpu.dma_semaphore, #tpu.memory_space<semaphore_mem>>)
    %dma_wait3A_370 = arith.constant 2 : i32
    %dma_wait3A_371 = arith.constant 0 : i32
    %dma_wait3A_372 = arith.constant 0 : i32
    %dma_wait3A_373 = tpu.memref_slice %arg15[%dma_wait3A_370, %dma_wait3A_371, %dma_wait3A_372] : memref<4x64x128xf32, #tpu.memory_space<vmem>> -> memref<1x64x128xf32, #tpu.memory_space<vmem>>
    %dma_wait3A_374 = tpu.memref_squeeze %dma_wait3A_373 : memref<1x64x128xf32, #tpu.memory_space<vmem>> -> memref<64x128xf32, #tpu.memory_space<vmem>>
    %dma_wait3A_375 = arith.constant 128 : i32
    %dma_wait3A_376 = tpu.memref_slice %arg12[%dma_wait3A_375] : memref<512xi32, #tpu.memory_space<vmem>> -> memref<64xi32, #tpu.memory_space<vmem>>
    %dma_wait3A_377 = arith.constant 0 : i32
    %dma_wait3A_378 = arith.constant 0 : i32
    %dma_wait3A_379 = tpu.memref_slice %arg9[%dma_wait3A_377, %dma_wait3A_378] : memref<256x128xf32, #tpu.memory_space<vmem_shared>> -> memref<256x128xf32, #tpu.memory_space<vmem_shared>>
    tpu.wait_indirect_dma semaphore(%arg20 : memref<!tpu.dma_semaphore, #tpu.memory_space<semaphore_mem>>) src(%dma_wait3A_379 : memref<256x128xf32, #tpu.memory_space<vmem_shared>>) dst(%dma_wait3A_374 : memref<64x128xf32, #tpu.memory_space<vmem>>)
    %dma_wait3A_380 = arith.constant 2 : i32
    %dma_wait3A_381 = arith.constant 0 : i32
    %dma_wait3A_382 = arith.constant 0 : i32
    %dma_wait3A_383 = tpu.memref_slice %arg16[%dma_wait3A_380, %dma_wait3A_381, %dma_wait3A_382] : memref<4x64x128xf32, #tpu.memory_space<vmem>> -> memref<1x64x128xf32, #tpu.memory_space<vmem>>
    %dma_wait3A_384 = tpu.memref_squeeze %dma_wait3A_383 : memref<1x64x128xf32, #tpu.memory_space<vmem>> -> memref<64x128xf32, #tpu.memory_space<vmem>>
    %dma_wait3A_385 = arith.constant 128 : i32
    %dma_wait3A_386 = tpu.memref_slice %arg13[%dma_wait3A_385] : memref<512xi32, #tpu.memory_space<vmem>> -> memref<64xi32, #tpu.memory_space<vmem>>
    %dma_wait3A_387 = arith.constant 0 : i32
    %dma_wait3A_388 = arith.constant 0 : i32
    %dma_wait3A_389 = tpu.memref_slice %arg10[%dma_wait3A_387, %dma_wait3A_388] : memref<256x128xf32, #tpu.memory_space<vmem_shared>> -> memref<256x128xf32, #tpu.memory_space<vmem_shared>>
    tpu.wait_indirect_dma semaphore(%arg20 : memref<!tpu.dma_semaphore, #tpu.memory_space<semaphore_mem>>) src(%dma_wait3A_389 : memref<256x128xf32, #tpu.memory_space<vmem_shared>>) dst(%dma_wait3A_384 : memref<64x128xf32, #tpu.memory_space<vmem>>)
    %dma_wait3A_390 = arith.constant 2 : i32
    %dma_wait3A_391 = arith.constant 0 : i32
    %dma_wait3A_392 = arith.constant 0 : i32
    %dma_wait3A_393 = tpu.memref_slice %arg17[%dma_wait3A_390, %dma_wait3A_391, %dma_wait3A_392] : memref<4x64x128xf32, #tpu.memory_space<vmem>> -> memref<1x64x128xf32, #tpu.memory_space<vmem>>
    %dma_wait3A_394 = tpu.memref_squeeze %dma_wait3A_393 : memref<1x64x128xf32, #tpu.memory_space<vmem>> -> memref<64x128xf32, #tpu.memory_space<vmem>>
    %dma_wait3A_395 = arith.constant 128 : i32
    %dma_wait3A_396 = tpu.memref_slice %arg14[%dma_wait3A_395] : memref<512xi32, #tpu.memory_space<vmem>> -> memref<64xi32, #tpu.memory_space<vmem>>
    %dma_wait3A_397 = arith.constant 0 : i32
    %dma_wait3A_398 = arith.constant 0 : i32
    %dma_wait3A_399 = tpu.memref_slice %arg11[%dma_wait3A_397, %dma_wait3A_398] : memref<256x128xf32, #tpu.memory_space<vmem_shared>> -> memref<256x128xf32, #tpu.memory_space<vmem_shared>>
    tpu.wait_indirect_dma semaphore(%arg20 : memref<!tpu.dma_semaphore, #tpu.memory_space<semaphore_mem>>) src(%dma_wait3A_399 : memref<256x128xf32, #tpu.memory_space<vmem_shared>>) dst(%dma_wait3A_394 : memref<64x128xf32, #tpu.memory_space<vmem>>)
    %add3A_400 = arith.constant 128 : i32
    %add3A_401 = arith.addi %mul3A_2, %add3A_400 : i32
    %dma_start3A_402 = arith.constant 2 : i32
    %dma_start3A_403 = arith.constant 0 : i32
    %dma_start3A_404 = arith.constant 0 : i32
    %dma_start3A_405 = tpu.memref_slice %arg15[%dma_start3A_402, %dma_start3A_403, %dma_start3A_404] : memref<4x64x128xf32, #tpu.memory_space<vmem>> -> memref<1x64x128xf32, #tpu.memory_space<vmem>>
    %dma_start3A_406 = tpu.memref_squeeze %dma_start3A_405 : memref<1x64x128xf32, #tpu.memory_space<vmem>> -> memref<64x128xf32, #tpu.memory_space<vmem>>
    %dma_start3A_407 = arith.constant 0 : i32
    %dma_start3A_408 = tpu.memref_slice %arg8[%add3A_401, %dma_start3A_407] : memref<16384x384xf32, #tpu.memory_space<hbm>> -> memref<64x128xf32, #tpu.memory_space<hbm>>
    %dma_start3A_409 = arith.constant 0 : i32
    %dma_start3A_410 = tpu.memref_slice %arg8[%add3A_401, %dma_start3A_409] : memref<16384x384xf32, #tpu.memory_space<hbm>> -> memref<64x128xf32, #tpu.memory_space<hbm>>
    %dma_start3A_411 = arith.constant 0 : i32
    %dma_start3A_412 = arith.constant 0 : i32
    %dma_start3A_413 = tpu.memref_slice %arg15[%dma_start3A_402, %dma_start3A_411, %dma_start3A_412] : memref<4x64x128xf32, #tpu.memory_space<vmem>> -> memref<1x64x128xf32, #tpu.memory_space<vmem>>
    %dma_start3A_414 = tpu.memref_squeeze %dma_start3A_413 : memref<1x64x128xf32, #tpu.memory_space<vmem>> -> memref<64x128xf32, #tpu.memory_space<vmem>>
    tpu.enqueue_dma source(%dma_start3A_414 : memref<64x128xf32, #tpu.memory_space<vmem>>) target(%dma_start3A_410 : memref<64x128xf32, #tpu.memory_space<hbm>>) target_semaphore(%arg24 : memref<!tpu.dma_semaphore, #tpu.memory_space<semaphore_mem>>)
    %dma_start3A_415 = arith.constant 2 : i32
    %dma_start3A_416 = arith.constant 0 : i32
    %dma_start3A_417 = arith.constant 0 : i32
    %dma_start3A_418 = tpu.memref_slice %arg16[%dma_start3A_415, %dma_start3A_416, %dma_start3A_417] : memref<4x64x128xf32, #tpu.memory_space<vmem>> -> memref<1x64x128xf32, #tpu.memory_space<vmem>>
    %dma_start3A_419 = tpu.memref_squeeze %dma_start3A_418 : memref<1x64x128xf32, #tpu.memory_space<vmem>> -> memref<64x128xf32, #tpu.memory_space<vmem>>
    %dma_start3A_420 = arith.constant 128 : i32
    %dma_start3A_421 = tpu.memref_slice %arg8[%add3A_401, %dma_start3A_420] : memref<16384x384xf32, #tpu.memory_space<hbm>> -> memref<64x128xf32, #tpu.memory_space<hbm>>
    %dma_start3A_422 = arith.constant 128 : i32
    %dma_start3A_423 = tpu.memref_slice %arg8[%add3A_401, %dma_start3A_422] : memref<16384x384xf32, #tpu.memory_space<hbm>> -> memref<64x128xf32, #tpu.memory_space<hbm>>
    %dma_start3A_424 = arith.constant 0 : i32
    %dma_start3A_425 = arith.constant 0 : i32
    %dma_start3A_426 = tpu.memref_slice %arg16[%dma_start3A_415, %dma_start3A_424, %dma_start3A_425] : memref<4x64x128xf32, #tpu.memory_space<vmem>> -> memref<1x64x128xf32, #tpu.memory_space<vmem>>
    %dma_start3A_427 = tpu.memref_squeeze %dma_start3A_426 : memref<1x64x128xf32, #tpu.memory_space<vmem>> -> memref<64x128xf32, #tpu.memory_space<vmem>>
    tpu.enqueue_dma source(%dma_start3A_427 : memref<64x128xf32, #tpu.memory_space<vmem>>) target(%dma_start3A_423 : memref<64x128xf32, #tpu.memory_space<hbm>>) target_semaphore(%arg24 : memref<!tpu.dma_semaphore, #tpu.memory_space<semaphore_mem>>)
    %dma_start3A_428 = arith.constant 2 : i32
    %dma_start3A_429 = arith.constant 0 : i32
    %dma_start3A_430 = arith.constant 0 : i32
    %dma_start3A_431 = tpu.memref_slice %arg17[%dma_start3A_428, %dma_start3A_429, %dma_start3A_430] : memref<4x64x128xf32, #tpu.memory_space<vmem>> -> memref<1x64x128xf32, #tpu.memory_space<vmem>>
    %dma_start3A_432 = tpu.memref_squeeze %dma_start3A_431 : memref<1x64x128xf32, #tpu.memory_space<vmem>> -> memref<64x128xf32, #tpu.memory_space<vmem>>
    %dma_start3A_433 = arith.constant 256 : i32
    %dma_start3A_434 = tpu.memref_slice %arg8[%add3A_401, %dma_start3A_433] : memref<16384x384xf32, #tpu.memory_space<hbm>> -> memref<64x128xf32, #tpu.memory_space<hbm>>
    %dma_start3A_435 = arith.constant 256 : i32
    %dma_start3A_436 = tpu.memref_slice %arg8[%add3A_401, %dma_start3A_435] : memref<16384x384xf32, #tpu.memory_space<hbm>> -> memref<64x128xf32, #tpu.memory_space<hbm>>
    %dma_start3A_437 = arith.constant 0 : i32
    %dma_start3A_438 = arith.constant 0 : i32
    %dma_start3A_439 = tpu.memref_slice %arg17[%dma_start3A_428, %dma_start3A_437, %dma_start3A_438] : memref<4x64x128xf32, #tpu.memory_space<vmem>> -> memref<1x64x128xf32, #tpu.memory_space<vmem>>
    %dma_start3A_440 = tpu.memref_squeeze %dma_start3A_439 : memref<1x64x128xf32, #tpu.memory_space<vmem>> -> memref<64x128xf32, #tpu.memory_space<vmem>>
    tpu.enqueue_dma source(%dma_start3A_440 : memref<64x128xf32, #tpu.memory_space<vmem>>) target(%dma_start3A_436 : memref<64x128xf32, #tpu.memory_space<hbm>>) target_semaphore(%arg24 : memref<!tpu.dma_semaphore, #tpu.memory_space<semaphore_mem>>)
    %dma_wait3A_441 = arith.constant 1 : i32
    %dma_wait3A_442 = arith.constant 0 : i32
    %dma_wait3A_443 = arith.constant 0 : i32
    %dma_wait3A_444 = tpu.memref_slice %arg15[%dma_wait3A_441, %dma_wait3A_442, %dma_wait3A_443] : memref<4x64x128xf32, #tpu.memory_space<vmem>> -> memref<1x64x128xf32, #tpu.memory_space<vmem>>
    %dma_wait3A_445 = tpu.memref_squeeze %dma_wait3A_444 : memref<1x64x128xf32, #tpu.memory_space<vmem>> -> memref<64x128xf32, #tpu.memory_space<vmem>>
    %dma_wait3A_446 = arith.constant 0 : i32
    %dma_wait3A_447 = tpu.memref_slice %arg8[%add3A_261, %dma_wait3A_446] : memref<16384x384xf32, #tpu.memory_space<hbm>> -> memref<64x128xf32, #tpu.memory_space<hbm>>
    %dma_wait3A_448 = arith.constant 0 : i32
    %dma_wait3A_449 = tpu.memref_slice %arg8[%add3A_261, %dma_wait3A_448] : memref<16384x384xf32, #tpu.memory_space<hbm>> -> memref<64x128xf32, #tpu.memory_space<hbm>>
    %dma_wait3A_450 = arith.constant 0 : i32
    %dma_wait3A_451 = arith.constant 0 : i32
    %dma_wait3A_452 = tpu.memref_slice %arg15[%dma_wait3A_441, %dma_wait3A_450, %dma_wait3A_451] : memref<4x64x128xf32, #tpu.memory_space<vmem>> -> memref<1x64x128xf32, #tpu.memory_space<vmem>>
    %dma_wait3A_453 = tpu.memref_squeeze %dma_wait3A_452 : memref<1x64x128xf32, #tpu.memory_space<vmem>> -> memref<64x128xf32, #tpu.memory_space<vmem>>
    tpu.wait_dma2 semaphore(%arg23 : memref<!tpu.dma_semaphore, #tpu.memory_space<semaphore_mem>>) src(%dma_wait3A_453 : memref<64x128xf32, #tpu.memory_space<vmem>>) dst(%dma_wait3A_449 : memref<64x128xf32, #tpu.memory_space<hbm>>)
    %dma_wait3A_454 = arith.constant 1 : i32
    %dma_wait3A_455 = arith.constant 0 : i32
    %dma_wait3A_456 = arith.constant 0 : i32
    %dma_wait3A_457 = tpu.memref_slice %arg16[%dma_wait3A_454, %dma_wait3A_455, %dma_wait3A_456] : memref<4x64x128xf32, #tpu.memory_space<vmem>> -> memref<1x64x128xf32, #tpu.memory_space<vmem>>
    %dma_wait3A_458 = tpu.memref_squeeze %dma_wait3A_457 : memref<1x64x128xf32, #tpu.memory_space<vmem>> -> memref<64x128xf32, #tpu.memory_space<vmem>>
    %dma_wait3A_459 = arith.constant 128 : i32
    %dma_wait3A_460 = tpu.memref_slice %arg8[%add3A_261, %dma_wait3A_459] : memref<16384x384xf32, #tpu.memory_space<hbm>> -> memref<64x128xf32, #tpu.memory_space<hbm>>
    %dma_wait3A_461 = arith.constant 128 : i32
    %dma_wait3A_462 = tpu.memref_slice %arg8[%add3A_261, %dma_wait3A_461] : memref<16384x384xf32, #tpu.memory_space<hbm>> -> memref<64x128xf32, #tpu.memory_space<hbm>>
    %dma_wait3A_463 = arith.constant 0 : i32
    %dma_wait3A_464 = arith.constant 0 : i32
    %dma_wait3A_465 = tpu.memref_slice %arg16[%dma_wait3A_454, %dma_wait3A_463, %dma_wait3A_464] : memref<4x64x128xf32, #tpu.memory_space<vmem>> -> memref<1x64x128xf32, #tpu.memory_space<vmem>>
    %dma_wait3A_466 = tpu.memref_squeeze %dma_wait3A_465 : memref<1x64x128xf32, #tpu.memory_space<vmem>> -> memref<64x128xf32, #tpu.memory_space<vmem>>
    tpu.wait_dma2 semaphore(%arg23 : memref<!tpu.dma_semaphore, #tpu.memory_space<semaphore_mem>>) src(%dma_wait3A_466 : memref<64x128xf32, #tpu.memory_space<vmem>>) dst(%dma_wait3A_462 : memref<64x128xf32, #tpu.memory_space<hbm>>)
    %dma_wait3A_467 = arith.constant 1 : i32
    %dma_wait3A_468 = arith.constant 0 : i32
    %dma_wait3A_469 = arith.constant 0 : i32
    %dma_wait3A_470 = tpu.memref_slice %arg17[%dma_wait3A_467, %dma_wait3A_468, %dma_wait3A_469] : memref<4x64x128xf32, #tpu.memory_space<vmem>> -> memref<1x64x128xf32, #tpu.memory_space<vmem>>
    %dma_wait3A_471 = tpu.memref_squeeze %dma_wait3A_470 : memref<1x64x128xf32, #tpu.memory_space<vmem>> -> memref<64x128xf32, #tpu.memory_space<vmem>>
    %dma_wait3A_472 = arith.constant 256 : i32
    %dma_wait3A_473 = tpu.memref_slice %arg8[%add3A_261, %dma_wait3A_472] : memref<16384x384xf32, #tpu.memory_space<hbm>> -> memref<64x128xf32, #tpu.memory_space<hbm>>
    %dma_wait3A_474 = arith.constant 256 : i32
    %dma_wait3A_475 = tpu.memref_slice %arg8[%add3A_261, %dma_wait3A_474] : memref<16384x384xf32, #tpu.memory_space<hbm>> -> memref<64x128xf32, #tpu.memory_space<hbm>>
    %dma_wait3A_476 = arith.constant 0 : i32
    %dma_wait3A_477 = arith.constant 0 : i32
    %dma_wait3A_478 = tpu.memref_slice %arg17[%dma_wait3A_467, %dma_wait3A_476, %dma_wait3A_477] : memref<4x64x128xf32, #tpu.memory_space<vmem>> -> memref<1x64x128xf32, #tpu.memory_space<vmem>>
    %dma_wait3A_479 = tpu.memref_squeeze %dma_wait3A_478 : memref<1x64x128xf32, #tpu.memory_space<vmem>> -> memref<64x128xf32, #tpu.memory_space<vmem>>
    tpu.wait_dma2 semaphore(%arg23 : memref<!tpu.dma_semaphore, #tpu.memory_space<semaphore_mem>>) src(%dma_wait3A_479 : memref<64x128xf32, #tpu.memory_space<vmem>>) dst(%dma_wait3A_475 : memref<64x128xf32, #tpu.memory_space<hbm>>)
    %dma_start3A_480 = arith.constant 1 : i32
    %dma_start3A_481 = arith.constant 0 : i32
    %dma_start3A_482 = arith.constant 0 : i32
    %dma_start3A_483 = tpu.memref_slice %arg15[%dma_start3A_480, %dma_start3A_481, %dma_start3A_482] : memref<4x64x128xf32, #tpu.memory_space<vmem>> -> memref<1x64x128xf32, #tpu.memory_space<vmem>>
    %dma_start3A_484 = tpu.memref_squeeze %dma_start3A_483 : memref<1x64x128xf32, #tpu.memory_space<vmem>> -> memref<64x128xf32, #tpu.memory_space<vmem>>
    %dma_start3A_485 = arith.constant 320 : i32
    %dma_start3A_486 = tpu.memref_slice %arg12[%dma_start3A_485] : memref<512xi32, #tpu.memory_space<vmem>> -> memref<64xi32, #tpu.memory_space<vmem>>
    %dma_start3A_487 = arith.constant 0 : i32
    %dma_start3A_488 = arith.constant 0 : i32
    %dma_start3A_489 = tpu.memref_slice %arg9[%dma_start3A_487, %dma_start3A_488] : memref<256x128xf32, #tpu.memory_space<vmem_shared>> -> memref<256x128xf32, #tpu.memory_space<vmem_shared>>
    tpu.enqueue_indirect_dma source(%dma_start3A_489 : memref<256x128xf32, #tpu.memory_space<vmem_shared>>) target(%dma_start3A_484 : memref<64x128xf32, #tpu.memory_space<vmem>>) offsets(%dma_start3A_486 : memref<64xi32, #tpu.memory_space<vmem>>) semaphore(%arg19 : memref<!tpu.dma_semaphore, #tpu.memory_space<semaphore_mem>>)
    %dma_start3A_490 = arith.constant 1 : i32
    %dma_start3A_491 = arith.constant 0 : i32
    %dma_start3A_492 = arith.constant 0 : i32
    %dma_start3A_493 = tpu.memref_slice %arg16[%dma_start3A_490, %dma_start3A_491, %dma_start3A_492] : memref<4x64x128xf32, #tpu.memory_space<vmem>> -> memref<1x64x128xf32, #tpu.memory_space<vmem>>
    %dma_start3A_494 = tpu.memref_squeeze %dma_start3A_493 : memref<1x64x128xf32, #tpu.memory_space<vmem>> -> memref<64x128xf32, #tpu.memory_space<vmem>>
    %dma_start3A_495 = arith.constant 320 : i32
    %dma_start3A_496 = tpu.memref_slice %arg13[%dma_start3A_495] : memref<512xi32, #tpu.memory_space<vmem>> -> memref<64xi32, #tpu.memory_space<vmem>>
    %dma_start3A_497 = arith.constant 0 : i32
    %dma_start3A_498 = arith.constant 0 : i32
    %dma_start3A_499 = tpu.memref_slice %arg10[%dma_start3A_497, %dma_start3A_498] : memref<256x128xf32, #tpu.memory_space<vmem_shared>> -> memref<256x128xf32, #tpu.memory_space<vmem_shared>>
    tpu.enqueue_indirect_dma source(%dma_start3A_499 : memref<256x128xf32, #tpu.memory_space<vmem_shared>>) target(%dma_start3A_494 : memref<64x128xf32, #tpu.memory_space<vmem>>) offsets(%dma_start3A_496 : memref<64xi32, #tpu.memory_space<vmem>>) semaphore(%arg19 : memref<!tpu.dma_semaphore, #tpu.memory_space<semaphore_mem>>)
    %dma_start3A_500 = arith.constant 1 : i32
    %dma_start3A_501 = arith.constant 0 : i32
    %dma_start3A_502 = arith.constant 0 : i32
    %dma_start3A_503 = tpu.memref_slice %arg17[%dma_start3A_500, %dma_start3A_501, %dma_start3A_502] : memref<4x64x128xf32, #tpu.memory_space<vmem>> -> memref<1x64x128xf32, #tpu.memory_space<vmem>>
    %dma_start3A_504 = tpu.memref_squeeze %dma_start3A_503 : memref<1x64x128xf32, #tpu.memory_space<vmem>> -> memref<64x128xf32, #tpu.memory_space<vmem>>
    %dma_start3A_505 = arith.constant 320 : i32
    %dma_start3A_506 = tpu.memref_slice %arg14[%dma_start3A_505] : memref<512xi32, #tpu.memory_space<vmem>> -> memref<64xi32, #tpu.memory_space<vmem>>
    %dma_start3A_507 = arith.constant 0 : i32
    %dma_start3A_508 = arith.constant 0 : i32
    %dma_start3A_509 = tpu.memref_slice %arg11[%dma_start3A_507, %dma_start3A_508] : memref<256x128xf32, #tpu.memory_space<vmem_shared>> -> memref<256x128xf32, #tpu.memory_space<vmem_shared>>
    tpu.enqueue_indirect_dma source(%dma_start3A_509 : memref<256x128xf32, #tpu.memory_space<vmem_shared>>) target(%dma_start3A_504 : memref<64x128xf32, #tpu.memory_space<vmem>>) offsets(%dma_start3A_506 : memref<64xi32, #tpu.memory_space<vmem>>) semaphore(%arg19 : memref<!tpu.dma_semaphore, #tpu.memory_space<semaphore_mem>>)
    %dma_wait3A_510 = arith.constant 3 : i32
    %dma_wait3A_511 = arith.constant 0 : i32
    %dma_wait3A_512 = arith.constant 0 : i32
    %dma_wait3A_513 = tpu.memref_slice %arg15[%dma_wait3A_510, %dma_wait3A_511, %dma_wait3A_512] : memref<4x64x128xf32, #tpu.memory_space<vmem>> -> memref<1x64x128xf32, #tpu.memory_space<vmem>>
    %dma_wait3A_514 = tpu.memref_squeeze %dma_wait3A_513 : memref<1x64x128xf32, #tpu.memory_space<vmem>> -> memref<64x128xf32, #tpu.memory_space<vmem>>
    %dma_wait3A_515 = arith.constant 192 : i32
    %dma_wait3A_516 = tpu.memref_slice %arg12[%dma_wait3A_515] : memref<512xi32, #tpu.memory_space<vmem>> -> memref<64xi32, #tpu.memory_space<vmem>>
    %dma_wait3A_517 = arith.constant 0 : i32
    %dma_wait3A_518 = arith.constant 0 : i32
    %dma_wait3A_519 = tpu.memref_slice %arg9[%dma_wait3A_517, %dma_wait3A_518] : memref<256x128xf32, #tpu.memory_space<vmem_shared>> -> memref<256x128xf32, #tpu.memory_space<vmem_shared>>
    tpu.wait_indirect_dma semaphore(%arg21 : memref<!tpu.dma_semaphore, #tpu.memory_space<semaphore_mem>>) src(%dma_wait3A_519 : memref<256x128xf32, #tpu.memory_space<vmem_shared>>) dst(%dma_wait3A_514 : memref<64x128xf32, #tpu.memory_space<vmem>>)
    %dma_wait3A_520 = arith.constant 3 : i32
    %dma_wait3A_521 = arith.constant 0 : i32
    %dma_wait3A_522 = arith.constant 0 : i32
    %dma_wait3A_523 = tpu.memref_slice %arg16[%dma_wait3A_520, %dma_wait3A_521, %dma_wait3A_522] : memref<4x64x128xf32, #tpu.memory_space<vmem>> -> memref<1x64x128xf32, #tpu.memory_space<vmem>>
    %dma_wait3A_524 = tpu.memref_squeeze %dma_wait3A_523 : memref<1x64x128xf32, #tpu.memory_space<vmem>> -> memref<64x128xf32, #tpu.memory_space<vmem>>
    %dma_wait3A_525 = arith.constant 192 : i32
    %dma_wait3A_526 = tpu.memref_slice %arg13[%dma_wait3A_525] : memref<512xi32, #tpu.memory_space<vmem>> -> memref<64xi32, #tpu.memory_space<vmem>>
    %dma_wait3A_527 = arith.constant 0 : i32
    %dma_wait3A_528 = arith.constant 0 : i32
    %dma_wait3A_529 = tpu.memref_slice %arg10[%dma_wait3A_527, %dma_wait3A_528] : memref<256x128xf32, #tpu.memory_space<vmem_shared>> -> memref<256x128xf32, #tpu.memory_space<vmem_shared>>
    tpu.wait_indirect_dma semaphore(%arg21 : memref<!tpu.dma_semaphore, #tpu.memory_space<semaphore_mem>>) src(%dma_wait3A_529 : memref<256x128xf32, #tpu.memory_space<vmem_shared>>) dst(%dma_wait3A_524 : memref<64x128xf32, #tpu.memory_space<vmem>>)
    %dma_wait3A_530 = arith.constant 3 : i32
    %dma_wait3A_531 = arith.constant 0 : i32
    %dma_wait3A_532 = arith.constant 0 : i32
    %dma_wait3A_533 = tpu.memref_slice %arg17[%dma_wait3A_530, %dma_wait3A_531, %dma_wait3A_532] : memref<4x64x128xf32, #tpu.memory_space<vmem>> -> memref<1x64x128xf32, #tpu.memory_space<vmem>>
    %dma_wait3A_534 = tpu.memref_squeeze %dma_wait3A_533 : memref<1x64x128xf32, #tpu.memory_space<vmem>> -> memref<64x128xf32, #tpu.memory_space<vmem>>
    %dma_wait3A_535 = arith.constant 192 : i32
    %dma_wait3A_536 = tpu.memref_slice %arg14[%dma_wait3A_535] : memref<512xi32, #tpu.memory_space<vmem>> -> memref<64xi32, #tpu.memory_space<vmem>>
    %dma_wait3A_537 = arith.constant 0 : i32
    %dma_wait3A_538 = arith.constant 0 : i32
    %dma_wait3A_539 = tpu.memref_slice %arg11[%dma_wait3A_537, %dma_wait3A_538] : memref<256x128xf32, #tpu.memory_space<vmem_shared>> -> memref<256x128xf32, #tpu.memory_space<vmem_shared>>
    tpu.wait_indirect_dma semaphore(%arg21 : memref<!tpu.dma_semaphore, #tpu.memory_space<semaphore_mem>>) src(%dma_wait3A_539 : memref<256x128xf32, #tpu.memory_space<vmem_shared>>) dst(%dma_wait3A_534 : memref<64x128xf32, #tpu.memory_space<vmem>>)
    %add3A_540 = arith.constant 192 : i32
    %add3A_541 = arith.addi %mul3A_2, %add3A_540 : i32
    %dma_start3A_542 = arith.constant 3 : i32
    %dma_start3A_543 = arith.constant 0 : i32
    %dma_start3A_544 = arith.constant 0 : i32
    %dma_start3A_545 = tpu.memref_slice %arg15[%dma_start3A_542, %dma_start3A_543, %dma_start3A_544] : memref<4x64x128xf32, #tpu.memory_space<vmem>> -> memref<1x64x128xf32, #tpu.memory_space<vmem>>
    %dma_start3A_546 = tpu.memref_squeeze %dma_start3A_545 : memref<1x64x128xf32, #tpu.memory_space<vmem>> -> memref<64x128xf32, #tpu.memory_space<vmem>>
    %dma_start3A_547 = arith.constant 0 : i32
    %dma_start3A_548 = tpu.memref_slice %arg8[%add3A_541, %dma_start3A_547] : memref<16384x384xf32, #tpu.memory_space<hbm>> -> memref<64x128xf32, #tpu.memory_space<hbm>>
    %dma_start3A_549 = arith.constant 0 : i32
    %dma_start3A_550 = tpu.memref_slice %arg8[%add3A_541, %dma_start3A_549] : memref<16384x384xf32, #tpu.memory_space<hbm>> -> memref<64x128xf32, #tpu.memory_space<hbm>>
    %dma_start3A_551 = arith.constant 0 : i32
    %dma_start3A_552 = arith.constant 0 : i32
    %dma_start3A_553 = tpu.memref_slice %arg15[%dma_start3A_542, %dma_start3A_551, %dma_start3A_552] : memref<4x64x128xf32, #tpu.memory_space<vmem>> -> memref<1x64x128xf32, #tpu.memory_space<vmem>>
    %dma_start3A_554 = tpu.memref_squeeze %dma_start3A_553 : memref<1x64x128xf32, #tpu.memory_space<vmem>> -> memref<64x128xf32, #tpu.memory_space<vmem>>
    tpu.enqueue_dma source(%dma_start3A_554 : memref<64x128xf32, #tpu.memory_space<vmem>>) target(%dma_start3A_550 : memref<64x128xf32, #tpu.memory_space<hbm>>) target_semaphore(%arg25 : memref<!tpu.dma_semaphore, #tpu.memory_space<semaphore_mem>>)
    %dma_start3A_555 = arith.constant 3 : i32
    %dma_start3A_556 = arith.constant 0 : i32
    %dma_start3A_557 = arith.constant 0 : i32
    %dma_start3A_558 = tpu.memref_slice %arg16[%dma_start3A_555, %dma_start3A_556, %dma_start3A_557] : memref<4x64x128xf32, #tpu.memory_space<vmem>> -> memref<1x64x128xf32, #tpu.memory_space<vmem>>
    %dma_start3A_559 = tpu.memref_squeeze %dma_start3A_558 : memref<1x64x128xf32, #tpu.memory_space<vmem>> -> memref<64x128xf32, #tpu.memory_space<vmem>>
    %dma_start3A_560 = arith.constant 128 : i32
    %dma_start3A_561 = tpu.memref_slice %arg8[%add3A_541, %dma_start3A_560] : memref<16384x384xf32, #tpu.memory_space<hbm>> -> memref<64x128xf32, #tpu.memory_space<hbm>>
    %dma_start3A_562 = arith.constant 128 : i32
    %dma_start3A_563 = tpu.memref_slice %arg8[%add3A_541, %dma_start3A_562] : memref<16384x384xf32, #tpu.memory_space<hbm>> -> memref<64x128xf32, #tpu.memory_space<hbm>>
    %dma_start3A_564 = arith.constant 0 : i32
    %dma_start3A_565 = arith.constant 0 : i32
    %dma_start3A_566 = tpu.memref_slice %arg16[%dma_start3A_555, %dma_start3A_564, %dma_start3A_565] : memref<4x64x128xf32, #tpu.memory_space<vmem>> -> memref<1x64x128xf32, #tpu.memory_space<vmem>>
    %dma_start3A_567 = tpu.memref_squeeze %dma_start3A_566 : memref<1x64x128xf32, #tpu.memory_space<vmem>> -> memref<64x128xf32, #tpu.memory_space<vmem>>
    tpu.enqueue_dma source(%dma_start3A_567 : memref<64x128xf32, #tpu.memory_space<vmem>>) target(%dma_start3A_563 : memref<64x128xf32, #tpu.memory_space<hbm>>) target_semaphore(%arg25 : memref<!tpu.dma_semaphore, #tpu.memory_space<semaphore_mem>>)
    %dma_start3A_568 = arith.constant 3 : i32
    %dma_start3A_569 = arith.constant 0 : i32
    %dma_start3A_570 = arith.constant 0 : i32
    %dma_start3A_571 = tpu.memref_slice %arg17[%dma_start3A_568, %dma_start3A_569, %dma_start3A_570] : memref<4x64x128xf32, #tpu.memory_space<vmem>> -> memref<1x64x128xf32, #tpu.memory_space<vmem>>
    %dma_start3A_572 = tpu.memref_squeeze %dma_start3A_571 : memref<1x64x128xf32, #tpu.memory_space<vmem>> -> memref<64x128xf32, #tpu.memory_space<vmem>>
    %dma_start3A_573 = arith.constant 256 : i32
    %dma_start3A_574 = tpu.memref_slice %arg8[%add3A_541, %dma_start3A_573] : memref<16384x384xf32, #tpu.memory_space<hbm>> -> memref<64x128xf32, #tpu.memory_space<hbm>>
    %dma_start3A_575 = arith.constant 256 : i32
    %dma_start3A_576 = tpu.memref_slice %arg8[%add3A_541, %dma_start3A_575] : memref<16384x384xf32, #tpu.memory_space<hbm>> -> memref<64x128xf32, #tpu.memory_space<hbm>>
    %dma_start3A_577 = arith.constant 0 : i32
    %dma_start3A_578 = arith.constant 0 : i32
    %dma_start3A_579 = tpu.memref_slice %arg17[%dma_start3A_568, %dma_start3A_577, %dma_start3A_578] : memref<4x64x128xf32, #tpu.memory_space<vmem>> -> memref<1x64x128xf32, #tpu.memory_space<vmem>>
    %dma_start3A_580 = tpu.memref_squeeze %dma_start3A_579 : memref<1x64x128xf32, #tpu.memory_space<vmem>> -> memref<64x128xf32, #tpu.memory_space<vmem>>
    tpu.enqueue_dma source(%dma_start3A_580 : memref<64x128xf32, #tpu.memory_space<vmem>>) target(%dma_start3A_576 : memref<64x128xf32, #tpu.memory_space<hbm>>) target_semaphore(%arg25 : memref<!tpu.dma_semaphore, #tpu.memory_space<semaphore_mem>>)
    %dma_wait3A_581 = arith.constant 2 : i32
    %dma_wait3A_582 = arith.constant 0 : i32
    %dma_wait3A_583 = arith.constant 0 : i32
    %dma_wait3A_584 = tpu.memref_slice %arg15[%dma_wait3A_581, %dma_wait3A_582, %dma_wait3A_583] : memref<4x64x128xf32, #tpu.memory_space<vmem>> -> memref<1x64x128xf32, #tpu.memory_space<vmem>>
    %dma_wait3A_585 = tpu.memref_squeeze %dma_wait3A_584 : memref<1x64x128xf32, #tpu.memory_space<vmem>> -> memref<64x128xf32, #tpu.memory_space<vmem>>
    %dma_wait3A_586 = arith.constant 0 : i32
    %dma_wait3A_587 = tpu.memref_slice %arg8[%add3A_401, %dma_wait3A_586] : memref<16384x384xf32, #tpu.memory_space<hbm>> -> memref<64x128xf32, #tpu.memory_space<hbm>>
    %dma_wait3A_588 = arith.constant 0 : i32
    %dma_wait3A_589 = tpu.memref_slice %arg8[%add3A_401, %dma_wait3A_588] : memref<16384x384xf32, #tpu.memory_space<hbm>> -> memref<64x128xf32, #tpu.memory_space<hbm>>
    %dma_wait3A_590 = arith.constant 0 : i32
    %dma_wait3A_591 = arith.constant 0 : i32
    %dma_wait3A_592 = tpu.memref_slice %arg15[%dma_wait3A_581, %dma_wait3A_590, %dma_wait3A_591] : memref<4x64x128xf32, #tpu.memory_space<vmem>> -> memref<1x64x128xf32, #tpu.memory_space<vmem>>
    %dma_wait3A_593 = tpu.memref_squeeze %dma_wait3A_592 : memref<1x64x128xf32, #tpu.memory_space<vmem>> -> memref<64x128xf32, #tpu.memory_space<vmem>>
    tpu.wait_dma2 semaphore(%arg24 : memref<!tpu.dma_semaphore, #tpu.memory_space<semaphore_mem>>) src(%dma_wait3A_593 : memref<64x128xf32, #tpu.memory_space<vmem>>) dst(%dma_wait3A_589 : memref<64x128xf32, #tpu.memory_space<hbm>>)
    %dma_wait3A_594 = arith.constant 2 : i32
    %dma_wait3A_595 = arith.constant 0 : i32
    %dma_wait3A_596 = arith.constant 0 : i32
    %dma_wait3A_597 = tpu.memref_slice %arg16[%dma_wait3A_594, %dma_wait3A_595, %dma_wait3A_596] : memref<4x64x128xf32, #tpu.memory_space<vmem>> -> memref<1x64x128xf32, #tpu.memory_space<vmem>>
    %dma_wait3A_598 = tpu.memref_squeeze %dma_wait3A_597 : memref<1x64x128xf32, #tpu.memory_space<vmem>> -> memref<64x128xf32, #tpu.memory_space<vmem>>
    %dma_wait3A_599 = arith.constant 128 : i32
    %dma_wait3A_600 = tpu.memref_slice %arg8[%add3A_401, %dma_wait3A_599] : memref<16384x384xf32, #tpu.memory_space<hbm>> -> memref<64x128xf32, #tpu.memory_space<hbm>>
    %dma_wait3A_601 = arith.constant 128 : i32
    %dma_wait3A_602 = tpu.memref_slice %arg8[%add3A_401, %dma_wait3A_601] : memref<16384x384xf32, #tpu.memory_space<hbm>> -> memref<64x128xf32, #tpu.memory_space<hbm>>
    %dma_wait3A_603 = arith.constant 0 : i32
    %dma_wait3A_604 = arith.constant 0 : i32
    %dma_wait3A_605 = tpu.memref_slice %arg16[%dma_wait3A_594, %dma_wait3A_603, %dma_wait3A_604] : memref<4x64x128xf32, #tpu.memory_space<vmem>> -> memref<1x64x128xf32, #tpu.memory_space<vmem>>
    %dma_wait3A_606 = tpu.memref_squeeze %dma_wait3A_605 : memref<1x64x128xf32, #tpu.memory_space<vmem>> -> memref<64x128xf32, #tpu.memory_space<vmem>>
    tpu.wait_dma2 semaphore(%arg24 : memref<!tpu.dma_semaphore, #tpu.memory_space<semaphore_mem>>) src(%dma_wait3A_606 : memref<64x128xf32, #tpu.memory_space<vmem>>) dst(%dma_wait3A_602 : memref<64x128xf32, #tpu.memory_space<hbm>>)
    %dma_wait3A_607 = arith.constant 2 : i32
    %dma_wait3A_608 = arith.constant 0 : i32
    %dma_wait3A_609 = arith.constant 0 : i32
    %dma_wait3A_610 = tpu.memref_slice %arg17[%dma_wait3A_607, %dma_wait3A_608, %dma_wait3A_609] : memref<4x64x128xf32, #tpu.memory_space<vmem>> -> memref<1x64x128xf32, #tpu.memory_space<vmem>>
    %dma_wait3A_611 = tpu.memref_squeeze %dma_wait3A_610 : memref<1x64x128xf32, #tpu.memory_space<vmem>> -> memref<64x128xf32, #tpu.memory_space<vmem>>
    %dma_wait3A_612 = arith.constant 256 : i32
    %dma_wait3A_613 = tpu.memref_slice %arg8[%add3A_401, %dma_wait3A_612] : memref<16384x384xf32, #tpu.memory_space<hbm>> -> memref<64x128xf32, #tpu.memory_space<hbm>>
    %dma_wait3A_614 = arith.constant 256 : i32
    %dma_wait3A_615 = tpu.memref_slice %arg8[%add3A_401, %dma_wait3A_614] : memref<16384x384xf32, #tpu.memory_space<hbm>> -> memref<64x128xf32, #tpu.memory_space<hbm>>
    %dma_wait3A_616 = arith.constant 0 : i32
    %dma_wait3A_617 = arith.constant 0 : i32
    %dma_wait3A_618 = tpu.memref_slice %arg17[%dma_wait3A_607, %dma_wait3A_616, %dma_wait3A_617] : memref<4x64x128xf32, #tpu.memory_space<vmem>> -> memref<1x64x128xf32, #tpu.memory_space<vmem>>
    %dma_wait3A_619 = tpu.memref_squeeze %dma_wait3A_618 : memref<1x64x128xf32, #tpu.memory_space<vmem>> -> memref<64x128xf32, #tpu.memory_space<vmem>>
    tpu.wait_dma2 semaphore(%arg24 : memref<!tpu.dma_semaphore, #tpu.memory_space<semaphore_mem>>) src(%dma_wait3A_619 : memref<64x128xf32, #tpu.memory_space<vmem>>) dst(%dma_wait3A_615 : memref<64x128xf32, #tpu.memory_space<hbm>>)
    %dma_start3A_620 = arith.constant 2 : i32
    %dma_start3A_621 = arith.constant 0 : i32
    %dma_start3A_622 = arith.constant 0 : i32
    %dma_start3A_623 = tpu.memref_slice %arg15[%dma_start3A_620, %dma_start3A_621, %dma_start3A_622] : memref<4x64x128xf32, #tpu.memory_space<vmem>> -> memref<1x64x128xf32, #tpu.memory_space<vmem>>
    %dma_start3A_624 = tpu.memref_squeeze %dma_start3A_623 : memref<1x64x128xf32, #tpu.memory_space<vmem>> -> memref<64x128xf32, #tpu.memory_space<vmem>>
    %dma_start3A_625 = arith.constant 384 : i32
    %dma_start3A_626 = tpu.memref_slice %arg12[%dma_start3A_625] : memref<512xi32, #tpu.memory_space<vmem>> -> memref<64xi32, #tpu.memory_space<vmem>>
    %dma_start3A_627 = arith.constant 0 : i32
    %dma_start3A_628 = arith.constant 0 : i32
    %dma_start3A_629 = tpu.memref_slice %arg9[%dma_start3A_627, %dma_start3A_628] : memref<256x128xf32, #tpu.memory_space<vmem_shared>> -> memref<256x128xf32, #tpu.memory_space<vmem_shared>>
    tpu.enqueue_indirect_dma source(%dma_start3A_629 : memref<256x128xf32, #tpu.memory_space<vmem_shared>>) target(%dma_start3A_624 : memref<64x128xf32, #tpu.memory_space<vmem>>) offsets(%dma_start3A_626 : memref<64xi32, #tpu.memory_space<vmem>>) semaphore(%arg20 : memref<!tpu.dma_semaphore, #tpu.memory_space<semaphore_mem>>)
    %dma_start3A_630 = arith.constant 2 : i32
    %dma_start3A_631 = arith.constant 0 : i32
    %dma_start3A_632 = arith.constant 0 : i32
    %dma_start3A_633 = tpu.memref_slice %arg16[%dma_start3A_630, %dma_start3A_631, %dma_start3A_632] : memref<4x64x128xf32, #tpu.memory_space<vmem>> -> memref<1x64x128xf32, #tpu.memory_space<vmem>>
    %dma_start3A_634 = tpu.memref_squeeze %dma_start3A_633 : memref<1x64x128xf32, #tpu.memory_space<vmem>> -> memref<64x128xf32, #tpu.memory_space<vmem>>
    %dma_start3A_635 = arith.constant 384 : i32
    %dma_start3A_636 = tpu.memref_slice %arg13[%dma_start3A_635] : memref<512xi32, #tpu.memory_space<vmem>> -> memref<64xi32, #tpu.memory_space<vmem>>
    %dma_start3A_637 = arith.constant 0 : i32
    %dma_start3A_638 = arith.constant 0 : i32
    %dma_start3A_639 = tpu.memref_slice %arg10[%dma_start3A_637, %dma_start3A_638] : memref<256x128xf32, #tpu.memory_space<vmem_shared>> -> memref<256x128xf32, #tpu.memory_space<vmem_shared>>
    tpu.enqueue_indirect_dma source(%dma_start3A_639 : memref<256x128xf32, #tpu.memory_space<vmem_shared>>) target(%dma_start3A_634 : memref<64x128xf32, #tpu.memory_space<vmem>>) offsets(%dma_start3A_636 : memref<64xi32, #tpu.memory_space<vmem>>) semaphore(%arg20 : memref<!tpu.dma_semaphore, #tpu.memory_space<semaphore_mem>>)
    %dma_start3A_640 = arith.constant 2 : i32
    %dma_start3A_641 = arith.constant 0 : i32
    %dma_start3A_642 = arith.constant 0 : i32
    %dma_start3A_643 = tpu.memref_slice %arg17[%dma_start3A_640, %dma_start3A_641, %dma_start3A_642] : memref<4x64x128xf32, #tpu.memory_space<vmem>> -> memref<1x64x128xf32, #tpu.memory_space<vmem>>
    %dma_start3A_644 = tpu.memref_squeeze %dma_start3A_643 : memref<1x64x128xf32, #tpu.memory_space<vmem>> -> memref<64x128xf32, #tpu.memory_space<vmem>>
    %dma_start3A_645 = arith.constant 384 : i32
    %dma_start3A_646 = tpu.memref_slice %arg14[%dma_start3A_645] : memref<512xi32, #tpu.memory_space<vmem>> -> memref<64xi32, #tpu.memory_space<vmem>>
    %dma_start3A_647 = arith.constant 0 : i32
    %dma_start3A_648 = arith.constant 0 : i32
    %dma_start3A_649 = tpu.memref_slice %arg11[%dma_start3A_647, %dma_start3A_648] : memref<256x128xf32, #tpu.memory_space<vmem_shared>> -> memref<256x128xf32, #tpu.memory_space<vmem_shared>>
    tpu.enqueue_indirect_dma source(%dma_start3A_649 : memref<256x128xf32, #tpu.memory_space<vmem_shared>>) target(%dma_start3A_644 : memref<64x128xf32, #tpu.memory_space<vmem>>) offsets(%dma_start3A_646 : memref<64xi32, #tpu.memory_space<vmem>>) semaphore(%arg20 : memref<!tpu.dma_semaphore, #tpu.memory_space<semaphore_mem>>)
    %dma_wait3A_650 = arith.constant 0 : i32
    %dma_wait3A_651 = arith.constant 0 : i32
    %dma_wait3A_652 = arith.constant 0 : i32
    %dma_wait3A_653 = tpu.memref_slice %arg15[%dma_wait3A_650, %dma_wait3A_651, %dma_wait3A_652] : memref<4x64x128xf32, #tpu.memory_space<vmem>> -> memref<1x64x128xf32, #tpu.memory_space<vmem>>
    %dma_wait3A_654 = tpu.memref_squeeze %dma_wait3A_653 : memref<1x64x128xf32, #tpu.memory_space<vmem>> -> memref<64x128xf32, #tpu.memory_space<vmem>>
    %dma_wait3A_655 = arith.constant 256 : i32
    %dma_wait3A_656 = tpu.memref_slice %arg12[%dma_wait3A_655] : memref<512xi32, #tpu.memory_space<vmem>> -> memref<64xi32, #tpu.memory_space<vmem>>
    %dma_wait3A_657 = arith.constant 0 : i32
    %dma_wait3A_658 = arith.constant 0 : i32
    %dma_wait3A_659 = tpu.memref_slice %arg9[%dma_wait3A_657, %dma_wait3A_658] : memref<256x128xf32, #tpu.memory_space<vmem_shared>> -> memref<256x128xf32, #tpu.memory_space<vmem_shared>>
    tpu.wait_indirect_dma semaphore(%arg18 : memref<!tpu.dma_semaphore, #tpu.memory_space<semaphore_mem>>) src(%dma_wait3A_659 : memref<256x128xf32, #tpu.memory_space<vmem_shared>>) dst(%dma_wait3A_654 : memref<64x128xf32, #tpu.memory_space<vmem>>)
    %dma_wait3A_660 = arith.constant 0 : i32
    %dma_wait3A_661 = arith.constant 0 : i32
    %dma_wait3A_662 = arith.constant 0 : i32
    %dma_wait3A_663 = tpu.memref_slice %arg16[%dma_wait3A_660, %dma_wait3A_661, %dma_wait3A_662] : memref<4x64x128xf32, #tpu.memory_space<vmem>> -> memref<1x64x128xf32, #tpu.memory_space<vmem>>
    %dma_wait3A_664 = tpu.memref_squeeze %dma_wait3A_663 : memref<1x64x128xf32, #tpu.memory_space<vmem>> -> memref<64x128xf32, #tpu.memory_space<vmem>>
    %dma_wait3A_665 = arith.constant 256 : i32
    %dma_wait3A_666 = tpu.memref_slice %arg13[%dma_wait3A_665] : memref<512xi32, #tpu.memory_space<vmem>> -> memref<64xi32, #tpu.memory_space<vmem>>
    %dma_wait3A_667 = arith.constant 0 : i32
    %dma_wait3A_668 = arith.constant 0 : i32
    %dma_wait3A_669 = tpu.memref_slice %arg10[%dma_wait3A_667, %dma_wait3A_668] : memref<256x128xf32, #tpu.memory_space<vmem_shared>> -> memref<256x128xf32, #tpu.memory_space<vmem_shared>>
    tpu.wait_indirect_dma semaphore(%arg18 : memref<!tpu.dma_semaphore, #tpu.memory_space<semaphore_mem>>) src(%dma_wait3A_669 : memref<256x128xf32, #tpu.memory_space<vmem_shared>>) dst(%dma_wait3A_664 : memref<64x128xf32, #tpu.memory_space<vmem>>)
    %dma_wait3A_670 = arith.constant 0 : i32
    %dma_wait3A_671 = arith.constant 0 : i32
    %dma_wait3A_672 = arith.constant 0 : i32
    %dma_wait3A_673 = tpu.memref_slice %arg17[%dma_wait3A_670, %dma_wait3A_671, %dma_wait3A_672] : memref<4x64x128xf32, #tpu.memory_space<vmem>> -> memref<1x64x128xf32, #tpu.memory_space<vmem>>
    %dma_wait3A_674 = tpu.memref_squeeze %dma_wait3A_673 : memref<1x64x128xf32, #tpu.memory_space<vmem>> -> memref<64x128xf32, #tpu.memory_space<vmem>>
    %dma_wait3A_675 = arith.constant 256 : i32
    %dma_wait3A_676 = tpu.memref_slice %arg14[%dma_wait3A_675] : memref<512xi32, #tpu.memory_space<vmem>> -> memref<64xi32, #tpu.memory_space<vmem>>
    %dma_wait3A_677 = arith.constant 0 : i32
    %dma_wait3A_678 = arith.constant 0 : i32
    %dma_wait3A_679 = tpu.memref_slice %arg11[%dma_wait3A_677, %dma_wait3A_678] : memref<256x128xf32, #tpu.memory_space<vmem_shared>> -> memref<256x128xf32, #tpu.memory_space<vmem_shared>>
    tpu.wait_indirect_dma semaphore(%arg18 : memref<!tpu.dma_semaphore, #tpu.memory_space<semaphore_mem>>) src(%dma_wait3A_679 : memref<256x128xf32, #tpu.memory_space<vmem_shared>>) dst(%dma_wait3A_674 : memref<64x128xf32, #tpu.memory_space<vmem>>)
    %add3A_680 = arith.constant 256 : i32
    %add3A_681 = arith.addi %mul3A_2, %add3A_680 : i32
    %dma_start3A_682 = arith.constant 0 : i32
    %dma_start3A_683 = arith.constant 0 : i32
    %dma_start3A_684 = arith.constant 0 : i32
    %dma_start3A_685 = tpu.memref_slice %arg15[%dma_start3A_682, %dma_start3A_683, %dma_start3A_684] : memref<4x64x128xf32, #tpu.memory_space<vmem>> -> memref<1x64x128xf32, #tpu.memory_space<vmem>>
    %dma_start3A_686 = tpu.memref_squeeze %dma_start3A_685 : memref<1x64x128xf32, #tpu.memory_space<vmem>> -> memref<64x128xf32, #tpu.memory_space<vmem>>
    %dma_start3A_687 = arith.constant 0 : i32
    %dma_start3A_688 = tpu.memref_slice %arg8[%add3A_681, %dma_start3A_687] : memref<16384x384xf32, #tpu.memory_space<hbm>> -> memref<64x128xf32, #tpu.memory_space<hbm>>
    %dma_start3A_689 = arith.constant 0 : i32
    %dma_start3A_690 = tpu.memref_slice %arg8[%add3A_681, %dma_start3A_689] : memref<16384x384xf32, #tpu.memory_space<hbm>> -> memref<64x128xf32, #tpu.memory_space<hbm>>
    %dma_start3A_691 = arith.constant 0 : i32
    %dma_start3A_692 = arith.constant 0 : i32
    %dma_start3A_693 = tpu.memref_slice %arg15[%dma_start3A_682, %dma_start3A_691, %dma_start3A_692] : memref<4x64x128xf32, #tpu.memory_space<vmem>> -> memref<1x64x128xf32, #tpu.memory_space<vmem>>
    %dma_start3A_694 = tpu.memref_squeeze %dma_start3A_693 : memref<1x64x128xf32, #tpu.memory_space<vmem>> -> memref<64x128xf32, #tpu.memory_space<vmem>>
    tpu.enqueue_dma source(%dma_start3A_694 : memref<64x128xf32, #tpu.memory_space<vmem>>) target(%dma_start3A_690 : memref<64x128xf32, #tpu.memory_space<hbm>>) target_semaphore(%arg22 : memref<!tpu.dma_semaphore, #tpu.memory_space<semaphore_mem>>)
    %dma_start3A_695 = arith.constant 0 : i32
    %dma_start3A_696 = arith.constant 0 : i32
    %dma_start3A_697 = arith.constant 0 : i32
    %dma_start3A_698 = tpu.memref_slice %arg16[%dma_start3A_695, %dma_start3A_696, %dma_start3A_697] : memref<4x64x128xf32, #tpu.memory_space<vmem>> -> memref<1x64x128xf32, #tpu.memory_space<vmem>>
    %dma_start3A_699 = tpu.memref_squeeze %dma_start3A_698 : memref<1x64x128xf32, #tpu.memory_space<vmem>> -> memref<64x128xf32, #tpu.memory_space<vmem>>
    %dma_start3A_700 = arith.constant 128 : i32
    %dma_start3A_701 = tpu.memref_slice %arg8[%add3A_681, %dma_start3A_700] : memref<16384x384xf32, #tpu.memory_space<hbm>> -> memref<64x128xf32, #tpu.memory_space<hbm>>
    %dma_start3A_702 = arith.constant 128 : i32
    %dma_start3A_703 = tpu.memref_slice %arg8[%add3A_681, %dma_start3A_702] : memref<16384x384xf32, #tpu.memory_space<hbm>> -> memref<64x128xf32, #tpu.memory_space<hbm>>
    %dma_start3A_704 = arith.constant 0 : i32
    %dma_start3A_705 = arith.constant 0 : i32
    %dma_start3A_706 = tpu.memref_slice %arg16[%dma_start3A_695, %dma_start3A_704, %dma_start3A_705] : memref<4x64x128xf32, #tpu.memory_space<vmem>> -> memref<1x64x128xf32, #tpu.memory_space<vmem>>
    %dma_start3A_707 = tpu.memref_squeeze %dma_start3A_706 : memref<1x64x128xf32, #tpu.memory_space<vmem>> -> memref<64x128xf32, #tpu.memory_space<vmem>>
    tpu.enqueue_dma source(%dma_start3A_707 : memref<64x128xf32, #tpu.memory_space<vmem>>) target(%dma_start3A_703 : memref<64x128xf32, #tpu.memory_space<hbm>>) target_semaphore(%arg22 : memref<!tpu.dma_semaphore, #tpu.memory_space<semaphore_mem>>)
    %dma_start3A_708 = arith.constant 0 : i32
    %dma_start3A_709 = arith.constant 0 : i32
    %dma_start3A_710 = arith.constant 0 : i32
    %dma_start3A_711 = tpu.memref_slice %arg17[%dma_start3A_708, %dma_start3A_709, %dma_start3A_710] : memref<4x64x128xf32, #tpu.memory_space<vmem>> -> memref<1x64x128xf32, #tpu.memory_space<vmem>>
    %dma_start3A_712 = tpu.memref_squeeze %dma_start3A_711 : memref<1x64x128xf32, #tpu.memory_space<vmem>> -> memref<64x128xf32, #tpu.memory_space<vmem>>
    %dma_start3A_713 = arith.constant 256 : i32
    %dma_start3A_714 = tpu.memref_slice %arg8[%add3A_681, %dma_start3A_713] : memref<16384x384xf32, #tpu.memory_space<hbm>> -> memref<64x128xf32, #tpu.memory_space<hbm>>
    %dma_start3A_715 = arith.constant 256 : i32
    %dma_start3A_716 = tpu.memref_slice %arg8[%add3A_681, %dma_start3A_715] : memref<16384x384xf32, #tpu.memory_space<hbm>> -> memref<64x128xf32, #tpu.memory_space<hbm>>
    %dma_start3A_717 = arith.constant 0 : i32
    %dma_start3A_718 = arith.constant 0 : i32
    %dma_start3A_719 = tpu.memref_slice %arg17[%dma_start3A_708, %dma_start3A_717, %dma_start3A_718] : memref<4x64x128xf32, #tpu.memory_space<vmem>> -> memref<1x64x128xf32, #tpu.memory_space<vmem>>
    %dma_start3A_720 = tpu.memref_squeeze %dma_start3A_719 : memref<1x64x128xf32, #tpu.memory_space<vmem>> -> memref<64x128xf32, #tpu.memory_space<vmem>>
    tpu.enqueue_dma source(%dma_start3A_720 : memref<64x128xf32, #tpu.memory_space<vmem>>) target(%dma_start3A_716 : memref<64x128xf32, #tpu.memory_space<hbm>>) target_semaphore(%arg22 : memref<!tpu.dma_semaphore, #tpu.memory_space<semaphore_mem>>)
    %dma_wait3A_721 = arith.constant 3 : i32
    %dma_wait3A_722 = arith.constant 0 : i32
    %dma_wait3A_723 = arith.constant 0 : i32
    %dma_wait3A_724 = tpu.memref_slice %arg15[%dma_wait3A_721, %dma_wait3A_722, %dma_wait3A_723] : memref<4x64x128xf32, #tpu.memory_space<vmem>> -> memref<1x64x128xf32, #tpu.memory_space<vmem>>
    %dma_wait3A_725 = tpu.memref_squeeze %dma_wait3A_724 : memref<1x64x128xf32, #tpu.memory_space<vmem>> -> memref<64x128xf32, #tpu.memory_space<vmem>>
    %dma_wait3A_726 = arith.constant 0 : i32
    %dma_wait3A_727 = tpu.memref_slice %arg8[%add3A_541, %dma_wait3A_726] : memref<16384x384xf32, #tpu.memory_space<hbm>> -> memref<64x128xf32, #tpu.memory_space<hbm>>
    %dma_wait3A_728 = arith.constant 0 : i32
    %dma_wait3A_729 = tpu.memref_slice %arg8[%add3A_541, %dma_wait3A_728] : memref<16384x384xf32, #tpu.memory_space<hbm>> -> memref<64x128xf32, #tpu.memory_space<hbm>>
    %dma_wait3A_730 = arith.constant 0 : i32
    %dma_wait3A_731 = arith.constant 0 : i32
    %dma_wait3A_732 = tpu.memref_slice %arg15[%dma_wait3A_721, %dma_wait3A_730, %dma_wait3A_731] : memref<4x64x128xf32, #tpu.memory_space<vmem>> -> memref<1x64x128xf32, #tpu.memory_space<vmem>>
    %dma_wait3A_733 = tpu.memref_squeeze %dma_wait3A_732 : memref<1x64x128xf32, #tpu.memory_space<vmem>> -> memref<64x128xf32, #tpu.memory_space<vmem>>
    tpu.wait_dma2 semaphore(%arg25 : memref<!tpu.dma_semaphore, #tpu.memory_space<semaphore_mem>>) src(%dma_wait3A_733 : memref<64x128xf32, #tpu.memory_space<vmem>>) dst(%dma_wait3A_729 : memref<64x128xf32, #tpu.memory_space<hbm>>)
    %dma_wait3A_734 = arith.constant 3 : i32
    %dma_wait3A_735 = arith.constant 0 : i32
    %dma_wait3A_736 = arith.constant 0 : i32
    %dma_wait3A_737 = tpu.memref_slice %arg16[%dma_wait3A_734, %dma_wait3A_735, %dma_wait3A_736] : memref<4x64x128xf32, #tpu.memory_space<vmem>> -> memref<1x64x128xf32, #tpu.memory_space<vmem>>
    %dma_wait3A_738 = tpu.memref_squeeze %dma_wait3A_737 : memref<1x64x128xf32, #tpu.memory_space<vmem>> -> memref<64x128xf32, #tpu.memory_space<vmem>>
    %dma_wait3A_739 = arith.constant 128 : i32
    %dma_wait3A_740 = tpu.memref_slice %arg8[%add3A_541, %dma_wait3A_739] : memref<16384x384xf32, #tpu.memory_space<hbm>> -> memref<64x128xf32, #tpu.memory_space<hbm>>
    %dma_wait3A_741 = arith.constant 128 : i32
    %dma_wait3A_742 = tpu.memref_slice %arg8[%add3A_541, %dma_wait3A_741] : memref<16384x384xf32, #tpu.memory_space<hbm>> -> memref<64x128xf32, #tpu.memory_space<hbm>>
    %dma_wait3A_743 = arith.constant 0 : i32
    %dma_wait3A_744 = arith.constant 0 : i32
    %dma_wait3A_745 = tpu.memref_slice %arg16[%dma_wait3A_734, %dma_wait3A_743, %dma_wait3A_744] : memref<4x64x128xf32, #tpu.memory_space<vmem>> -> memref<1x64x128xf32, #tpu.memory_space<vmem>>
    %dma_wait3A_746 = tpu.memref_squeeze %dma_wait3A_745 : memref<1x64x128xf32, #tpu.memory_space<vmem>> -> memref<64x128xf32, #tpu.memory_space<vmem>>
    tpu.wait_dma2 semaphore(%arg25 : memref<!tpu.dma_semaphore, #tpu.memory_space<semaphore_mem>>) src(%dma_wait3A_746 : memref<64x128xf32, #tpu.memory_space<vmem>>) dst(%dma_wait3A_742 : memref<64x128xf32, #tpu.memory_space<hbm>>)
    %dma_wait3A_747 = arith.constant 3 : i32
    %dma_wait3A_748 = arith.constant 0 : i32
    %dma_wait3A_749 = arith.constant 0 : i32
    %dma_wait3A_750 = tpu.memref_slice %arg17[%dma_wait3A_747, %dma_wait3A_748, %dma_wait3A_749] : memref<4x64x128xf32, #tpu.memory_space<vmem>> -> memref<1x64x128xf32, #tpu.memory_space<vmem>>
    %dma_wait3A_751 = tpu.memref_squeeze %dma_wait3A_750 : memref<1x64x128xf32, #tpu.memory_space<vmem>> -> memref<64x128xf32, #tpu.memory_space<vmem>>
    %dma_wait3A_752 = arith.constant 256 : i32
    %dma_wait3A_753 = tpu.memref_slice %arg8[%add3A_541, %dma_wait3A_752] : memref<16384x384xf32, #tpu.memory_space<hbm>> -> memref<64x128xf32, #tpu.memory_space<hbm>>
    %dma_wait3A_754 = arith.constant 256 : i32
    %dma_wait3A_755 = tpu.memref_slice %arg8[%add3A_541, %dma_wait3A_754] : memref<16384x384xf32, #tpu.memory_space<hbm>> -> memref<64x128xf32, #tpu.memory_space<hbm>>
    %dma_wait3A_756 = arith.constant 0 : i32
    %dma_wait3A_757 = arith.constant 0 : i32
    %dma_wait3A_758 = tpu.memref_slice %arg17[%dma_wait3A_747, %dma_wait3A_756, %dma_wait3A_757] : memref<4x64x128xf32, #tpu.memory_space<vmem>> -> memref<1x64x128xf32, #tpu.memory_space<vmem>>
    %dma_wait3A_759 = tpu.memref_squeeze %dma_wait3A_758 : memref<1x64x128xf32, #tpu.memory_space<vmem>> -> memref<64x128xf32, #tpu.memory_space<vmem>>
    tpu.wait_dma2 semaphore(%arg25 : memref<!tpu.dma_semaphore, #tpu.memory_space<semaphore_mem>>) src(%dma_wait3A_759 : memref<64x128xf32, #tpu.memory_space<vmem>>) dst(%dma_wait3A_755 : memref<64x128xf32, #tpu.memory_space<hbm>>)
    %dma_start3A_760 = arith.constant 3 : i32
    %dma_start3A_761 = arith.constant 0 : i32
    %dma_start3A_762 = arith.constant 0 : i32
    %dma_start3A_763 = tpu.memref_slice %arg15[%dma_start3A_760, %dma_start3A_761, %dma_start3A_762] : memref<4x64x128xf32, #tpu.memory_space<vmem>> -> memref<1x64x128xf32, #tpu.memory_space<vmem>>
    %dma_start3A_764 = tpu.memref_squeeze %dma_start3A_763 : memref<1x64x128xf32, #tpu.memory_space<vmem>> -> memref<64x128xf32, #tpu.memory_space<vmem>>
    %dma_start3A_765 = arith.constant 448 : i32
    %dma_start3A_766 = tpu.memref_slice %arg12[%dma_start3A_765] : memref<512xi32, #tpu.memory_space<vmem>> -> memref<64xi32, #tpu.memory_space<vmem>>
    %dma_start3A_767 = arith.constant 0 : i32
    %dma_start3A_768 = arith.constant 0 : i32
    %dma_start3A_769 = tpu.memref_slice %arg9[%dma_start3A_767, %dma_start3A_768] : memref<256x128xf32, #tpu.memory_space<vmem_shared>> -> memref<256x128xf32, #tpu.memory_space<vmem_shared>>
    tpu.enqueue_indirect_dma source(%dma_start3A_769 : memref<256x128xf32, #tpu.memory_space<vmem_shared>>) target(%dma_start3A_764 : memref<64x128xf32, #tpu.memory_space<vmem>>) offsets(%dma_start3A_766 : memref<64xi32, #tpu.memory_space<vmem>>) semaphore(%arg21 : memref<!tpu.dma_semaphore, #tpu.memory_space<semaphore_mem>>)
    %dma_start3A_770 = arith.constant 3 : i32
    %dma_start3A_771 = arith.constant 0 : i32
    %dma_start3A_772 = arith.constant 0 : i32
    %dma_start3A_773 = tpu.memref_slice %arg16[%dma_start3A_770, %dma_start3A_771, %dma_start3A_772] : memref<4x64x128xf32, #tpu.memory_space<vmem>> -> memref<1x64x128xf32, #tpu.memory_space<vmem>>
    %dma_start3A_774 = tpu.memref_squeeze %dma_start3A_773 : memref<1x64x128xf32, #tpu.memory_space<vmem>> -> memref<64x128xf32, #tpu.memory_space<vmem>>
    %dma_start3A_775 = arith.constant 448 : i32
    %dma_start3A_776 = tpu.memref_slice %arg13[%dma_start3A_775] : memref<512xi32, #tpu.memory_space<vmem>> -> memref<64xi32, #tpu.memory_space<vmem>>
    %dma_start3A_777 = arith.constant 0 : i32
    %dma_start3A_778 = arith.constant 0 : i32
    %dma_start3A_779 = tpu.memref_slice %arg10[%dma_start3A_777, %dma_start3A_778] : memref<256x128xf32, #tpu.memory_space<vmem_shared>> -> memref<256x128xf32, #tpu.memory_space<vmem_shared>>
    tpu.enqueue_indirect_dma source(%dma_start3A_779 : memref<256x128xf32, #tpu.memory_space<vmem_shared>>) target(%dma_start3A_774 : memref<64x128xf32, #tpu.memory_space<vmem>>) offsets(%dma_start3A_776 : memref<64xi32, #tpu.memory_space<vmem>>) semaphore(%arg21 : memref<!tpu.dma_semaphore, #tpu.memory_space<semaphore_mem>>)
    %dma_start3A_780 = arith.constant 3 : i32
    %dma_start3A_781 = arith.constant 0 : i32
    %dma_start3A_782 = arith.constant 0 : i32
    %dma_start3A_783 = tpu.memref_slice %arg17[%dma_start3A_780, %dma_start3A_781, %dma_start3A_782] : memref<4x64x128xf32, #tpu.memory_space<vmem>> -> memref<1x64x128xf32, #tpu.memory_space<vmem>>
    %dma_start3A_784 = tpu.memref_squeeze %dma_start3A_783 : memref<1x64x128xf32, #tpu.memory_space<vmem>> -> memref<64x128xf32, #tpu.memory_space<vmem>>
    %dma_start3A_785 = arith.constant 448 : i32
    %dma_start3A_786 = tpu.memref_slice %arg14[%dma_start3A_785] : memref<512xi32, #tpu.memory_space<vmem>> -> memref<64xi32, #tpu.memory_space<vmem>>
    %dma_start3A_787 = arith.constant 0 : i32
    %dma_start3A_788 = arith.constant 0 : i32
    %dma_start3A_789 = tpu.memref_slice %arg11[%dma_start3A_787, %dma_start3A_788] : memref<256x128xf32, #tpu.memory_space<vmem_shared>> -> memref<256x128xf32, #tpu.memory_space<vmem_shared>>
    tpu.enqueue_indirect_dma source(%dma_start3A_789 : memref<256x128xf32, #tpu.memory_space<vmem_shared>>) target(%dma_start3A_784 : memref<64x128xf32, #tpu.memory_space<vmem>>) offsets(%dma_start3A_786 : memref<64xi32, #tpu.memory_space<vmem>>) semaphore(%arg21 : memref<!tpu.dma_semaphore, #tpu.memory_space<semaphore_mem>>)
    %dma_wait3A_790 = arith.constant 1 : i32
    %dma_wait3A_791 = arith.constant 0 : i32
    %dma_wait3A_792 = arith.constant 0 : i32
    %dma_wait3A_793 = tpu.memref_slice %arg15[%dma_wait3A_790, %dma_wait3A_791, %dma_wait3A_792] : memref<4x64x128xf32, #tpu.memory_space<vmem>> -> memref<1x64x128xf32, #tpu.memory_space<vmem>>
    %dma_wait3A_794 = tpu.memref_squeeze %dma_wait3A_793 : memref<1x64x128xf32, #tpu.memory_space<vmem>> -> memref<64x128xf32, #tpu.memory_space<vmem>>
    %dma_wait3A_795 = arith.constant 320 : i32
    %dma_wait3A_796 = tpu.memref_slice %arg12[%dma_wait3A_795] : memref<512xi32, #tpu.memory_space<vmem>> -> memref<64xi32, #tpu.memory_space<vmem>>
    %dma_wait3A_797 = arith.constant 0 : i32
    %dma_wait3A_798 = arith.constant 0 : i32
    %dma_wait3A_799 = tpu.memref_slice %arg9[%dma_wait3A_797, %dma_wait3A_798] : memref<256x128xf32, #tpu.memory_space<vmem_shared>> -> memref<256x128xf32, #tpu.memory_space<vmem_shared>>
    tpu.wait_indirect_dma semaphore(%arg19 : memref<!tpu.dma_semaphore, #tpu.memory_space<semaphore_mem>>) src(%dma_wait3A_799 : memref<256x128xf32, #tpu.memory_space<vmem_shared>>) dst(%dma_wait3A_794 : memref<64x128xf32, #tpu.memory_space<vmem>>)
    %dma_wait3A_800 = arith.constant 1 : i32
    %dma_wait3A_801 = arith.constant 0 : i32
    %dma_wait3A_802 = arith.constant 0 : i32
    %dma_wait3A_803 = tpu.memref_slice %arg16[%dma_wait3A_800, %dma_wait3A_801, %dma_wait3A_802] : memref<4x64x128xf32, #tpu.memory_space<vmem>> -> memref<1x64x128xf32, #tpu.memory_space<vmem>>
    %dma_wait3A_804 = tpu.memref_squeeze %dma_wait3A_803 : memref<1x64x128xf32, #tpu.memory_space<vmem>> -> memref<64x128xf32, #tpu.memory_space<vmem>>
    %dma_wait3A_805 = arith.constant 320 : i32
    %dma_wait3A_806 = tpu.memref_slice %arg13[%dma_wait3A_805] : memref<512xi32, #tpu.memory_space<vmem>> -> memref<64xi32, #tpu.memory_space<vmem>>
    %dma_wait3A_807 = arith.constant 0 : i32
    %dma_wait3A_808 = arith.constant 0 : i32
    %dma_wait3A_809 = tpu.memref_slice %arg10[%dma_wait3A_807, %dma_wait3A_808] : memref<256x128xf32, #tpu.memory_space<vmem_shared>> -> memref<256x128xf32, #tpu.memory_space<vmem_shared>>
    tpu.wait_indirect_dma semaphore(%arg19 : memref<!tpu.dma_semaphore, #tpu.memory_space<semaphore_mem>>) src(%dma_wait3A_809 : memref<256x128xf32, #tpu.memory_space<vmem_shared>>) dst(%dma_wait3A_804 : memref<64x128xf32, #tpu.memory_space<vmem>>)
    %dma_wait3A_810 = arith.constant 1 : i32
    %dma_wait3A_811 = arith.constant 0 : i32
    %dma_wait3A_812 = arith.constant 0 : i32
    %dma_wait3A_813 = tpu.memref_slice %arg17[%dma_wait3A_810, %dma_wait3A_811, %dma_wait3A_812] : memref<4x64x128xf32, #tpu.memory_space<vmem>> -> memref<1x64x128xf32, #tpu.memory_space<vmem>>
    %dma_wait3A_814 = tpu.memref_squeeze %dma_wait3A_813 : memref<1x64x128xf32, #tpu.memory_space<vmem>> -> memref<64x128xf32, #tpu.memory_space<vmem>>
    %dma_wait3A_815 = arith.constant 320 : i32
    %dma_wait3A_816 = tpu.memref_slice %arg14[%dma_wait3A_815] : memref<512xi32, #tpu.memory_space<vmem>> -> memref<64xi32, #tpu.memory_space<vmem>>
    %dma_wait3A_817 = arith.constant 0 : i32
    %dma_wait3A_818 = arith.constant 0 : i32
    %dma_wait3A_819 = tpu.memref_slice %arg11[%dma_wait3A_817, %dma_wait3A_818] : memref<256x128xf32, #tpu.memory_space<vmem_shared>> -> memref<256x128xf32, #tpu.memory_space<vmem_shared>>
    tpu.wait_indirect_dma semaphore(%arg19 : memref<!tpu.dma_semaphore, #tpu.memory_space<semaphore_mem>>) src(%dma_wait3A_819 : memref<256x128xf32, #tpu.memory_space<vmem_shared>>) dst(%dma_wait3A_814 : memref<64x128xf32, #tpu.memory_space<vmem>>)
    %add3A_820 = arith.constant 320 : i32
    %add3A_821 = arith.addi %mul3A_2, %add3A_820 : i32
    %dma_start3A_822 = arith.constant 1 : i32
    %dma_start3A_823 = arith.constant 0 : i32
    %dma_start3A_824 = arith.constant 0 : i32
    %dma_start3A_825 = tpu.memref_slice %arg15[%dma_start3A_822, %dma_start3A_823, %dma_start3A_824] : memref<4x64x128xf32, #tpu.memory_space<vmem>> -> memref<1x64x128xf32, #tpu.memory_space<vmem>>
    %dma_start3A_826 = tpu.memref_squeeze %dma_start3A_825 : memref<1x64x128xf32, #tpu.memory_space<vmem>> -> memref<64x128xf32, #tpu.memory_space<vmem>>
    %dma_start3A_827 = arith.constant 0 : i32
    %dma_start3A_828 = tpu.memref_slice %arg8[%add3A_821, %dma_start3A_827] : memref<16384x384xf32, #tpu.memory_space<hbm>> -> memref<64x128xf32, #tpu.memory_space<hbm>>
    %dma_start3A_829 = arith.constant 0 : i32
    %dma_start3A_830 = tpu.memref_slice %arg8[%add3A_821, %dma_start3A_829] : memref<16384x384xf32, #tpu.memory_space<hbm>> -> memref<64x128xf32, #tpu.memory_space<hbm>>
    %dma_start3A_831 = arith.constant 0 : i32
    %dma_start3A_832 = arith.constant 0 : i32
    %dma_start3A_833 = tpu.memref_slice %arg15[%dma_start3A_822, %dma_start3A_831, %dma_start3A_832] : memref<4x64x128xf32, #tpu.memory_space<vmem>> -> memref<1x64x128xf32, #tpu.memory_space<vmem>>
    %dma_start3A_834 = tpu.memref_squeeze %dma_start3A_833 : memref<1x64x128xf32, #tpu.memory_space<vmem>> -> memref<64x128xf32, #tpu.memory_space<vmem>>
    tpu.enqueue_dma source(%dma_start3A_834 : memref<64x128xf32, #tpu.memory_space<vmem>>) target(%dma_start3A_830 : memref<64x128xf32, #tpu.memory_space<hbm>>) target_semaphore(%arg23 : memref<!tpu.dma_semaphore, #tpu.memory_space<semaphore_mem>>)
    %dma_start3A_835 = arith.constant 1 : i32
    %dma_start3A_836 = arith.constant 0 : i32
    %dma_start3A_837 = arith.constant 0 : i32
    %dma_start3A_838 = tpu.memref_slice %arg16[%dma_start3A_835, %dma_start3A_836, %dma_start3A_837] : memref<4x64x128xf32, #tpu.memory_space<vmem>> -> memref<1x64x128xf32, #tpu.memory_space<vmem>>
    %dma_start3A_839 = tpu.memref_squeeze %dma_start3A_838 : memref<1x64x128xf32, #tpu.memory_space<vmem>> -> memref<64x128xf32, #tpu.memory_space<vmem>>
    %dma_start3A_840 = arith.constant 128 : i32
    %dma_start3A_841 = tpu.memref_slice %arg8[%add3A_821, %dma_start3A_840] : memref<16384x384xf32, #tpu.memory_space<hbm>> -> memref<64x128xf32, #tpu.memory_space<hbm>>
    %dma_start3A_842 = arith.constant 128 : i32
    %dma_start3A_843 = tpu.memref_slice %arg8[%add3A_821, %dma_start3A_842] : memref<16384x384xf32, #tpu.memory_space<hbm>> -> memref<64x128xf32, #tpu.memory_space<hbm>>
    %dma_start3A_844 = arith.constant 0 : i32
    %dma_start3A_845 = arith.constant 0 : i32
    %dma_start3A_846 = tpu.memref_slice %arg16[%dma_start3A_835, %dma_start3A_844, %dma_start3A_845] : memref<4x64x128xf32, #tpu.memory_space<vmem>> -> memref<1x64x128xf32, #tpu.memory_space<vmem>>
    %dma_start3A_847 = tpu.memref_squeeze %dma_start3A_846 : memref<1x64x128xf32, #tpu.memory_space<vmem>> -> memref<64x128xf32, #tpu.memory_space<vmem>>
    tpu.enqueue_dma source(%dma_start3A_847 : memref<64x128xf32, #tpu.memory_space<vmem>>) target(%dma_start3A_843 : memref<64x128xf32, #tpu.memory_space<hbm>>) target_semaphore(%arg23 : memref<!tpu.dma_semaphore, #tpu.memory_space<semaphore_mem>>)
    %dma_start3A_848 = arith.constant 1 : i32
    %dma_start3A_849 = arith.constant 0 : i32
    %dma_start3A_850 = arith.constant 0 : i32
    %dma_start3A_851 = tpu.memref_slice %arg17[%dma_start3A_848, %dma_start3A_849, %dma_start3A_850] : memref<4x64x128xf32, #tpu.memory_space<vmem>> -> memref<1x64x128xf32, #tpu.memory_space<vmem>>
    %dma_start3A_852 = tpu.memref_squeeze %dma_start3A_851 : memref<1x64x128xf32, #tpu.memory_space<vmem>> -> memref<64x128xf32, #tpu.memory_space<vmem>>
    %dma_start3A_853 = arith.constant 256 : i32
    %dma_start3A_854 = tpu.memref_slice %arg8[%add3A_821, %dma_start3A_853] : memref<16384x384xf32, #tpu.memory_space<hbm>> -> memref<64x128xf32, #tpu.memory_space<hbm>>
    %dma_start3A_855 = arith.constant 256 : i32
    %dma_start3A_856 = tpu.memref_slice %arg8[%add3A_821, %dma_start3A_855] : memref<16384x384xf32, #tpu.memory_space<hbm>> -> memref<64x128xf32, #tpu.memory_space<hbm>>
    %dma_start3A_857 = arith.constant 0 : i32
    %dma_start3A_858 = arith.constant 0 : i32
    %dma_start3A_859 = tpu.memref_slice %arg17[%dma_start3A_848, %dma_start3A_857, %dma_start3A_858] : memref<4x64x128xf32, #tpu.memory_space<vmem>> -> memref<1x64x128xf32, #tpu.memory_space<vmem>>
    %dma_start3A_860 = tpu.memref_squeeze %dma_start3A_859 : memref<1x64x128xf32, #tpu.memory_space<vmem>> -> memref<64x128xf32, #tpu.memory_space<vmem>>
    tpu.enqueue_dma source(%dma_start3A_860 : memref<64x128xf32, #tpu.memory_space<vmem>>) target(%dma_start3A_856 : memref<64x128xf32, #tpu.memory_space<hbm>>) target_semaphore(%arg23 : memref<!tpu.dma_semaphore, #tpu.memory_space<semaphore_mem>>)
    %dma_wait3A_861 = arith.constant 2 : i32
    %dma_wait3A_862 = arith.constant 0 : i32
    %dma_wait3A_863 = arith.constant 0 : i32
    %dma_wait3A_864 = tpu.memref_slice %arg15[%dma_wait3A_861, %dma_wait3A_862, %dma_wait3A_863] : memref<4x64x128xf32, #tpu.memory_space<vmem>> -> memref<1x64x128xf32, #tpu.memory_space<vmem>>
    %dma_wait3A_865 = tpu.memref_squeeze %dma_wait3A_864 : memref<1x64x128xf32, #tpu.memory_space<vmem>> -> memref<64x128xf32, #tpu.memory_space<vmem>>
    %dma_wait3A_866 = arith.constant 384 : i32
    %dma_wait3A_867 = tpu.memref_slice %arg12[%dma_wait3A_866] : memref<512xi32, #tpu.memory_space<vmem>> -> memref<64xi32, #tpu.memory_space<vmem>>
    %dma_wait3A_868 = arith.constant 0 : i32
    %dma_wait3A_869 = arith.constant 0 : i32
    %dma_wait3A_870 = tpu.memref_slice %arg9[%dma_wait3A_868, %dma_wait3A_869] : memref<256x128xf32, #tpu.memory_space<vmem_shared>> -> memref<256x128xf32, #tpu.memory_space<vmem_shared>>
    tpu.wait_indirect_dma semaphore(%arg20 : memref<!tpu.dma_semaphore, #tpu.memory_space<semaphore_mem>>) src(%dma_wait3A_870 : memref<256x128xf32, #tpu.memory_space<vmem_shared>>) dst(%dma_wait3A_865 : memref<64x128xf32, #tpu.memory_space<vmem>>)
    %dma_wait3A_871 = arith.constant 2 : i32
    %dma_wait3A_872 = arith.constant 0 : i32
    %dma_wait3A_873 = arith.constant 0 : i32
    %dma_wait3A_874 = tpu.memref_slice %arg16[%dma_wait3A_871, %dma_wait3A_872, %dma_wait3A_873] : memref<4x64x128xf32, #tpu.memory_space<vmem>> -> memref<1x64x128xf32, #tpu.memory_space<vmem>>
    %dma_wait3A_875 = tpu.memref_squeeze %dma_wait3A_874 : memref<1x64x128xf32, #tpu.memory_space<vmem>> -> memref<64x128xf32, #tpu.memory_space<vmem>>
    %dma_wait3A_876 = arith.constant 384 : i32
    %dma_wait3A_877 = tpu.memref_slice %arg13[%dma_wait3A_876] : memref<512xi32, #tpu.memory_space<vmem>> -> memref<64xi32, #tpu.memory_space<vmem>>
    %dma_wait3A_878 = arith.constant 0 : i32
    %dma_wait3A_879 = arith.constant 0 : i32
    %dma_wait3A_880 = tpu.memref_slice %arg10[%dma_wait3A_878, %dma_wait3A_879] : memref<256x128xf32, #tpu.memory_space<vmem_shared>> -> memref<256x128xf32, #tpu.memory_space<vmem_shared>>
    tpu.wait_indirect_dma semaphore(%arg20 : memref<!tpu.dma_semaphore, #tpu.memory_space<semaphore_mem>>) src(%dma_wait3A_880 : memref<256x128xf32, #tpu.memory_space<vmem_shared>>) dst(%dma_wait3A_875 : memref<64x128xf32, #tpu.memory_space<vmem>>)
    %dma_wait3A_881 = arith.constant 2 : i32
    %dma_wait3A_882 = arith.constant 0 : i32
    %dma_wait3A_883 = arith.constant 0 : i32
    %dma_wait3A_884 = tpu.memref_slice %arg17[%dma_wait3A_881, %dma_wait3A_882, %dma_wait3A_883] : memref<4x64x128xf32, #tpu.memory_space<vmem>> -> memref<1x64x128xf32, #tpu.memory_space<vmem>>
    %dma_wait3A_885 = tpu.memref_squeeze %dma_wait3A_884 : memref<1x64x128xf32, #tpu.memory_space<vmem>> -> memref<64x128xf32, #tpu.memory_space<vmem>>
    %dma_wait3A_886 = arith.constant 384 : i32
    %dma_wait3A_887 = tpu.memref_slice %arg14[%dma_wait3A_886] : memref<512xi32, #tpu.memory_space<vmem>> -> memref<64xi32, #tpu.memory_space<vmem>>
    %dma_wait3A_888 = arith.constant 0 : i32
    %dma_wait3A_889 = arith.constant 0 : i32
    %dma_wait3A_890 = tpu.memref_slice %arg11[%dma_wait3A_888, %dma_wait3A_889] : memref<256x128xf32, #tpu.memory_space<vmem_shared>> -> memref<256x128xf32, #tpu.memory_space<vmem_shared>>
    tpu.wait_indirect_dma semaphore(%arg20 : memref<!tpu.dma_semaphore, #tpu.memory_space<semaphore_mem>>) src(%dma_wait3A_890 : memref<256x128xf32, #tpu.memory_space<vmem_shared>>) dst(%dma_wait3A_885 : memref<64x128xf32, #tpu.memory_space<vmem>>)
    %add3A_891 = arith.constant 384 : i32
    %add3A_892 = arith.addi %mul3A_2, %add3A_891 : i32
    %dma_start3A_893 = arith.constant 2 : i32
    %dma_start3A_894 = arith.constant 0 : i32
    %dma_start3A_895 = arith.constant 0 : i32
    %dma_start3A_896 = tpu.memref_slice %arg15[%dma_start3A_893, %dma_start3A_894, %dma_start3A_895] : memref<4x64x128xf32, #tpu.memory_space<vmem>> -> memref<1x64x128xf32, #tpu.memory_space<vmem>>
    %dma_start3A_897 = tpu.memref_squeeze %dma_start3A_896 : memref<1x64x128xf32, #tpu.memory_space<vmem>> -> memref<64x128xf32, #tpu.memory_space<vmem>>
    %dma_start3A_898 = arith.constant 0 : i32
    %dma_start3A_899 = tpu.memref_slice %arg8[%add3A_892, %dma_start3A_898] : memref<16384x384xf32, #tpu.memory_space<hbm>> -> memref<64x128xf32, #tpu.memory_space<hbm>>
    %dma_start3A_900 = arith.constant 0 : i32
    %dma_start3A_901 = tpu.memref_slice %arg8[%add3A_892, %dma_start3A_900] : memref<16384x384xf32, #tpu.memory_space<hbm>> -> memref<64x128xf32, #tpu.memory_space<hbm>>
    %dma_start3A_902 = arith.constant 0 : i32
    %dma_start3A_903 = arith.constant 0 : i32
    %dma_start3A_904 = tpu.memref_slice %arg15[%dma_start3A_893, %dma_start3A_902, %dma_start3A_903] : memref<4x64x128xf32, #tpu.memory_space<vmem>> -> memref<1x64x128xf32, #tpu.memory_space<vmem>>
    %dma_start3A_905 = tpu.memref_squeeze %dma_start3A_904 : memref<1x64x128xf32, #tpu.memory_space<vmem>> -> memref<64x128xf32, #tpu.memory_space<vmem>>
    tpu.enqueue_dma source(%dma_start3A_905 : memref<64x128xf32, #tpu.memory_space<vmem>>) target(%dma_start3A_901 : memref<64x128xf32, #tpu.memory_space<hbm>>) target_semaphore(%arg24 : memref<!tpu.dma_semaphore, #tpu.memory_space<semaphore_mem>>)
    %dma_start3A_906 = arith.constant 2 : i32
    %dma_start3A_907 = arith.constant 0 : i32
    %dma_start3A_908 = arith.constant 0 : i32
    %dma_start3A_909 = tpu.memref_slice %arg16[%dma_start3A_906, %dma_start3A_907, %dma_start3A_908] : memref<4x64x128xf32, #tpu.memory_space<vmem>> -> memref<1x64x128xf32, #tpu.memory_space<vmem>>
    %dma_start3A_910 = tpu.memref_squeeze %dma_start3A_909 : memref<1x64x128xf32, #tpu.memory_space<vmem>> -> memref<64x128xf32, #tpu.memory_space<vmem>>
    %dma_start3A_911 = arith.constant 128 : i32
    %dma_start3A_912 = tpu.memref_slice %arg8[%add3A_892, %dma_start3A_911] : memref<16384x384xf32, #tpu.memory_space<hbm>> -> memref<64x128xf32, #tpu.memory_space<hbm>>
    %dma_start3A_913 = arith.constant 128 : i32
    %dma_start3A_914 = tpu.memref_slice %arg8[%add3A_892, %dma_start3A_913] : memref<16384x384xf32, #tpu.memory_space<hbm>> -> memref<64x128xf32, #tpu.memory_space<hbm>>
    %dma_start3A_915 = arith.constant 0 : i32
    %dma_start3A_916 = arith.constant 0 : i32
    %dma_start3A_917 = tpu.memref_slice %arg16[%dma_start3A_906, %dma_start3A_915, %dma_start3A_916] : memref<4x64x128xf32, #tpu.memory_space<vmem>> -> memref<1x64x128xf32, #tpu.memory_space<vmem>>
    %dma_start3A_918 = tpu.memref_squeeze %dma_start3A_917 : memref<1x64x128xf32, #tpu.memory_space<vmem>> -> memref<64x128xf32, #tpu.memory_space<vmem>>
    tpu.enqueue_dma source(%dma_start3A_918 : memref<64x128xf32, #tpu.memory_space<vmem>>) target(%dma_start3A_914 : memref<64x128xf32, #tpu.memory_space<hbm>>) target_semaphore(%arg24 : memref<!tpu.dma_semaphore, #tpu.memory_space<semaphore_mem>>)
    %dma_start3A_919 = arith.constant 2 : i32
    %dma_start3A_920 = arith.constant 0 : i32
    %dma_start3A_921 = arith.constant 0 : i32
    %dma_start3A_922 = tpu.memref_slice %arg17[%dma_start3A_919, %dma_start3A_920, %dma_start3A_921] : memref<4x64x128xf32, #tpu.memory_space<vmem>> -> memref<1x64x128xf32, #tpu.memory_space<vmem>>
    %dma_start3A_923 = tpu.memref_squeeze %dma_start3A_922 : memref<1x64x128xf32, #tpu.memory_space<vmem>> -> memref<64x128xf32, #tpu.memory_space<vmem>>
    %dma_start3A_924 = arith.constant 256 : i32
    %dma_start3A_925 = tpu.memref_slice %arg8[%add3A_892, %dma_start3A_924] : memref<16384x384xf32, #tpu.memory_space<hbm>> -> memref<64x128xf32, #tpu.memory_space<hbm>>
    %dma_start3A_926 = arith.constant 256 : i32
    %dma_start3A_927 = tpu.memref_slice %arg8[%add3A_892, %dma_start3A_926] : memref<16384x384xf32, #tpu.memory_space<hbm>> -> memref<64x128xf32, #tpu.memory_space<hbm>>
    %dma_start3A_928 = arith.constant 0 : i32
    %dma_start3A_929 = arith.constant 0 : i32
    %dma_start3A_930 = tpu.memref_slice %arg17[%dma_start3A_919, %dma_start3A_928, %dma_start3A_929] : memref<4x64x128xf32, #tpu.memory_space<vmem>> -> memref<1x64x128xf32, #tpu.memory_space<vmem>>
    %dma_start3A_931 = tpu.memref_squeeze %dma_start3A_930 : memref<1x64x128xf32, #tpu.memory_space<vmem>> -> memref<64x128xf32, #tpu.memory_space<vmem>>
    tpu.enqueue_dma source(%dma_start3A_931 : memref<64x128xf32, #tpu.memory_space<vmem>>) target(%dma_start3A_927 : memref<64x128xf32, #tpu.memory_space<hbm>>) target_semaphore(%arg24 : memref<!tpu.dma_semaphore, #tpu.memory_space<semaphore_mem>>)
    %dma_wait3A_932 = arith.constant 3 : i32
    %dma_wait3A_933 = arith.constant 0 : i32
    %dma_wait3A_934 = arith.constant 0 : i32
    %dma_wait3A_935 = tpu.memref_slice %arg15[%dma_wait3A_932, %dma_wait3A_933, %dma_wait3A_934] : memref<4x64x128xf32, #tpu.memory_space<vmem>> -> memref<1x64x128xf32, #tpu.memory_space<vmem>>
    %dma_wait3A_936 = tpu.memref_squeeze %dma_wait3A_935 : memref<1x64x128xf32, #tpu.memory_space<vmem>> -> memref<64x128xf32, #tpu.memory_space<vmem>>
    %dma_wait3A_937 = arith.constant 448 : i32
    %dma_wait3A_938 = tpu.memref_slice %arg12[%dma_wait3A_937] : memref<512xi32, #tpu.memory_space<vmem>> -> memref<64xi32, #tpu.memory_space<vmem>>
    %dma_wait3A_939 = arith.constant 0 : i32
    %dma_wait3A_940 = arith.constant 0 : i32
    %dma_wait3A_941 = tpu.memref_slice %arg9[%dma_wait3A_939, %dma_wait3A_940] : memref<256x128xf32, #tpu.memory_space<vmem_shared>> -> memref<256x128xf32, #tpu.memory_space<vmem_shared>>
    tpu.wait_indirect_dma semaphore(%arg21 : memref<!tpu.dma_semaphore, #tpu.memory_space<semaphore_mem>>) src(%dma_wait3A_941 : memref<256x128xf32, #tpu.memory_space<vmem_shared>>) dst(%dma_wait3A_936 : memref<64x128xf32, #tpu.memory_space<vmem>>)
    %dma_wait3A_942 = arith.constant 3 : i32
    %dma_wait3A_943 = arith.constant 0 : i32
    %dma_wait3A_944 = arith.constant 0 : i32
    %dma_wait3A_945 = tpu.memref_slice %arg16[%dma_wait3A_942, %dma_wait3A_943, %dma_wait3A_944] : memref<4x64x128xf32, #tpu.memory_space<vmem>> -> memref<1x64x128xf32, #tpu.memory_space<vmem>>
    %dma_wait3A_946 = tpu.memref_squeeze %dma_wait3A_945 : memref<1x64x128xf32, #tpu.memory_space<vmem>> -> memref<64x128xf32, #tpu.memory_space<vmem>>
    %dma_wait3A_947 = arith.constant 448 : i32
    %dma_wait3A_948 = tpu.memref_slice %arg13[%dma_wait3A_947] : memref<512xi32, #tpu.memory_space<vmem>> -> memref<64xi32, #tpu.memory_space<vmem>>
    %dma_wait3A_949 = arith.constant 0 : i32
    %dma_wait3A_950 = arith.constant 0 : i32
    %dma_wait3A_951 = tpu.memref_slice %arg10[%dma_wait3A_949, %dma_wait3A_950] : memref<256x128xf32, #tpu.memory_space<vmem_shared>> -> memref<256x128xf32, #tpu.memory_space<vmem_shared>>
    tpu.wait_indirect_dma semaphore(%arg21 : memref<!tpu.dma_semaphore, #tpu.memory_space<semaphore_mem>>) src(%dma_wait3A_951 : memref<256x128xf32, #tpu.memory_space<vmem_shared>>) dst(%dma_wait3A_946 : memref<64x128xf32, #tpu.memory_space<vmem>>)
    %dma_wait3A_952 = arith.constant 3 : i32
    %dma_wait3A_953 = arith.constant 0 : i32
    %dma_wait3A_954 = arith.constant 0 : i32
    %dma_wait3A_955 = tpu.memref_slice %arg17[%dma_wait3A_952, %dma_wait3A_953, %dma_wait3A_954] : memref<4x64x128xf32, #tpu.memory_space<vmem>> -> memref<1x64x128xf32, #tpu.memory_space<vmem>>
    %dma_wait3A_956 = tpu.memref_squeeze %dma_wait3A_955 : memref<1x64x128xf32, #tpu.memory_space<vmem>> -> memref<64x128xf32, #tpu.memory_space<vmem>>
    %dma_wait3A_957 = arith.constant 448 : i32
    %dma_wait3A_958 = tpu.memref_slice %arg14[%dma_wait3A_957] : memref<512xi32, #tpu.memory_space<vmem>> -> memref<64xi32, #tpu.memory_space<vmem>>
    %dma_wait3A_959 = arith.constant 0 : i32
    %dma_wait3A_960 = arith.constant 0 : i32
    %dma_wait3A_961 = tpu.memref_slice %arg11[%dma_wait3A_959, %dma_wait3A_960] : memref<256x128xf32, #tpu.memory_space<vmem_shared>> -> memref<256x128xf32, #tpu.memory_space<vmem_shared>>
    tpu.wait_indirect_dma semaphore(%arg21 : memref<!tpu.dma_semaphore, #tpu.memory_space<semaphore_mem>>) src(%dma_wait3A_961 : memref<256x128xf32, #tpu.memory_space<vmem_shared>>) dst(%dma_wait3A_956 : memref<64x128xf32, #tpu.memory_space<vmem>>)
    %add3A_962 = arith.constant 448 : i32
    %add3A_963 = arith.addi %mul3A_2, %add3A_962 : i32
    %dma_start3A_964 = arith.constant 3 : i32
    %dma_start3A_965 = arith.constant 0 : i32
    %dma_start3A_966 = arith.constant 0 : i32
    %dma_start3A_967 = tpu.memref_slice %arg15[%dma_start3A_964, %dma_start3A_965, %dma_start3A_966] : memref<4x64x128xf32, #tpu.memory_space<vmem>> -> memref<1x64x128xf32, #tpu.memory_space<vmem>>
    %dma_start3A_968 = tpu.memref_squeeze %dma_start3A_967 : memref<1x64x128xf32, #tpu.memory_space<vmem>> -> memref<64x128xf32, #tpu.memory_space<vmem>>
    %dma_start3A_969 = arith.constant 0 : i32
    %dma_start3A_970 = tpu.memref_slice %arg8[%add3A_963, %dma_start3A_969] : memref<16384x384xf32, #tpu.memory_space<hbm>> -> memref<64x128xf32, #tpu.memory_space<hbm>>
    %dma_start3A_971 = arith.constant 0 : i32
    %dma_start3A_972 = tpu.memref_slice %arg8[%add3A_963, %dma_start3A_971] : memref<16384x384xf32, #tpu.memory_space<hbm>> -> memref<64x128xf32, #tpu.memory_space<hbm>>
    %dma_start3A_973 = arith.constant 0 : i32
    %dma_start3A_974 = arith.constant 0 : i32
    %dma_start3A_975 = tpu.memref_slice %arg15[%dma_start3A_964, %dma_start3A_973, %dma_start3A_974] : memref<4x64x128xf32, #tpu.memory_space<vmem>> -> memref<1x64x128xf32, #tpu.memory_space<vmem>>
    %dma_start3A_976 = tpu.memref_squeeze %dma_start3A_975 : memref<1x64x128xf32, #tpu.memory_space<vmem>> -> memref<64x128xf32, #tpu.memory_space<vmem>>
    tpu.enqueue_dma source(%dma_start3A_976 : memref<64x128xf32, #tpu.memory_space<vmem>>) target(%dma_start3A_972 : memref<64x128xf32, #tpu.memory_space<hbm>>) target_semaphore(%arg25 : memref<!tpu.dma_semaphore, #tpu.memory_space<semaphore_mem>>)
    %dma_start3A_977 = arith.constant 3 : i32
    %dma_start3A_978 = arith.constant 0 : i32
    %dma_start3A_979 = arith.constant 0 : i32
    %dma_start3A_980 = tpu.memref_slice %arg16[%dma_start3A_977, %dma_start3A_978, %dma_start3A_979] : memref<4x64x128xf32, #tpu.memory_space<vmem>> -> memref<1x64x128xf32, #tpu.memory_space<vmem>>
    %dma_start3A_981 = tpu.memref_squeeze %dma_start3A_980 : memref<1x64x128xf32, #tpu.memory_space<vmem>> -> memref<64x128xf32, #tpu.memory_space<vmem>>
    %dma_start3A_982 = arith.constant 128 : i32
    %dma_start3A_983 = tpu.memref_slice %arg8[%add3A_963, %dma_start3A_982] : memref<16384x384xf32, #tpu.memory_space<hbm>> -> memref<64x128xf32, #tpu.memory_space<hbm>>
    %dma_start3A_984 = arith.constant 128 : i32
    %dma_start3A_985 = tpu.memref_slice %arg8[%add3A_963, %dma_start3A_984] : memref<16384x384xf32, #tpu.memory_space<hbm>> -> memref<64x128xf32, #tpu.memory_space<hbm>>
    %dma_start3A_986 = arith.constant 0 : i32
    %dma_start3A_987 = arith.constant 0 : i32
    %dma_start3A_988 = tpu.memref_slice %arg16[%dma_start3A_977, %dma_start3A_986, %dma_start3A_987] : memref<4x64x128xf32, #tpu.memory_space<vmem>> -> memref<1x64x128xf32, #tpu.memory_space<vmem>>
    %dma_start3A_989 = tpu.memref_squeeze %dma_start3A_988 : memref<1x64x128xf32, #tpu.memory_space<vmem>> -> memref<64x128xf32, #tpu.memory_space<vmem>>
    tpu.enqueue_dma source(%dma_start3A_989 : memref<64x128xf32, #tpu.memory_space<vmem>>) target(%dma_start3A_985 : memref<64x128xf32, #tpu.memory_space<hbm>>) target_semaphore(%arg25 : memref<!tpu.dma_semaphore, #tpu.memory_space<semaphore_mem>>)
    %dma_start3A_990 = arith.constant 3 : i32
    %dma_start3A_991 = arith.constant 0 : i32
    %dma_start3A_992 = arith.constant 0 : i32
    %dma_start3A_993 = tpu.memref_slice %arg17[%dma_start3A_990, %dma_start3A_991, %dma_start3A_992] : memref<4x64x128xf32, #tpu.memory_space<vmem>> -> memref<1x64x128xf32, #tpu.memory_space<vmem>>
    %dma_start3A_994 = tpu.memref_squeeze %dma_start3A_993 : memref<1x64x128xf32, #tpu.memory_space<vmem>> -> memref<64x128xf32, #tpu.memory_space<vmem>>
    %dma_start3A_995 = arith.constant 256 : i32
    %dma_start3A_996 = tpu.memref_slice %arg8[%add3A_963, %dma_start3A_995] : memref<16384x384xf32, #tpu.memory_space<hbm>> -> memref<64x128xf32, #tpu.memory_space<hbm>>
    %dma_start3A_997 = arith.constant 256 : i32
    %dma_start3A_998 = tpu.memref_slice %arg8[%add3A_963, %dma_start3A_997] : memref<16384x384xf32, #tpu.memory_space<hbm>> -> memref<64x128xf32, #tpu.memory_space<hbm>>
    %dma_start3A_999 = arith.constant 0 : i32
    %dma_start3A_1000 = arith.constant 0 : i32
    %dma_start3A_1001 = tpu.memref_slice %arg17[%dma_start3A_990, %dma_start3A_999, %dma_start3A_1000] : memref<4x64x128xf32, #tpu.memory_space<vmem>> -> memref<1x64x128xf32, #tpu.memory_space<vmem>>
    %dma_start3A_1002 = tpu.memref_squeeze %dma_start3A_1001 : memref<1x64x128xf32, #tpu.memory_space<vmem>> -> memref<64x128xf32, #tpu.memory_space<vmem>>
    tpu.enqueue_dma source(%dma_start3A_1002 : memref<64x128xf32, #tpu.memory_space<vmem>>) target(%dma_start3A_998 : memref<64x128xf32, #tpu.memory_space<hbm>>) target_semaphore(%arg25 : memref<!tpu.dma_semaphore, #tpu.memory_space<semaphore_mem>>)
    %dma_wait3A_1003 = arith.constant 0 : i32
    %dma_wait3A_1004 = arith.constant 0 : i32
    %dma_wait3A_1005 = arith.constant 0 : i32
    %dma_wait3A_1006 = tpu.memref_slice %arg15[%dma_wait3A_1003, %dma_wait3A_1004, %dma_wait3A_1005] : memref<4x64x128xf32, #tpu.memory_space<vmem>> -> memref<1x64x128xf32, #tpu.memory_space<vmem>>
    %dma_wait3A_1007 = tpu.memref_squeeze %dma_wait3A_1006 : memref<1x64x128xf32, #tpu.memory_space<vmem>> -> memref<64x128xf32, #tpu.memory_space<vmem>>
    %dma_wait3A_1008 = arith.constant 0 : i32
    %dma_wait3A_1009 = tpu.memref_slice %arg8[%add3A_681, %dma_wait3A_1008] : memref<16384x384xf32, #tpu.memory_space<hbm>> -> memref<64x128xf32, #tpu.memory_space<hbm>>
    %dma_wait3A_1010 = arith.constant 0 : i32
    %dma_wait3A_1011 = tpu.memref_slice %arg8[%add3A_681, %dma_wait3A_1010] : memref<16384x384xf32, #tpu.memory_space<hbm>> -> memref<64x128xf32, #tpu.memory_space<hbm>>
    %dma_wait3A_1012 = arith.constant 0 : i32
    %dma_wait3A_1013 = arith.constant 0 : i32
    %dma_wait3A_1014 = tpu.memref_slice %arg15[%dma_wait3A_1003, %dma_wait3A_1012, %dma_wait3A_1013] : memref<4x64x128xf32, #tpu.memory_space<vmem>> -> memref<1x64x128xf32, #tpu.memory_space<vmem>>
    %dma_wait3A_1015 = tpu.memref_squeeze %dma_wait3A_1014 : memref<1x64x128xf32, #tpu.memory_space<vmem>> -> memref<64x128xf32, #tpu.memory_space<vmem>>
    tpu.wait_dma2 semaphore(%arg22 : memref<!tpu.dma_semaphore, #tpu.memory_space<semaphore_mem>>) src(%dma_wait3A_1015 : memref<64x128xf32, #tpu.memory_space<vmem>>) dst(%dma_wait3A_1011 : memref<64x128xf32, #tpu.memory_space<hbm>>)
    %dma_wait3A_1016 = arith.constant 0 : i32
    %dma_wait3A_1017 = arith.constant 0 : i32
    %dma_wait3A_1018 = arith.constant 0 : i32
    %dma_wait3A_1019 = tpu.memref_slice %arg16[%dma_wait3A_1016, %dma_wait3A_1017, %dma_wait3A_1018] : memref<4x64x128xf32, #tpu.memory_space<vmem>> -> memref<1x64x128xf32, #tpu.memory_space<vmem>>
    %dma_wait3A_1020 = tpu.memref_squeeze %dma_wait3A_1019 : memref<1x64x128xf32, #tpu.memory_space<vmem>> -> memref<64x128xf32, #tpu.memory_space<vmem>>
    %dma_wait3A_1021 = arith.constant 128 : i32
    %dma_wait3A_1022 = tpu.memref_slice %arg8[%add3A_681, %dma_wait3A_1021] : memref<16384x384xf32, #tpu.memory_space<hbm>> -> memref<64x128xf32, #tpu.memory_space<hbm>>
    %dma_wait3A_1023 = arith.constant 128 : i32
    %dma_wait3A_1024 = tpu.memref_slice %arg8[%add3A_681, %dma_wait3A_1023] : memref<16384x384xf32, #tpu.memory_space<hbm>> -> memref<64x128xf32, #tpu.memory_space<hbm>>
    %dma_wait3A_1025 = arith.constant 0 : i32
    %dma_wait3A_1026 = arith.constant 0 : i32
    %dma_wait3A_1027 = tpu.memref_slice %arg16[%dma_wait3A_1016, %dma_wait3A_1025, %dma_wait3A_1026] : memref<4x64x128xf32, #tpu.memory_space<vmem>> -> memref<1x64x128xf32, #tpu.memory_space<vmem>>
    %dma_wait3A_1028 = tpu.memref_squeeze %dma_wait3A_1027 : memref<1x64x128xf32, #tpu.memory_space<vmem>> -> memref<64x128xf32, #tpu.memory_space<vmem>>
    tpu.wait_dma2 semaphore(%arg22 : memref<!tpu.dma_semaphore, #tpu.memory_space<semaphore_mem>>) src(%dma_wait3A_1028 : memref<64x128xf32, #tpu.memory_space<vmem>>) dst(%dma_wait3A_1024 : memref<64x128xf32, #tpu.memory_space<hbm>>)
    %dma_wait3A_1029 = arith.constant 0 : i32
    %dma_wait3A_1030 = arith.constant 0 : i32
    %dma_wait3A_1031 = arith.constant 0 : i32
    %dma_wait3A_1032 = tpu.memref_slice %arg17[%dma_wait3A_1029, %dma_wait3A_1030, %dma_wait3A_1031] : memref<4x64x128xf32, #tpu.memory_space<vmem>> -> memref<1x64x128xf32, #tpu.memory_space<vmem>>
    %dma_wait3A_1033 = tpu.memref_squeeze %dma_wait3A_1032 : memref<1x64x128xf32, #tpu.memory_space<vmem>> -> memref<64x128xf32, #tpu.memory_space<vmem>>
    %dma_wait3A_1034 = arith.constant 256 : i32
    %dma_wait3A_1035 = tpu.memref_slice %arg8[%add3A_681, %dma_wait3A_1034] : memref<16384x384xf32, #tpu.memory_space<hbm>> -> memref<64x128xf32, #tpu.memory_space<hbm>>
    %dma_wait3A_1036 = arith.constant 256 : i32
    %dma_wait3A_1037 = tpu.memref_slice %arg8[%add3A_681, %dma_wait3A_1036] : memref<16384x384xf32, #tpu.memory_space<hbm>> -> memref<64x128xf32, #tpu.memory_space<hbm>>
    %dma_wait3A_1038 = arith.constant 0 : i32
    %dma_wait3A_1039 = arith.constant 0 : i32
    %dma_wait3A_1040 = tpu.memref_slice %arg17[%dma_wait3A_1029, %dma_wait3A_1038, %dma_wait3A_1039] : memref<4x64x128xf32, #tpu.memory_space<vmem>> -> memref<1x64x128xf32, #tpu.memory_space<vmem>>
    %dma_wait3A_1041 = tpu.memref_squeeze %dma_wait3A_1040 : memref<1x64x128xf32, #tpu.memory_space<vmem>> -> memref<64x128xf32, #tpu.memory_space<vmem>>
    tpu.wait_dma2 semaphore(%arg22 : memref<!tpu.dma_semaphore, #tpu.memory_space<semaphore_mem>>) src(%dma_wait3A_1041 : memref<64x128xf32, #tpu.memory_space<vmem>>) dst(%dma_wait3A_1037 : memref<64x128xf32, #tpu.memory_space<hbm>>)
    %dma_wait3A_1042 = arith.constant 1 : i32
    %dma_wait3A_1043 = arith.constant 0 : i32
    %dma_wait3A_1044 = arith.constant 0 : i32
    %dma_wait3A_1045 = tpu.memref_slice %arg15[%dma_wait3A_1042, %dma_wait3A_1043, %dma_wait3A_1044] : memref<4x64x128xf32, #tpu.memory_space<vmem>> -> memref<1x64x128xf32, #tpu.memory_space<vmem>>
    %dma_wait3A_1046 = tpu.memref_squeeze %dma_wait3A_1045 : memref<1x64x128xf32, #tpu.memory_space<vmem>> -> memref<64x128xf32, #tpu.memory_space<vmem>>
    %dma_wait3A_1047 = arith.constant 0 : i32
    %dma_wait3A_1048 = tpu.memref_slice %arg8[%add3A_821, %dma_wait3A_1047] : memref<16384x384xf32, #tpu.memory_space<hbm>> -> memref<64x128xf32, #tpu.memory_space<hbm>>
    %dma_wait3A_1049 = arith.constant 0 : i32
    %dma_wait3A_1050 = tpu.memref_slice %arg8[%add3A_821, %dma_wait3A_1049] : memref<16384x384xf32, #tpu.memory_space<hbm>> -> memref<64x128xf32, #tpu.memory_space<hbm>>
    %dma_wait3A_1051 = arith.constant 0 : i32
    %dma_wait3A_1052 = arith.constant 0 : i32
    %dma_wait3A_1053 = tpu.memref_slice %arg15[%dma_wait3A_1042, %dma_wait3A_1051, %dma_wait3A_1052] : memref<4x64x128xf32, #tpu.memory_space<vmem>> -> memref<1x64x128xf32, #tpu.memory_space<vmem>>
    %dma_wait3A_1054 = tpu.memref_squeeze %dma_wait3A_1053 : memref<1x64x128xf32, #tpu.memory_space<vmem>> -> memref<64x128xf32, #tpu.memory_space<vmem>>
    tpu.wait_dma2 semaphore(%arg23 : memref<!tpu.dma_semaphore, #tpu.memory_space<semaphore_mem>>) src(%dma_wait3A_1054 : memref<64x128xf32, #tpu.memory_space<vmem>>) dst(%dma_wait3A_1050 : memref<64x128xf32, #tpu.memory_space<hbm>>)
    %dma_wait3A_1055 = arith.constant 1 : i32
    %dma_wait3A_1056 = arith.constant 0 : i32
    %dma_wait3A_1057 = arith.constant 0 : i32
    %dma_wait3A_1058 = tpu.memref_slice %arg16[%dma_wait3A_1055, %dma_wait3A_1056, %dma_wait3A_1057] : memref<4x64x128xf32, #tpu.memory_space<vmem>> -> memref<1x64x128xf32, #tpu.memory_space<vmem>>
    %dma_wait3A_1059 = tpu.memref_squeeze %dma_wait3A_1058 : memref<1x64x128xf32, #tpu.memory_space<vmem>> -> memref<64x128xf32, #tpu.memory_space<vmem>>
    %dma_wait3A_1060 = arith.constant 128 : i32
    %dma_wait3A_1061 = tpu.memref_slice %arg8[%add3A_821, %dma_wait3A_1060] : memref<16384x384xf32, #tpu.memory_space<hbm>> -> memref<64x128xf32, #tpu.memory_space<hbm>>
    %dma_wait3A_1062 = arith.constant 128 : i32
    %dma_wait3A_1063 = tpu.memref_slice %arg8[%add3A_821, %dma_wait3A_1062] : memref<16384x384xf32, #tpu.memory_space<hbm>> -> memref<64x128xf32, #tpu.memory_space<hbm>>
    %dma_wait3A_1064 = arith.constant 0 : i32
    %dma_wait3A_1065 = arith.constant 0 : i32
    %dma_wait3A_1066 = tpu.memref_slice %arg16[%dma_wait3A_1055, %dma_wait3A_1064, %dma_wait3A_1065] : memref<4x64x128xf32, #tpu.memory_space<vmem>> -> memref<1x64x128xf32, #tpu.memory_space<vmem>>
    %dma_wait3A_1067 = tpu.memref_squeeze %dma_wait3A_1066 : memref<1x64x128xf32, #tpu.memory_space<vmem>> -> memref<64x128xf32, #tpu.memory_space<vmem>>
    tpu.wait_dma2 semaphore(%arg23 : memref<!tpu.dma_semaphore, #tpu.memory_space<semaphore_mem>>) src(%dma_wait3A_1067 : memref<64x128xf32, #tpu.memory_space<vmem>>) dst(%dma_wait3A_1063 : memref<64x128xf32, #tpu.memory_space<hbm>>)
    %dma_wait3A_1068 = arith.constant 1 : i32
    %dma_wait3A_1069 = arith.constant 0 : i32
    %dma_wait3A_1070 = arith.constant 0 : i32
    %dma_wait3A_1071 = tpu.memref_slice %arg17[%dma_wait3A_1068, %dma_wait3A_1069, %dma_wait3A_1070] : memref<4x64x128xf32, #tpu.memory_space<vmem>> -> memref<1x64x128xf32, #tpu.memory_space<vmem>>
    %dma_wait3A_1072 = tpu.memref_squeeze %dma_wait3A_1071 : memref<1x64x128xf32, #tpu.memory_space<vmem>> -> memref<64x128xf32, #tpu.memory_space<vmem>>
    %dma_wait3A_1073 = arith.constant 256 : i32
    %dma_wait3A_1074 = tpu.memref_slice %arg8[%add3A_821, %dma_wait3A_1073] : memref<16384x384xf32, #tpu.memory_space<hbm>> -> memref<64x128xf32, #tpu.memory_space<hbm>>
    %dma_wait3A_1075 = arith.constant 256 : i32
    %dma_wait3A_1076 = tpu.memref_slice %arg8[%add3A_821, %dma_wait3A_1075] : memref<16384x384xf32, #tpu.memory_space<hbm>> -> memref<64x128xf32, #tpu.memory_space<hbm>>
    %dma_wait3A_1077 = arith.constant 0 : i32
    %dma_wait3A_1078 = arith.constant 0 : i32
    %dma_wait3A_1079 = tpu.memref_slice %arg17[%dma_wait3A_1068, %dma_wait3A_1077, %dma_wait3A_1078] : memref<4x64x128xf32, #tpu.memory_space<vmem>> -> memref<1x64x128xf32, #tpu.memory_space<vmem>>
    %dma_wait3A_1080 = tpu.memref_squeeze %dma_wait3A_1079 : memref<1x64x128xf32, #tpu.memory_space<vmem>> -> memref<64x128xf32, #tpu.memory_space<vmem>>
    tpu.wait_dma2 semaphore(%arg23 : memref<!tpu.dma_semaphore, #tpu.memory_space<semaphore_mem>>) src(%dma_wait3A_1080 : memref<64x128xf32, #tpu.memory_space<vmem>>) dst(%dma_wait3A_1076 : memref<64x128xf32, #tpu.memory_space<hbm>>)
    %dma_wait3A_1081 = arith.constant 2 : i32
    %dma_wait3A_1082 = arith.constant 0 : i32
    %dma_wait3A_1083 = arith.constant 0 : i32
    %dma_wait3A_1084 = tpu.memref_slice %arg15[%dma_wait3A_1081, %dma_wait3A_1082, %dma_wait3A_1083] : memref<4x64x128xf32, #tpu.memory_space<vmem>> -> memref<1x64x128xf32, #tpu.memory_space<vmem>>
    %dma_wait3A_1085 = tpu.memref_squeeze %dma_wait3A_1084 : memref<1x64x128xf32, #tpu.memory_space<vmem>> -> memref<64x128xf32, #tpu.memory_space<vmem>>
    %dma_wait3A_1086 = arith.constant 0 : i32
    %dma_wait3A_1087 = tpu.memref_slice %arg8[%add3A_892, %dma_wait3A_1086] : memref<16384x384xf32, #tpu.memory_space<hbm>> -> memref<64x128xf32, #tpu.memory_space<hbm>>
    %dma_wait3A_1088 = arith.constant 0 : i32
    %dma_wait3A_1089 = tpu.memref_slice %arg8[%add3A_892, %dma_wait3A_1088] : memref<16384x384xf32, #tpu.memory_space<hbm>> -> memref<64x128xf32, #tpu.memory_space<hbm>>
    %dma_wait3A_1090 = arith.constant 0 : i32
    %dma_wait3A_1091 = arith.constant 0 : i32
    %dma_wait3A_1092 = tpu.memref_slice %arg15[%dma_wait3A_1081, %dma_wait3A_1090, %dma_wait3A_1091] : memref<4x64x128xf32, #tpu.memory_space<vmem>> -> memref<1x64x128xf32, #tpu.memory_space<vmem>>
    %dma_wait3A_1093 = tpu.memref_squeeze %dma_wait3A_1092 : memref<1x64x128xf32, #tpu.memory_space<vmem>> -> memref<64x128xf32, #tpu.memory_space<vmem>>
    tpu.wait_dma2 semaphore(%arg24 : memref<!tpu.dma_semaphore, #tpu.memory_space<semaphore_mem>>) src(%dma_wait3A_1093 : memref<64x128xf32, #tpu.memory_space<vmem>>) dst(%dma_wait3A_1089 : memref<64x128xf32, #tpu.memory_space<hbm>>)
    %dma_wait3A_1094 = arith.constant 2 : i32
    %dma_wait3A_1095 = arith.constant 0 : i32
    %dma_wait3A_1096 = arith.constant 0 : i32
    %dma_wait3A_1097 = tpu.memref_slice %arg16[%dma_wait3A_1094, %dma_wait3A_1095, %dma_wait3A_1096] : memref<4x64x128xf32, #tpu.memory_space<vmem>> -> memref<1x64x128xf32, #tpu.memory_space<vmem>>
    %dma_wait3A_1098 = tpu.memref_squeeze %dma_wait3A_1097 : memref<1x64x128xf32, #tpu.memory_space<vmem>> -> memref<64x128xf32, #tpu.memory_space<vmem>>
    %dma_wait3A_1099 = arith.constant 128 : i32
    %dma_wait3A_1100 = tpu.memref_slice %arg8[%add3A_892, %dma_wait3A_1099] : memref<16384x384xf32, #tpu.memory_space<hbm>> -> memref<64x128xf32, #tpu.memory_space<hbm>>
    %dma_wait3A_1101 = arith.constant 128 : i32
    %dma_wait3A_1102 = tpu.memref_slice %arg8[%add3A_892, %dma_wait3A_1101] : memref<16384x384xf32, #tpu.memory_space<hbm>> -> memref<64x128xf32, #tpu.memory_space<hbm>>
    %dma_wait3A_1103 = arith.constant 0 : i32
    %dma_wait3A_1104 = arith.constant 0 : i32
    %dma_wait3A_1105 = tpu.memref_slice %arg16[%dma_wait3A_1094, %dma_wait3A_1103, %dma_wait3A_1104] : memref<4x64x128xf32, #tpu.memory_space<vmem>> -> memref<1x64x128xf32, #tpu.memory_space<vmem>>
    %dma_wait3A_1106 = tpu.memref_squeeze %dma_wait3A_1105 : memref<1x64x128xf32, #tpu.memory_space<vmem>> -> memref<64x128xf32, #tpu.memory_space<vmem>>
    tpu.wait_dma2 semaphore(%arg24 : memref<!tpu.dma_semaphore, #tpu.memory_space<semaphore_mem>>) src(%dma_wait3A_1106 : memref<64x128xf32, #tpu.memory_space<vmem>>) dst(%dma_wait3A_1102 : memref<64x128xf32, #tpu.memory_space<hbm>>)
    %dma_wait3A_1107 = arith.constant 2 : i32
    %dma_wait3A_1108 = arith.constant 0 : i32
    %dma_wait3A_1109 = arith.constant 0 : i32
    %dma_wait3A_1110 = tpu.memref_slice %arg17[%dma_wait3A_1107, %dma_wait3A_1108, %dma_wait3A_1109] : memref<4x64x128xf32, #tpu.memory_space<vmem>> -> memref<1x64x128xf32, #tpu.memory_space<vmem>>
    %dma_wait3A_1111 = tpu.memref_squeeze %dma_wait3A_1110 : memref<1x64x128xf32, #tpu.memory_space<vmem>> -> memref<64x128xf32, #tpu.memory_space<vmem>>
    %dma_wait3A_1112 = arith.constant 256 : i32
    %dma_wait3A_1113 = tpu.memref_slice %arg8[%add3A_892, %dma_wait3A_1112] : memref<16384x384xf32, #tpu.memory_space<hbm>> -> memref<64x128xf32, #tpu.memory_space<hbm>>
    %dma_wait3A_1114 = arith.constant 256 : i32
    %dma_wait3A_1115 = tpu.memref_slice %arg8[%add3A_892, %dma_wait3A_1114] : memref<16384x384xf32, #tpu.memory_space<hbm>> -> memref<64x128xf32, #tpu.memory_space<hbm>>
    %dma_wait3A_1116 = arith.constant 0 : i32
    %dma_wait3A_1117 = arith.constant 0 : i32
    %dma_wait3A_1118 = tpu.memref_slice %arg17[%dma_wait3A_1107, %dma_wait3A_1116, %dma_wait3A_1117] : memref<4x64x128xf32, #tpu.memory_space<vmem>> -> memref<1x64x128xf32, #tpu.memory_space<vmem>>
    %dma_wait3A_1119 = tpu.memref_squeeze %dma_wait3A_1118 : memref<1x64x128xf32, #tpu.memory_space<vmem>> -> memref<64x128xf32, #tpu.memory_space<vmem>>
    tpu.wait_dma2 semaphore(%arg24 : memref<!tpu.dma_semaphore, #tpu.memory_space<semaphore_mem>>) src(%dma_wait3A_1119 : memref<64x128xf32, #tpu.memory_space<vmem>>) dst(%dma_wait3A_1115 : memref<64x128xf32, #tpu.memory_space<hbm>>)
    %dma_wait3A_1120 = arith.constant 3 : i32
    %dma_wait3A_1121 = arith.constant 0 : i32
    %dma_wait3A_1122 = arith.constant 0 : i32
    %dma_wait3A_1123 = tpu.memref_slice %arg15[%dma_wait3A_1120, %dma_wait3A_1121, %dma_wait3A_1122] : memref<4x64x128xf32, #tpu.memory_space<vmem>> -> memref<1x64x128xf32, #tpu.memory_space<vmem>>
    %dma_wait3A_1124 = tpu.memref_squeeze %dma_wait3A_1123 : memref<1x64x128xf32, #tpu.memory_space<vmem>> -> memref<64x128xf32, #tpu.memory_space<vmem>>
    %dma_wait3A_1125 = arith.constant 0 : i32
    %dma_wait3A_1126 = tpu.memref_slice %arg8[%add3A_963, %dma_wait3A_1125] : memref<16384x384xf32, #tpu.memory_space<hbm>> -> memref<64x128xf32, #tpu.memory_space<hbm>>
    %dma_wait3A_1127 = arith.constant 0 : i32
    %dma_wait3A_1128 = tpu.memref_slice %arg8[%add3A_963, %dma_wait3A_1127] : memref<16384x384xf32, #tpu.memory_space<hbm>> -> memref<64x128xf32, #tpu.memory_space<hbm>>
    %dma_wait3A_1129 = arith.constant 0 : i32
    %dma_wait3A_1130 = arith.constant 0 : i32
    %dma_wait3A_1131 = tpu.memref_slice %arg15[%dma_wait3A_1120, %dma_wait3A_1129, %dma_wait3A_1130] : memref<4x64x128xf32, #tpu.memory_space<vmem>> -> memref<1x64x128xf32, #tpu.memory_space<vmem>>
    %dma_wait3A_1132 = tpu.memref_squeeze %dma_wait3A_1131 : memref<1x64x128xf32, #tpu.memory_space<vmem>> -> memref<64x128xf32, #tpu.memory_space<vmem>>
    tpu.wait_dma2 semaphore(%arg25 : memref<!tpu.dma_semaphore, #tpu.memory_space<semaphore_mem>>) src(%dma_wait3A_1132 : memref<64x128xf32, #tpu.memory_space<vmem>>) dst(%dma_wait3A_1128 : memref<64x128xf32, #tpu.memory_space<hbm>>)
    %dma_wait3A_1133 = arith.constant 3 : i32
    %dma_wait3A_1134 = arith.constant 0 : i32
    %dma_wait3A_1135 = arith.constant 0 : i32
    %dma_wait3A_1136 = tpu.memref_slice %arg16[%dma_wait3A_1133, %dma_wait3A_1134, %dma_wait3A_1135] : memref<4x64x128xf32, #tpu.memory_space<vmem>> -> memref<1x64x128xf32, #tpu.memory_space<vmem>>
    %dma_wait3A_1137 = tpu.memref_squeeze %dma_wait3A_1136 : memref<1x64x128xf32, #tpu.memory_space<vmem>> -> memref<64x128xf32, #tpu.memory_space<vmem>>
    %dma_wait3A_1138 = arith.constant 128 : i32
    %dma_wait3A_1139 = tpu.memref_slice %arg8[%add3A_963, %dma_wait3A_1138] : memref<16384x384xf32, #tpu.memory_space<hbm>> -> memref<64x128xf32, #tpu.memory_space<hbm>>
    %dma_wait3A_1140 = arith.constant 128 : i32
    %dma_wait3A_1141 = tpu.memref_slice %arg8[%add3A_963, %dma_wait3A_1140] : memref<16384x384xf32, #tpu.memory_space<hbm>> -> memref<64x128xf32, #tpu.memory_space<hbm>>
    %dma_wait3A_1142 = arith.constant 0 : i32
    %dma_wait3A_1143 = arith.constant 0 : i32
    %dma_wait3A_1144 = tpu.memref_slice %arg16[%dma_wait3A_1133, %dma_wait3A_1142, %dma_wait3A_1143] : memref<4x64x128xf32, #tpu.memory_space<vmem>> -> memref<1x64x128xf32, #tpu.memory_space<vmem>>
    %dma_wait3A_1145 = tpu.memref_squeeze %dma_wait3A_1144 : memref<1x64x128xf32, #tpu.memory_space<vmem>> -> memref<64x128xf32, #tpu.memory_space<vmem>>
    tpu.wait_dma2 semaphore(%arg25 : memref<!tpu.dma_semaphore, #tpu.memory_space<semaphore_mem>>) src(%dma_wait3A_1145 : memref<64x128xf32, #tpu.memory_space<vmem>>) dst(%dma_wait3A_1141 : memref<64x128xf32, #tpu.memory_space<hbm>>)
    %dma_wait3A_1146 = arith.constant 3 : i32
    %dma_wait3A_1147 = arith.constant 0 : i32
    %dma_wait3A_1148 = arith.constant 0 : i32
    %dma_wait3A_1149 = tpu.memref_slice %arg17[%dma_wait3A_1146, %dma_wait3A_1147, %dma_wait3A_1148] : memref<4x64x128xf32, #tpu.memory_space<vmem>> -> memref<1x64x128xf32, #tpu.memory_space<vmem>>
    %dma_wait3A_1150 = tpu.memref_squeeze %dma_wait3A_1149 : memref<1x64x128xf32, #tpu.memory_space<vmem>> -> memref<64x128xf32, #tpu.memory_space<vmem>>
    %dma_wait3A_1151 = arith.constant 256 : i32
    %dma_wait3A_1152 = tpu.memref_slice %arg8[%add3A_963, %dma_wait3A_1151] : memref<16384x384xf32, #tpu.memory_space<hbm>> -> memref<64x128xf32, #tpu.memory_space<hbm>>
    %dma_wait3A_1153 = arith.constant 256 : i32
    %dma_wait3A_1154 = tpu.memref_slice %arg8[%add3A_963, %dma_wait3A_1153] : memref<16384x384xf32, #tpu.memory_space<hbm>> -> memref<64x128xf32, #tpu.memory_space<hbm>>
    %dma_wait3A_1155 = arith.constant 0 : i32
    %dma_wait3A_1156 = arith.constant 0 : i32
    %dma_wait3A_1157 = tpu.memref_slice %arg17[%dma_wait3A_1146, %dma_wait3A_1155, %dma_wait3A_1156] : memref<4x64x128xf32, #tpu.memory_space<vmem>> -> memref<1x64x128xf32, #tpu.memory_space<vmem>>
    %dma_wait3A_1158 = tpu.memref_squeeze %dma_wait3A_1157 : memref<1x64x128xf32, #tpu.memory_space<vmem>> -> memref<64x128xf32, #tpu.memory_space<vmem>>
    tpu.wait_dma2 semaphore(%arg25 : memref<!tpu.dma_semaphore, #tpu.memory_space<semaphore_mem>>) src(%dma_wait3A_1158 : memref<64x128xf32, #tpu.memory_space<vmem>>) dst(%dma_wait3A_1154 : memref<64x128xf32, #tpu.memory_space<hbm>>)
    return
  }
}

</mosaic_0001>

<sc_bundles>
// kernel: kernel.3.cloned.1.call-start
scs
__scs_entry_jumppad:
0x0: {  	(pc) =	sbr.rel $0x88, $3  }
0x1: {  	(tag) =	ssettag $0x0;
	lr =	simm.s32 $0x1  }
0x2: {  	[smem:$0x3F9B] =	sst lr;
	_ =	strace $0xD0000000  }
0x3: {  	_ = 	snop  }
0x4: {  	_ = 	snop  }
0x5: {  	_ = 	snop  }
0x6: {  	_ = 	snop  }
0x7: {  	_ = 	snop  }
__scs_overlays_trampoline_lowered:
0x8: {  	[smem:$0x3FAA] =	sst s0  }
0x9: {  	[smem:$0x3FAB] =	sst s1  }
0xa: {  	[smem:$0x3FAC] =	sst s2  }
0xb: {  	[smem:$0x3FAD] =	sst s3  }
0xc: {  	[smem:$0x3FAE] =	sst s4  }
0xd: {  	[smem:$0x3FAF] =	sst s5  }
0xe: {  	[smem:$0x3FB0] =	sst s6  }
0xf: {  	[smem:$0x3FB1] =	sst s7  }
0x10: {  	[smem:$0x3FB2] =	sst s8  }
0x11: {  	[smem:$0x3FB3] =	sst s9;
	s0 =	simm.s32 @!p0 $0x0  }
0x12: {  	s1 =	sld [smem:$0x3F99];
	s0 =	simm.s32 @p0 $0x1  }
0x13: {  	[smem:$0x3FB4] =	sst s0;
	s0 =	simm.s32 @!p1 $0x0  }
0x14: {  	s2 =	sld [smem:$0x3F98];
	s0 =	simm.s32 @p1 $0x1  }
0x15: {  	[smem:$0x3FB5] =	sst s0;
	s0 =	simm.s32 @!p2 $0x0  }
0x16: {  	s3 =	sld [smem:$0x3FDB];
	s0 =	simm.s32 @p2 $0x1  }
0x17: {  	s4 =	simm.s32 $0x1BF5;
	[smem:$0x3FB7] =	sst s0  }
0x18: {  	s0 =	sld [smem:$0x3F9A];
	_ =	swait.ge [sflag:s4], $0x0  }
0x19: {  	s7 =	sld [smem:$0x3F9B]  }
0x1a: {  	s8 =	sadd.s32 $0xFFFFE003, lr  }
0x1b: {  	s9 =	sadd.s32 $0xFFFFFEF7, lr;
	s5 =	simm.s32 $0xFFFFFFFF;
	p2 =	slt.u32 s8, $0xFFFFF086  }
0x1c: {  	p1 =	slt.u32 s9, $0xF7A;
	s5 =	simm.s32 @!p2 $0x0  }
0x1d: {  	s5 =	simm.s32 @p1 $0x1;
	p0 =	seq.s32 s7, s2  }
0x1e: {  	s7 =	smul.u32 @!p0 $0xF7A, s2;
	p2 =	seq.s32 @!p0 s5, $0x0  }
0x1f: {  	s9 =	smul.u32 $0xF7A, s1;
	s8 =	simm.s32 @!p0 $0x1BF5;
	p2 =	por !p2, p0  }
0x20: {  	[sflag:s8] =	ssyncset.s32 @!p0 $0xFFFFF086;
	s6 =	sadd.s32 @!p0 s3, s7;
	s7 =	simm.s32 @!p0 $0x108  }
0x21: {  	s3 =	sadd.s32 s3, s9;
	s6 =	sadd.s32 @!p0 $0x88, s6;
	s7 =	simm.s32 @p2 $0x1082  }
0x22: {  	[simem:s7], [sflag:s8] =	dma.local @!p0 [hbm:s6], $0xF7A  }
0x23: {  	s9 =	sor.u32 $0xD0000000, s2;
	s6 =	simm.s32 $0x108;
	_ =	swait.ge @!p0 [sflag:s8], $0x0  }
0x24: {  	s3 =	sadd.s32 $0x88, s3;
	s6 =	simm.s32 @!p1 $0x1082;
	[sflag:s4] =	ssyncset.s32 $0xFFFFF086  }
0x25: {  	[simem:s6], [sflag:s4] =	dma.local [hbm:s3], $0xF7A  }
0x26: {  	[smem:$0x3F9B] =	sst s1;
	(tag) =	ssettag s2;
	_ =	strace s9  }
0x27: {  	s1 =	sld [smem:$0x3FAB]  }
0x28: {  	s2 =	sld [smem:$0x3FAC]  }
0x29: {  	s4 =	sld [smem:$0x3FAE]  }
0x2a: {  	p0 =	seq.s32 s5, $0x0;
	s5 =	sld [smem:$0x3FAF]  }
0x2b: {  	s6 =	sld [smem:$0x3FB0]  }
0x2c: {  	s7 =	sld [smem:$0x3FB1]  }
0x2d: {  	s3 =	simm.s32 $0x108;
	s8 =	sld [smem:$0x3FB2]  }
0x2e: {  	s3 =	simm.s32 @!p0 $0x1082;
	s9 =	sld [smem:$0x3FB3]  }
0x2f: {  	lr =	sadd.s32 s0, s3;
	s0 =	sld [smem:$0x3FAA]  }
0x30: {  	s3 =	sld [smem:$0x3FAD]  }
0x31: {  	[smem:$0x3FB6] =	sst s10  }
0x32: {  	s10 =	sld [smem:$0x3FB4];
	_ =	sdelay $0x3  }
0x33: {  	p0 =	seq.s32 s10, $0x1;
	s10 =	sld [smem:$0x3FB6];
	_ =	sdelay $0x3  }
0x34: {  	[smem:$0x3FB6] =	sst s10  }
0x35: {  	s10 =	sld [smem:$0x3FB5];
	_ =	sdelay $0x3  }
0x36: {  	p1 =	seq.s32 s10, $0x1;
	s10 =	sld [smem:$0x3FB6];
	_ =	sdelay $0x3  }
0x37: {  	[smem:$0x3FB6] =	sst s10  }
0x38: {  	s10 =	sld [smem:$0x3FB7]  }
0x39: {  	_ = 	snop;
	(pc) =	sbr.ind lr, $3  }
0x3a: {  	_ = 	snop  }
0x3b: {  	_ = 	snop  }
0x3c: {  	p2 =	seq.s32 s10, $0x1;
	s10 =	sld [smem:$0x3FB6]  }
0x3d: {  	_ =	shalt  }
0x3e: {  	_ =	shalt  }
0x3f: {  	_ =	shalt  }
0x40: {  	_ =	shalt  }
0x41: {  	_ =	shalt  }
0x42: {  	_ =	shalt  }
0x43: {  	_ =	shalt  }
0x44: {  	_ =	shalt  }
0x45: {  	_ =	shalt  }
0x46: {  	_ =	shalt  }
0x47: {  	_ =	shalt  }
0x48: {  	_ =	shalt  }
0x49: {  	_ =	shalt  }
0x4a: {  	_ =	shalt  }
0x4b: {  	_ =	shalt  }
0x4c: {  	_ =	shalt  }
0x4d: {  	_ =	shalt  }
0x4e: {  	_ =	shalt  }
0x4f: {  	_ =	shalt  }
0x50: {  	_ =	shalt  }
0x51: {  	_ =	shalt  }
0x52: {  	_ =	shalt  }
0x53: {  	_ =	shalt  }
0x54: {  	_ =	shalt  }
0x55: {  	_ =	shalt  }
0x56: {  	_ =	shalt  }
0x57: {  	_ =	shalt  }
0x58: {  	_ =	shalt  }
0x59: {  	_ =	shalt  }
0x5a: {  	_ =	shalt  }
0x5b: {  	_ =	shalt  }
0x5c: {  	_ =	shalt  }
0x5d: {  	_ =	shalt  }
0x5e: {  	_ =	shalt  }
0x5f: {  	_ =	shalt  }
0x60: {  	_ =	shalt  }
0x61: {  	_ =	shalt  }
0x62: {  	_ =	shalt  }
0x63: {  	_ =	shalt  }
0x64: {  	_ =	shalt  }
0x65: {  	_ =	shalt  }
0x66: {  	_ =	shalt  }
0x67: {  	_ =	shalt  }
0x68: {  	_ =	shalt  }
0x69: {  	_ =	shalt  }
0x6a: {  	_ =	shalt  }
0x6b: {  	_ =	shalt  }
0x6c: {  	_ =	shalt  }
0x6d: {  	_ =	shalt  }
0x6e: {  	_ =	shalt  }
0x6f: {  	_ =	shalt  }
0x70: {  	_ =	shalt  }
0x71: {  	_ =	shalt  }
0x72: {  	_ =	shalt  }
0x73: {  	_ =	shalt  }
0x74: {  	_ =	shalt  }
0x75: {  	_ =	shalt  }
0x76: {  	_ =	shalt  }
0x77: {  	_ =	shalt  }
0x78: {  	_ =	shalt  }
0x79: {  	_ =	shalt  }
0x7a: {  	_ =	shalt  }
0x7b: {  	_ =	shalt  }
0x7c: {  	_ =	shalt  }
0x7d: {  	_ =	shalt  }
0x7e: {  	_ =	shalt  }
0x7f: {  	_ =	shalt  }
0x80: {  	_ =	shalt  }
0x81: {  	_ =	shalt  }
0x82: {  	_ =	shalt  }
0x83: {  	_ =	shalt  }
0x84: {  	_ =	shalt  }
0x85: {  	_ =	shalt  }
0x86: {  	_ =	shalt  }
0x87: {  	_ =	shalt  }
.Lfunc_end0:
.L_simem_size_0:
called_computation_lowered:
.L_overlay_start_0:
0x88: {  	s2 =	sld [smem:$0x3FD9]  }
0x89: {  	s3 =	sld [smem:$0x3FFE];
	_ =	sdelay $0x1  }
0x8a: {  	s1 =	srdreg.scid  }
0x8b: {  	s0 =	sand.u32 $0x1, s1  }
0x8c: {  	s18 =	sshll.u32 s0, $0xA;
	s2 =	sadd.s32 s3, s2  }
0x8d: {  	s2 =	sadd.s32 s2, s18  }
0x8e: {  	[smem:$0x3FC2] =	sst s2  }
0x8f: {  	_ = 	snop  }
0x90: {  	s2 =	sld [smem:$0x3FC9]  }
0x91: {  	s19 =	sld [smem:$0x3FC8]  }
0x92: {  	s4 =	sld [smem:$0x3FC7]  }
0x93: {  	s5 =	sld [smem:$0x3FC6]  }
0x94: {  	s6 =	sld [smem:$0x3FC5]  }
0x95: {  	s7 =	sld [smem:$0x3FC4]  }
0x96: {  	s8 =	sld [smem:$0x3FD0];
	(tm) =	ssettm $0x1  }
0x97: {  	s9 =	sld [smem:$0x3FFB];
	_ =	sdelay $0x3  }
0x98: {  	_ =	strace s9  }
0x99: {  	s9 =	sld [smem:$0x3FFC];
	_ =	sdelay $0x3  }
0x9a: {  	_ =	strace s9  }
0x9b: {  	s9 =	sld [smem:$0x3FFD];
	_ =	sdelay $0x3  }
0x9c: {  	_ =	strace s9  }
0x9d: {  	_ =	strace $0x8FFFFFFF  }
0x9e: {  	s20 =	sld [smem:$0x3FDB];
	_ =	sdelay $0x1  }
0x9f: {  	s10 =	simm.s32 $_scs_section_size  }
0xa0: {  	s11 =	simm.s32 $_size__tile_overlayer_lowered;
	s12 =	simm.s32 $_tile_overlayer_lowered  }
0xa1: {  	s23 =	simm.s32 $0x1BFF;
	s22 =	sshll.u32 s12, $0x1;
	s9 =	sadd.s32 s10, s20  }
0xa2: {  	s13 =	simm.s32 $0x0;
	s21 =	sshll.u32 s11, $0x1;
	s11 =	sadd.s32 s22, s9  }
0xa3: {  	[timem:s13], [sflag:s23] =	dma.local [hbm:s11], s21  }
0xa4: {  	_ =	swait.ge [sflag:s23], s21  }
0xa5: {  	s10 =	ssub.s32 $0x0, s21;
	[sflag:s23] =	ssyncset.done $0x0  }
0xa6: {  	[sflag:s23] =	ssyncadd.s32 s10;
	_ =	sdelay $0x1  }
0xa7: {  	s24 =	simm.s32 $0x1B8B  }
0xa8: {  	_ =	swait.ge [sflag:s24], $0x1  }
0xa9: {  	[sflag:s24] =	ssyncset.done $0x0  }
0xaa: {  	s25 =	simm.s32 $0x1B8E;
	[sflag:s24] =	ssyncadd.s32 $0xFFFFFFFF  }
0xab: {  	s26 =	simm.s32 $execute0_lowered;
	[smem:$0x3FD2] =	sst s25  }
0xac: {  	s10 =	sshll.u32 s26, $0x1;
	_ =	strace $0x80000046;
	[dreg:$0x1] =	wrdreg $0xFFFFFFFF  }
0xad: {  	s28 =	simm.s32 $_size_execute0_lowered;
	s9 =	sadd.s32 s9, s10;
	[dreg:$0x0] =	wrdreg $0x0  }
0xae: {  	s10 =	sshll.u32 s28, $0x1;
	[dreg:$0x2] =	wrdreg s9  }
0xaf: {  	[dreg:$0x3] =	wrdreg s10  }
0xb0: {  	[dreg:$0x4] =	wrdreg $0xC0  }
0xb1: {  	_ =	task [dreg:s13], $0x5FFFF  }
0xb2: {  	[dreg:$0x1] =	wrdreg $0xFFFFFFFF  }
0xb3: {  	[dreg:$0x0] =	wrdreg $0x60  }
0xb4: {  	[dreg:$0x2] =	wrdreg s2  }
0xb5: {  	[dreg:$0x3] =	wrdreg s19  }
0xb6: {  	[dreg:$0x4] =	wrdreg s4  }
0xb7: {  	[dreg:$0x5] =	wrdreg s5  }
0xb8: {  	[dreg:$0x6] =	wrdreg s6  }
0xb9: {  	[dreg:$0x7] =	wrdreg s7  }
0xba: {  	[dreg:$0x8] =	wrdreg s8  }
0xbb: {  	[dreg:$0x9] =	wrdreg $0x0  }
0xbc: {  	[dreg:$0xa] =	wrdreg $0x8000  }
0xbd: {  	[dreg:$0xb] =	wrdreg $0x10000  }
0xbe: {  	[dreg:$0xc] =	wrdreg $0x9  }
0xbf: {  	_ =	task.clear_ibuf [dreg:s13], $0xDFFFF;
	_ =	strace $0x90000046  }
0xc0: {  	s29 =	simm.s32 $0x9;
	_ =	strace $0x80000048  }
0xc1: {  	_ =	swait.ge [sflag:s29], $0x1  }
0xc2: {  	[sflag:s29] =	ssyncadd.s32 $0xFFFFFFFF  }
0xc3: {  	_ =	strace $0x90000048  }
0xc4: {  	_ =	sfence  }
0xc5: {  	s30 =	sld [smem:$0x0];
	_ =	sdelay $0x2  }
0xc6: {  	s31 =	sshll.u32 s1, $0xD;
	s1 =	sshrl.u32 s1, $0x2  }
0xc7: {  	s3 =	sand.u32 $0x4000, s31;
	s1 =	sadd.s32 s1, s30  }
0xc8: {  	s0 =	sor.u32 s3, s0;
	s1 =	sshll.u32 s1, $0x11  }
0xc9: {  	s0 =	sor.u32 s1, s0  }
0xca: {  	s0 =	sadd.s32 $0x8F2B, s0  }
0xcb: {  	[sflag:s0] =	ssyncadd.remote.s32 $0x1  }
0xcc: {  	_ =	sfence.sel $0xFFFF  }
0xcd: {  	[dreg:$0x0] =	wrdreg $0xFFFFFFFF;
	(pc) =	sbr.abs _section_cstart, $3  }
0xce: {  	[dreg:$0x1] =	wrdreg $0xFFFFFFFF  }
0xcf: {  	_ =	task.clear_ibuf [dreg:s13], $0x2FFFF;
	_ =	strace $0x9FFFFFFF  }
0xd0: {  	(tm) =	ssettm $0x7FFFFFFF  }
0xd1: {  	_ =	shalt  }
tec
execute0_lowered:
.L_overlay_start_1:
0x0: {  	(tag) =	ssettag $0x1  }
0x1: {  	s0 =	rddreg [dreg:$0x0]  }
0x2: {  	s1 =	rddreg [dreg:$0x1]  }
0x3: {  	s6 =	rddreg [dreg:$0x2]  }
0x4: {  	s7 =	rddreg [dreg:$0x3]  }
0x5: {  	s8 =	rddreg [dreg:$0x4]  }
0x6: {  	s10 =	rddreg [dreg:$0x5]  }
0x7: {  	s11 =	rddreg [dreg:$0x6]  }
0x8: {  	s2 =	rddreg [dreg:$0x7]  }
0x9: {  	s3 =	rddreg [dreg:$0x8]  }
0xa: {  	s4 =	rddreg [dreg:$0x9];
	s15 =	simm.s32 $0x0;
	s9 =	srdreg.scid  }
0xb: {  	s5 =	stileid.u32;
	[smem:$0x7FF] =	sst s15  }
0xc: {  	s25 =	sand.u32 $0x1, s9;
	s12 =	sshll.u32 s5, $0x8;
	s13 =	sshll.u32 s5, $0x7  }
0xd: {  	_ =	strace $0x80000047;
	s14 =	sshll.u32 s25, $0x6;
	s7 =	sadd.s32 s7, s12  }
0xe: {  	s17 =	sadd.s32 s8, s12;
	s13 =	sor.u32 s14, s13;
	[dreg:$0xb] =	wrdreg s7  }
0xf: {  	s18 =	sadd.s32 s10, s12;
	[dreg:$0xc] =	wrdreg s17;
	s19 =	smul.u32 $0xC00, s13  }
0x10: {  	[dreg:$0xd] =	wrdreg s18;
	s0 =	sadd.s32 s0, s13  }
0x11: {  	s20 =	sadd.s32 s1, s13;
	[dreg:$0xe] =	wrdreg s0;
	s21 =	sshrl.u32 s19, $0x3  }
0x12: {  	s22 =	sadd.s32 s6, s13;
	[dreg:$0xf] =	wrdreg s20;
	s8 =	sadd.s32 s11, s21  }
0x13: {  	[dreg:$0x10] =	wrdreg s22;
	s23 =	sadd.s32 $0x80, s8  }
0x14: {  	s24 =	sadd.s32 $0x100, s8;
	[dreg:$0x11] =	wrdreg s23  }
0x15: {  	s26 =	sadd.s32 $0xC00, s8;
	[dreg:$0x12] =	wrdreg s24  }
0x16: {  	s28 =	sadd.s32 $0xC80, s8;
	[dreg:$0x13] =	wrdreg s26  }
0x17: {  	s1 =	sadd.s32 $0xD00, s8;
	[dreg:$0x14] =	wrdreg s28  }
0x18: {  	s6 =	sadd.s32 $0x1800, s8;
	[dreg:$0x15] =	wrdreg s1  }
0x19: {  	s7 =	sadd.s32 $0x1880, s8;
	[dreg:$0x16] =	wrdreg s6  }
0x1a: {  	s9 =	sadd.s32 $0x1900, s8;
	[dreg:$0x17] =	wrdreg s7  }
0x1b: {  	s10 =	sadd.s32 $0x2400, s8;
	[dreg:$0x18] =	wrdreg s9  }
0x1c: {  	s11 =	sadd.s32 $0x2480, s8;
	[dreg:$0x19] =	wrdreg s10  }
0x1d: {  	s12 =	sadd.s32 $0x2500, s8;
	[dreg:$0x1a] =	wrdreg s11  }
0x1e: {  	s13 =	sadd.s32 $0x3000, s8;
	[dreg:$0x1b] =	wrdreg s12  }
0x1f: {  	s14 =	sadd.s32 $0x3080, s8;
	[dreg:$0x1c] =	wrdreg s13  }
0x20: {  	s16 =	sadd.s32 $0x3100, s8;
	[dreg:$0x1d] =	wrdreg s14  }
0x21: {  	s17 =	sadd.s32 $0x3C00, s8;
	[dreg:$0x1e] =	wrdreg s16  }
0x22: {  	s18 =	sadd.s32 $0x3C80, s8;
	[dreg:$0x1f] =	wrdreg s17  }
0x23: {  	s19 =	sadd.s32 $0x3D00, s8;
	[smem:$0x7F6] =	sst s18  }
0x24: {  	s20 =	sadd.s32 $0x4800, s8;
	[smem:$0x7F7] =	sst s19  }
0x25: {  	s21 =	sadd.s32 $0x4880, s8;
	[smem:$0x7F8] =	sst s20  }
0x26: {  	s22 =	sadd.s32 $0x4900, s8;
	[smem:$0x7F9] =	sst s21  }
0x27: {  	[smem:$0x7FA] =	sst s22;
	s23 =	sadd.s32 $0x5400, s8  }
0x28: {  	s26 =	sadd.s32 $0x5480, s8;
	[smem:$0x7FB] =	sst s23  }
0x29: {  	s7 =	sadd.s32 $0x5500, s8;
	[smem:$0x7FC] =	sst s26  }
0x2a: {  	s13 =	simm.s32 $0x1840;
	[smem:$0x7FD] =	sst s7  }
0x2b: {  	s14 =	simm.s32 $0x1A40;
	[smem:$0x7E0] =	sst s13  }
0x2c: {  	s16 =	simm.s32 $0x1C40;
	[smem:$0x7E1] =	sst s14  }
0x2d: {  	s17 =	simm.s32 $0x1880;
	[smem:$0x7E2] =	sst s16  }
0x2e: {  	s18 =	simm.s32 $0x1A80;
	[smem:$0x7E3] =	sst s17  }
0x2f: {  	s19 =	simm.s32 $0x1C80;
	[smem:$0x7E4] =	sst s18  }
0x30: {  	s20 =	simm.s32 $0x18C0;
	[smem:$0x7E5] =	sst s19  }
0x31: {  	s21 =	simm.s32 $0x1AC0;
	[smem:$0x7E7] =	sst s20  }
0x32: {  	s24 =	sshll.u32 s5, $0xB;
	s22 =	simm.s32 $0x1CC0;
	[smem:$0x7E8] =	sst s21  }
0x33: {  	s6 =	simm.s32 $0x1D40;
	s28 =	sadd.s32 s24, s2;
	[smem:$0x7E9] =	sst s22  }
0x34: {  	s9 =	sadd.s32 s24, s3;
	s23 =	simm.s32 $0x1900;
	[smem:$0x7EF] =	sst s6  }
0x35: {  	s1 =	sadd.s32 s24, s4;
	s24 =	simm.s32 $0x1B00;
	[smem:$0x7EA] =	sst s23  }
0x36: {  	s26 =	simm.s32 $0x1D00;
	[smem:$0x7EB] =	sst s24  }
0x37: {  	s7 =	simm.s32 $0x1980;
	[smem:$0x7EC] =	sst s26  }
0x38: {  	s13 =	simm.s32 $0x1BC0;
	[smem:$0x7F0] =	sst s7  }
0x39: {  	s17 =	simm.s32 $0x1DC0;
	[smem:$0x7F4] =	sst s13  }
0x3a: {  	s10 =	sshrl.u32 s28, $0x3;
	[smem:$0x7F5] =	sst s17  }
0x3b: {  	s11 =	sshrl.u32 s9, $0x3;
	[smem:$0x7DC] =	sst s10  }
0x3c: {  	s12 =	sshrl.u32 s1, $0x3;
	[smem:$0x7DD] =	sst s11  }
0x3d: {  	s28 =	simm.s32 $0x1940;
	[smem:$0x7DE] =	sst s12  }
0x3e: {  	s1 =	simm.s32 $0x1B40;
	[smem:$0x7ED] =	sst s28  }
0x3f: {  	s9 =	simm.s32 $0x1B80;
	[smem:$0x7EE] =	sst s1  }
0x40: {  	[smem:$0x7F1] =	sst s9  }
0x41: {  	s12 =	rddreg [dreg:$0xb]  }
0x42: {  	s10 =	simm.s32 $0x1D80;
	s14 =	sld [smem:$0x7DC]  }
0x43: {  	s16 =	sshll.u32 s5, $0x6;
	s11 =	simm.s32 $0x19C0;
	[smem:$0x7F2] =	sst s10  }
0x44: {  	s5 =	sor.u32 $0x1C09, s16;
	[smem:$0x7F3] =	sst s11  }
0x45: {  	[spmem:s14], [sflag:s5] =	dma.local [hbm:s12], $0x100  }
0x46: {  	s18 =	sld [smem:$0x7DD];
	_ =	sdelay $0x1  }
0x47: {  	s0 =	rddreg [dreg:$0xc]  }
0x48: {  	[spmem:s18], [sflag:s5] =	dma.local [hbm:s0], $0x100  }
0x49: {  	s1 =	sld [smem:$0x7DE]  }
0x4a: {  	[smem:$0x7DF] =	sst s5  }
0x4b: {  	s0 =	rddreg [dreg:$0xd]  }
0x4c: {  	[spmem:s1], [sflag:s5] =	dma.local [hbm:s0], $0x100  }
0x4d: {  	s19 =	simm.s32 $0x1800;
	s0 =	rddreg [dreg:$0xe]  }
0x4e: {  	[tilespmem:s19], [sflag:$0x9] =	stream.linear.gather [hbm4b:s0+s15], $0x200, $0x38;
	[tilespmem:$0x19E00] =	vst v63  }
0x4f: {  	s20 =	simm.s32 $0x1A00;
	s1 =	rddreg [dreg:$0xf]  }
0x50: {  	[tilespmem:s20], [sflag:$0x9] =	stream.linear.gather [hbm4b:s1+s15], $0x200, $0x38;
	[tilespmem:$0x19E00] =	vst v63  }
0x51: {  	s22 =	simm.s32 $0x1C00;
	s11 =	simm.s32 $0x9;
	s21 =	rddreg [dreg:$0x10]  }
0x52: {  	[tilespmem:s22], [sflag:$0x9] =	stream.linear.gather [hbm4b:s21+s15], $0x200, $0x38;
	[tilespmem:$0x19E00] =	vst v63  }
0x53: {  	_ =	swait.ge [sflag:s11], $0x200  }
0x54: {  	[sflag:s11] =	ssyncset.done $0x0  }
0x55: {  	[sflag:s11] =	ssyncadd.s32 $0xFFFFFE00  }
0x56: {  	_ =	swait.ge [sflag:s11], $0x200  }
0x57: {  	[sflag:s11] =	ssyncset.done $0x0  }
0x58: {  	[sflag:s11] =	ssyncadd.s32 $0xFFFFFE00  }
0x59: {  	_ =	swait.ge [sflag:s11], $0x200  }
0x5a: {  	[sflag:s11] =	ssyncset.done $0x0  }
0x5b: {  	[sflag:s11] =	ssyncadd.s32 $0xFFFFFE00  }
0x5c: {  	_ =	swait.ge [sflag:s11], $0x100  }
0x5d: {  	[sflag:s11] =	ssyncset.done $0x0  }
0x5e: {  	[sflag:s11] =	ssyncadd.s32 $0xFFFFFF00  }
0x5f: {  	_ =	swait.ge [sflag:s11], $0x100  }
0x60: {  	[sflag:s11] =	ssyncset.done $0x0  }
0x61: {  	[sflag:s11] =	ssyncadd.s32 $0xFFFFFF00  }
0x62: {  	_ =	swait.ge [sflag:s11], $0x100  }
0x63: {  	[sflag:s11] =	ssyncset.done $0x0  }
0x64: {  	[sflag:s11] =	ssyncadd.s32 $0xFFFFFF00  }
0x65: {  	s10 =	simm.s32 $0x1E00;
	s12 =	simm.s32 $0x40;
	[bflag:$0x0] =	sbarrier.arrive $0xFFFF  }
0x66: {  	[tilespmem:s10], [sflag:$0x1] =	stream.indirect.gather [spmem:s2], $0x80, s19, s12, $0xb8;
	[tilespmem:$0x19E00] =	vst v63  }
0x67: {  	s5 =	simm.s32 $0x9E00  }
0x68: {  	[tilespmem:s5], [sflag:$0x1] =	stream.indirect.gather [spmem:s3], $0x80, s20, s12, $0xb8;
	[tilespmem:$0x19E00] =	vst v63  }
0x69: {  	s13 =	simm.s32 $0x11E00;
	s23 =	sld [smem:$0x7E0]  }
0x6a: {  	[tilespmem:s13], [sflag:$0x1] =	stream.indirect.gather [spmem:s4], $0x80, s22, s12, $0xb8;
	[tilespmem:$0x19E00] =	vst v63  }
0x6b: {  	s14 =	simm.s32 $0x3E00;
	s24 =	sld [smem:$0x7E1]  }
0x6c: {  	[tilespmem:s14], [sflag:$0x2] =	stream.indirect.gather [spmem:s2], $0x80, s23, s12, $0xb8;
	[tilespmem:$0x19E00] =	vst v63  }
0x6d: {  	s15 =	simm.s32 $0xBE00;
	s26 =	sld [smem:$0x7E2]  }
0x6e: {  	[tilespmem:s15], [sflag:$0x2] =	stream.indirect.gather [spmem:s3], $0x80, s24, s12, $0xb8;
	[tilespmem:$0x19E00] =	vst v63  }
0x6f: {  	s16 =	simm.s32 $0x13E00;
	s28 =	sld [smem:$0x7E3]  }
0x70: {  	[tilespmem:s16], [sflag:$0x2] =	stream.indirect.gather [spmem:s4], $0x80, s26, s12, $0xb8;
	[tilespmem:$0x19E00] =	vst v63  }
0x71: {  	s17 =	simm.s32 $0x5E00;
	s6 =	sld [smem:$0x7E4]  }
0x72: {  	[tilespmem:s17], [sflag:$0x3] =	stream.indirect.gather [spmem:s2], $0x80, s28, s12, $0xb8;
	[tilespmem:$0x19E00] =	vst v63  }
0x73: {  	s18 =	simm.s32 $0xDE00;
	s7 =	sld [smem:$0x7E5]  }
0x74: {  	[tilespmem:s18], [sflag:$0x3] =	stream.indirect.gather [spmem:s3], $0x80, s6, s12, $0xb8;
	[tilespmem:$0x19E00] =	vst v63  }
0x75: {  	s19 =	simm.s32 $0x15E00;
	s22 =	simm.s32 $0x1  }
0x76: {  	[tilespmem:s19], [sflag:$0x3] =	stream.indirect.gather [spmem:s4], $0x80, s7, s12, $0xb8;
	[tilespmem:$0x19E00] =	vst v63  }
0x77: {  	_ =	swait.ge [sflag:s22], $0x2000  }
0x78: {  	[sflag:s22] =	ssyncset.done $0x0  }
0x79: {  	[sflag:s22] =	ssyncadd.s32 $0xFFFFE000  }
0x7a: {  	_ =	swait.ge [sflag:s22], $0x2000  }
0x7b: {  	[sflag:s22] =	ssyncset.done $0x0  }
0x7c: {  	[sflag:s22] =	ssyncadd.s32 $0xFFFFE000  }
0x7d: {  	_ =	swait.ge [sflag:s22], $0x2000  }
0x7e: {  	s23 =	simm.s32 $0x400;
	[sflag:s22] =	ssyncset.done $0x0  }
0x7f: {  	s24 =	simm.s32 $0xC00;
	s9 =	rddreg [dreg:$0x11];
	[sflag:s22] =	ssyncadd.s32 $0xFFFFE000  }
0x80: {  	[hbm4b:s8+s23] =	stream.strided.scatter [tilespmem:s10], [sflag:$0x5], $0x2000, s24, s23, $0x38;
	[tilespmem:$0x19E00] =	vst v63  }
0x81: {  	s20 =	rddreg [dreg:$0x12]  }
0x82: {  	[hbm4b:s9+s23] =	stream.strided.scatter [tilespmem:s5], [sflag:$0x5], $0x2000, s24, s23, $0x38;
	[tilespmem:$0x19E00] =	vst v63  }
0x83: {  	s21 =	sld [smem:$0x7E7]  }
0x84: {  	[hbm4b:s20+s23] =	stream.strided.scatter [tilespmem:s13], [sflag:$0x5], $0x2000, s24, s23, $0x38;
	[tilespmem:$0x19E00] =	vst v63  }
0x85: {  	s26 =	sld [smem:$0x7E8];
	s20 =	simm.s32 $0x7E00  }
0x86: {  	[tilespmem:s20], [sflag:$0x4] =	stream.indirect.gather [spmem:s2], $0x80, s21, s12, $0xb8;
	[tilespmem:$0x19E00] =	vst v63  }
0x87: {  	s28 =	sld [smem:$0x7E9];
	s21 =	simm.s32 $0xFE00  }
0x88: {  	[tilespmem:s21], [sflag:$0x4] =	stream.indirect.gather [spmem:s3], $0x80, s26, s12, $0xb8;
	[tilespmem:$0x19E00] =	vst v63  }
0x89: {  	s29 =	simm.s32 $0x2;
	s7 =	simm.s32 $0x17E00;
	[smem:$0x7E6] =	sst s8  }
0x8a: {  	[tilespmem:s7], [sflag:$0x4] =	stream.indirect.gather [spmem:s4], $0x80, s28, s12, $0xb8;
	[tilespmem:$0x19E00] =	vst v63  }
0x8b: {  	_ =	swait.ge [sflag:s29], $0x2000  }
0x8c: {  	[sflag:s29] =	ssyncset.done $0x0  }
0x8d: {  	[sflag:s29] =	ssyncadd.s32 $0xFFFFE000  }
0x8e: {  	_ =	swait.ge [sflag:s29], $0x2000  }
0x8f: {  	[sflag:s29] =	ssyncset.done $0x0  }
0x90: {  	[sflag:s29] =	ssyncadd.s32 $0xFFFFE000  }
0x91: {  	_ =	swait.ge [sflag:s29], $0x2000  }
0x92: {  	[sflag:s29] =	ssyncset.done $0x0  }
0x93: {  	s1 =	rddreg [dreg:$0x13];
	[sflag:s29] =	ssyncadd.s32 $0xFFFFE000  }
0x94: {  	[hbm4b:s1+s23] =	stream.strided.scatter [tilespmem:s14], [sflag:$0x6], $0x2000, s24, s23, $0x38;
	[tilespmem:$0x19E00] =	vst v63  }
0x95: {  	s6 =	rddreg [dreg:$0x14]  }
0x96: {  	[hbm4b:s6+s23] =	stream.strided.scatter [tilespmem:s15], [sflag:$0x6], $0x2000, s24, s23, $0x38;
	[tilespmem:$0x19E00] =	vst v63  }
0x97: {  	s30 =	simm.s32 $0x5;
	s8 =	rddreg [dreg:$0x15]  }
0x98: {  	[hbm4b:s8+s23] =	stream.strided.scatter [tilespmem:s16], [sflag:$0x6], $0x2000, s24, s23, $0x38;
	[tilespmem:$0x19E00] =	vst v63  }
0x99: {  	_ =	swait.ge [sflag:s30], $0x2000  }
0x9a: {  	[sflag:s30] =	ssyncset.done $0x0  }
0x9b: {  	[sflag:s30] =	ssyncadd.s32 $0xFFFFE000  }
0x9c: {  	_ =	swait.ge [sflag:s30], $0x2000  }
0x9d: {  	[sflag:s30] =	ssyncset.done $0x0  }
0x9e: {  	[sflag:s30] =	ssyncadd.s32 $0xFFFFE000  }
0x9f: {  	_ =	swait.ge [sflag:s30], $0x2000  }
0xa0: {  	s9 =	sld [smem:$0x7EA]  }
0xa1: {  	[sflag:s30] =	ssyncset.done $0x0  }
0xa2: {  	s26 =	sld [smem:$0x7EB];
	[sflag:s30] =	ssyncadd.s32 $0xFFFFE000  }
0xa3: {  	[tilespmem:s10], [sflag:$0x1] =	stream.indirect.gather [spmem:s2], $0x80, s9, s12, $0xb8;
	[tilespmem:$0x19E00] =	vst v63  }
0xa4: {  	s28 =	sld [smem:$0x7EC]  }
0xa5: {  	[tilespmem:s5], [sflag:$0x1] =	stream.indirect.gather [spmem:s3], $0x80, s26, s12, $0xb8;
	[tilespmem:$0x19E00] =	vst v63  }
0xa6: {  	s31 =	simm.s32 $0x3  }
0xa7: {  	[tilespmem:s13], [sflag:$0x1] =	stream.indirect.gather [spmem:s4], $0x80, s28, s12, $0xb8;
	[tilespmem:$0x19E00] =	vst v63  }
0xa8: {  	_ =	swait.ge [sflag:s31], $0x2000  }
0xa9: {  	[sflag:s31] =	ssyncset.done $0x0  }
0xaa: {  	[sflag:s31] =	ssyncadd.s32 $0xFFFFE000  }
0xab: {  	_ =	swait.ge [sflag:s31], $0x2000  }
0xac: {  	[sflag:s31] =	ssyncset.done $0x0  }
0xad: {  	[sflag:s31] =	ssyncadd.s32 $0xFFFFE000  }
0xae: {  	_ =	swait.ge [sflag:s31], $0x2000  }
0xaf: {  	[sflag:s31] =	ssyncset.done $0x0  }
0xb0: {  	s6 =	rddreg [dreg:$0x16];
	[sflag:s31] =	ssyncadd.s32 $0xFFFFE000  }
0xb1: {  	[hbm4b:s6+s23] =	stream.strided.scatter [tilespmem:s17], [sflag:$0x7], $0x2000, s24, s23, $0x38;
	[tilespmem:$0x19E00] =	vst v63  }
0xb2: {  	s8 =	rddreg [dreg:$0x17]  }
0xb3: {  	[hbm4b:s8+s23] =	stream.strided.scatter [tilespmem:s18], [sflag:$0x7], $0x2000, s24, s23, $0x38;
	[tilespmem:$0x19E00] =	vst v63  }
0xb4: {  	s0 =	simm.s32 $0x6;
	s9 =	rddreg [dreg:$0x18]  }
0xb5: {  	[hbm4b:s9+s23] =	stream.strided.scatter [tilespmem:s19], [sflag:$0x7], $0x2000, s24, s23, $0x38;
	[tilespmem:$0x19E00] =	vst v63  }
0xb6: {  	_ =	swait.ge [sflag:s0], $0x2000  }
0xb7: {  	[sflag:s0] =	ssyncset.done $0x0  }
0xb8: {  	[sflag:s0] =	ssyncadd.s32 $0xFFFFE000  }
0xb9: {  	_ =	swait.ge [sflag:s0], $0x2000  }
0xba: {  	[sflag:s0] =	ssyncset.done $0x0  }
0xbb: {  	[sflag:s0] =	ssyncadd.s32 $0xFFFFE000  }
0xbc: {  	_ =	swait.ge [sflag:s0], $0x2000  }
0xbd: {  	s26 =	sld [smem:$0x7ED]  }
0xbe: {  	[sflag:s0] =	ssyncset.done $0x0  }
0xbf: {  	s28 =	sld [smem:$0x7EE];
	[sflag:s0] =	ssyncadd.s32 $0xFFFFE000  }
0xc0: {  	[tilespmem:s14], [sflag:$0x2] =	stream.indirect.gather [spmem:s2], $0x80, s26, s12, $0xb8;
	[tilespmem:$0x19E00] =	vst v63  }
0xc1: {  	s8 =	sld [smem:$0x7EF]  }
0xc2: {  	[tilespmem:s15], [sflag:$0x2] =	stream.indirect.gather [spmem:s3], $0x80, s28, s12, $0xb8;
	[tilespmem:$0x19E00] =	vst v63  }
0xc3: {  	s1 =	simm.s32 $0x4  }
0xc4: {  	[tilespmem:s16], [sflag:$0x2] =	stream.indirect.gather [spmem:s4], $0x80, s8, s12, $0xb8;
	[tilespmem:$0x19E00] =	vst v63  }
0xc5: {  	_ =	swait.ge [sflag:s1], $0x2000  }
0xc6: {  	[sflag:s1] =	ssyncset.done $0x0  }
0xc7: {  	[sflag:s1] =	ssyncadd.s32 $0xFFFFE000  }
0xc8: {  	_ =	swait.ge [sflag:s1], $0x2000  }
0xc9: {  	[sflag:s1] =	ssyncset.done $0x0  }
0xca: {  	[sflag:s1] =	ssyncadd.s32 $0xFFFFE000  }
0xcb: {  	_ =	swait.ge [sflag:s1], $0x2000  }
0xcc: {  	[sflag:s1] =	ssyncset.done $0x0  }
0xcd: {  	s9 =	rddreg [dreg:$0x19];
	[sflag:s1] =	ssyncadd.s32 $0xFFFFE000  }
0xce: {  	[hbm4b:s9+s23] =	stream.strided.scatter [tilespmem:s20], [sflag:$0x8], $0x2000, s24, s23, $0x38;
	[tilespmem:$0x19E00] =	vst v63  }
0xcf: {  	s26 =	rddreg [dreg:$0x1a]  }
0xd0: {  	[hbm4b:s26+s23] =	stream.strided.scatter [tilespmem:s21], [sflag:$0x8], $0x2000, s24, s23, $0x38;
	[tilespmem:$0x19E00] =	vst v63  }
0xd1: {  	s6 =	simm.s32 $0x7;
	s28 =	rddreg [dreg:$0x1b]  }
0xd2: {  	[hbm4b:s28+s23] =	stream.strided.scatter [tilespmem:s7], [sflag:$0x8], $0x2000, s24, s23, $0x38;
	[tilespmem:$0x19E00] =	vst v63  }
0xd3: {  	_ =	swait.ge [sflag:s6], $0x2000  }
0xd4: {  	[sflag:s6] =	ssyncset.done $0x0  }
0xd5: {  	[sflag:s6] =	ssyncadd.s32 $0xFFFFE000  }
0xd6: {  	_ =	swait.ge [sflag:s6], $0x2000  }
0xd7: {  	[sflag:s6] =	ssyncset.done $0x0  }
0xd8: {  	[sflag:s6] =	ssyncadd.s32 $0xFFFFE000  }
0xd9: {  	_ =	swait.ge [sflag:s6], $0x2000  }
0xda: {  	s8 =	sld [smem:$0x7F0]  }
0xdb: {  	[sflag:s6] =	ssyncset.done $0x0  }
0xdc: {  	s26 =	sld [smem:$0x7F1];
	[sflag:s6] =	ssyncadd.s32 $0xFFFFE000  }
0xdd: {  	[tilespmem:s17], [sflag:$0x3] =	stream.indirect.gather [spmem:s2], $0x80, s8, s12, $0xb8;
	[tilespmem:$0x19E00] =	vst v63  }
0xde: {  	s28 =	sld [smem:$0x7F2]  }
0xdf: {  	[tilespmem:s18], [sflag:$0x3] =	stream.indirect.gather [spmem:s3], $0x80, s26, s12, $0xb8;
	[tilespmem:$0x19E00] =	vst v63  }
0xe0: {  	_ = 	snop  }
0xe1: {  	[tilespmem:s19], [sflag:$0x3] =	stream.indirect.gather [spmem:s4], $0x80, s28, s12, $0xb8;
	[tilespmem:$0x19E00] =	vst v63  }
0xe2: {  	_ =	swait.ge [sflag:s22], $0x2000  }
0xe3: {  	[sflag:s22] =	ssyncset.done $0x0  }
0xe4: {  	[sflag:s22] =	ssyncadd.s32 $0xFFFFE000  }
0xe5: {  	_ =	swait.ge [sflag:s22], $0x2000  }
0xe6: {  	[sflag:s22] =	ssyncset.done $0x0  }
0xe7: {  	[sflag:s22] =	ssyncadd.s32 $0xFFFFE000  }
0xe8: {  	_ =	swait.ge [sflag:s22], $0x2000  }
0xe9: {  	[sflag:s22] =	ssyncset.done $0x0  }
0xea: {  	s26 =	rddreg [dreg:$0x1c];
	[sflag:s22] =	ssyncadd.s32 $0xFFFFE000  }
0xeb: {  	[hbm4b:s26+s23] =	stream.strided.scatter [tilespmem:s10], [sflag:$0x5], $0x2000, s24, s23, $0x38;
	[tilespmem:$0x19E00] =	vst v63  }
0xec: {  	s28 =	rddreg [dreg:$0x1d]  }
0xed: {  	[hbm4b:s28+s23] =	stream.strided.scatter [tilespmem:s5], [sflag:$0x5], $0x2000, s24, s23, $0x38;
	[tilespmem:$0x19E00] =	vst v63  }
0xee: {  	s8 =	simm.s32 $0x8;
	s10 =	rddreg [dreg:$0x1e]  }
0xef: {  	[hbm4b:s10+s23] =	stream.strided.scatter [tilespmem:s13], [sflag:$0x5], $0x2000, s24, s23, $0x38;
	[tilespmem:$0x19E00] =	vst v63  }
0xf0: {  	_ =	swait.ge [sflag:s8], $0x2000  }
0xf1: {  	[sflag:s8] =	ssyncset.done $0x0  }
0xf2: {  	[sflag:s8] =	ssyncadd.s32 $0xFFFFE000  }
0xf3: {  	_ =	swait.ge [sflag:s8], $0x2000  }
0xf4: {  	[sflag:s8] =	ssyncset.done $0x0  }
0xf5: {  	[sflag:s8] =	ssyncadd.s32 $0xFFFFE000  }
0xf6: {  	_ =	swait.ge [sflag:s8], $0x2000  }
0xf7: {  	s26 =	sld [smem:$0x7F3]  }
0xf8: {  	[sflag:s8] =	ssyncset.done $0x0  }
0xf9: {  	s28 =	sld [smem:$0x7F4];
	[sflag:s8] =	ssyncadd.s32 $0xFFFFE000  }
0xfa: {  	[tilespmem:s20], [sflag:$0x4] =	stream.indirect.gather [spmem:s2], $0x80, s26, s12, $0xb8;
	[tilespmem:$0x19E00] =	vst v63  }
0xfb: {  	s5 =	sld [smem:$0x7F5]  }
0xfc: {  	[tilespmem:s21], [sflag:$0x4] =	stream.indirect.gather [spmem:s3], $0x80, s28, s12, $0xb8;
	[tilespmem:$0x19E00] =	vst v63  }
0xfd: {  	_ = 	snop  }
0xfe: {  	[tilespmem:s7], [sflag:$0x4] =	stream.indirect.gather [spmem:s4], $0x80, s5, s12, $0xb8;
	[tilespmem:$0x19E00] =	vst v63  }
0xff: {  	_ =	swait.ge [sflag:s29], $0x2000  }
0x100: {  	[sflag:s29] =	ssyncset.done $0x0  }
0x101: {  	[sflag:s29] =	ssyncadd.s32 $0xFFFFE000  }
0x102: {  	_ =	swait.ge [sflag:s29], $0x2000  }
0x103: {  	[sflag:s29] =	ssyncset.done $0x0  }
0x104: {  	[sflag:s29] =	ssyncadd.s32 $0xFFFFE000  }
0x105: {  	_ =	swait.ge [sflag:s29], $0x2000  }
0x106: {  	s10 =	rddreg [dreg:$0x1f];
	[sflag:s29] =	ssyncset.done $0x0  }
0x107: {  	s13 =	sld [smem:$0x7F6];
	[sflag:s29] =	ssyncadd.s32 $0xFFFFE000  }
0x108: {  	[hbm4b:s10+s23] =	stream.strided.scatter [tilespmem:s14], [sflag:$0x6], $0x2000, s24, s23, $0x38;
	[tilespmem:$0x19E00] =	vst v63  }
0x109: {  	s14 =	sld [smem:$0x7F7]  }
0x10a: {  	[hbm4b:s13+s23] =	stream.strided.scatter [tilespmem:s15], [sflag:$0x6], $0x2000, s24, s23, $0x38;
	[tilespmem:$0x19E00] =	vst v63  }
0x10b: {  	_ = 	snop  }
0x10c: {  	[hbm4b:s14+s23] =	stream.strided.scatter [tilespmem:s16], [sflag:$0x6], $0x2000, s24, s23, $0x38;
	[tilespmem:$0x19E00] =	vst v63  }
0x10d: {  	_ =	swait.ge [sflag:s31], $0x2000  }
0x10e: {  	[sflag:s31] =	ssyncset.done $0x0  }
0x10f: {  	[sflag:s31] =	ssyncadd.s32 $0xFFFFE000  }
0x110: {  	_ =	swait.ge [sflag:s31], $0x2000  }
0x111: {  	[sflag:s31] =	ssyncset.done $0x0  }
0x112: {  	[sflag:s31] =	ssyncadd.s32 $0xFFFFE000  }
0x113: {  	_ =	swait.ge [sflag:s31], $0x2000  }
0x114: {  	s15 =	sld [smem:$0x7F8]  }
0x115: {  	[sflag:s31] =	ssyncset.done $0x0  }
0x116: {  	s16 =	sld [smem:$0x7F9];
	[sflag:s31] =	ssyncadd.s32 $0xFFFFE000  }
0x117: {  	[hbm4b:s15+s23] =	stream.strided.scatter [tilespmem:s17], [sflag:$0x7], $0x2000, s24, s23, $0x38;
	[tilespmem:$0x19E00] =	vst v63  }
0x118: {  	s17 =	sld [smem:$0x7FA]  }
0x119: {  	[hbm4b:s16+s23] =	stream.strided.scatter [tilespmem:s18], [sflag:$0x7], $0x2000, s24, s23, $0x38;
	[tilespmem:$0x19E00] =	vst v63  }
0x11a: {  	_ = 	snop  }
0x11b: {  	[hbm4b:s17+s23] =	stream.strided.scatter [tilespmem:s19], [sflag:$0x7], $0x2000, s24, s23, $0x38;
	[tilespmem:$0x19E00] =	vst v63  }
0x11c: {  	_ =	swait.ge [sflag:s1], $0x2000  }
0x11d: {  	[sflag:s1] =	ssyncset.done $0x0  }
0x11e: {  	[sflag:s1] =	ssyncadd.s32 $0xFFFFE000  }
0x11f: {  	_ =	swait.ge [sflag:s1], $0x2000  }
0x120: {  	[sflag:s1] =	ssyncset.done $0x0  }
0x121: {  	[sflag:s1] =	ssyncadd.s32 $0xFFFFE000  }
0x122: {  	_ =	swait.ge [sflag:s1], $0x2000  }
0x123: {  	s18 =	sld [smem:$0x7FB]  }
0x124: {  	[sflag:s1] =	ssyncset.done $0x0  }
0x125: {  	s19 =	sld [smem:$0x7FC];
	[sflag:s1] =	ssyncadd.s32 $0xFFFFE000  }
0x126: {  	[hbm4b:s18+s23] =	stream.strided.scatter [tilespmem:s20], [sflag:$0x8], $0x2000, s24, s23, $0x38;
	[tilespmem:$0x19E00] =	vst v63  }
0x127: {  	s20 =	sld [smem:$0x7FD]  }
0x128: {  	[hbm4b:s19+s23] =	stream.strided.scatter [tilespmem:s21], [sflag:$0x8], $0x2000, s24, s23, $0x38;
	[tilespmem:$0x19E00] =	vst v63  }
0x129: {  	_ = 	snop  }
0x12a: {  	[hbm4b:s20+s23] =	stream.strided.scatter [tilespmem:s7], [sflag:$0x8], $0x2000, s24, s23, $0x38;
	[tilespmem:$0x19E00] =	vst v63  }
0x12b: {  	_ =	swait.ge [sflag:s30], $0x2000  }
0x12c: {  	[sflag:s30] =	ssyncset.done $0x0  }
0x12d: {  	[sflag:s30] =	ssyncadd.s32 $0xFFFFE000  }
0x12e: {  	_ =	swait.ge [sflag:s30], $0x2000  }
0x12f: {  	[sflag:s30] =	ssyncset.done $0x0  }
0x130: {  	[sflag:s30] =	ssyncadd.s32 $0xFFFFE000  }
0x131: {  	_ =	swait.ge [sflag:s30], $0x2000  }
0x132: {  	[sflag:s30] =	ssyncset.done $0x0  }
0x133: {  	[sflag:s30] =	ssyncadd.s32 $0xFFFFE000  }
0x134: {  	_ =	swait.ge [sflag:s0], $0x2000  }
0x135: {  	[sflag:s0] =	ssyncset.done $0x0  }
0x136: {  	[sflag:s0] =	ssyncadd.s32 $0xFFFFE000  }
0x137: {  	_ =	swait.ge [sflag:s0], $0x2000  }
0x138: {  	[sflag:s0] =	ssyncset.done $0x0  }
0x139: {  	[sflag:s0] =	ssyncadd.s32 $0xFFFFE000  }
0x13a: {  	_ =	swait.ge [sflag:s0], $0x2000  }
0x13b: {  	[sflag:s0] =	ssyncset.done $0x0  }
0x13c: {  	[sflag:s0] =	ssyncadd.s32 $0xFFFFE000  }
0x13d: {  	_ =	swait.ge [sflag:s6], $0x2000  }
0x13e: {  	[sflag:s6] =	ssyncset.done $0x0  }
0x13f: {  	[sflag:s6] =	ssyncadd.s32 $0xFFFFE000  }
0x140: {  	_ =	swait.ge [sflag:s6], $0x2000  }
0x141: {  	[sflag:s6] =	ssyncset.done $0x0  }
0x142: {  	s26 =	ssub.s32 $0x2, s25;
	[sflag:s6] =	ssyncadd.s32 $0xFFFFE000  }
0x143: {  	s28 =	sshrl.u32 s26, $0x1;
	_ =	swait.ge [sflag:s6], $0x2000  }
0x144: {  	s9 =	ssub.s32 s26, s28;
	[sflag:s6] =	ssyncset.done $0x0  }
0x145: {  	s9 =	smax.u32 s9, $0x1;
	[sflag:s6] =	ssyncadd.s32 $0xFFFFE000  }
0x146: {  	p0 =	sne.s32 s9, $0x1;
	_ =	swait.ge [sflag:s8], $0x2000  }
.Ltmp0:
0x147: {  	[sflag:s8] =	ssyncset.done $0x0;
	(pc) =	sbr.rel @!p0 .LBB2_3-.Ltmp0, $4  }
0x148: {  	[sflag:s8] =	ssyncadd.s32 $0xFFFFE000  }
0x149: {  	_ =	swait.ge [sflag:s8], $0x2000  }
0x14a: {  	[sflag:s8] =	ssyncset.done $0x0  }
0x14b: {  	s9 =	sadd.s32 $0xFFFFFFFF, s9;
	[sflag:s8] =	ssyncadd.s32 $0xFFFFE000  }
0x14c: {  	s17 =	simm.s32 $0x3E00;
	s18 =	simm.s32 $0xBE00  }
0x14d: {  	s19 =	simm.s32 $0x13E00;
	s20 =	simm.s32 $0x5E00;
	s21 =	simm.s32 $0xDE00  }
0x14e: {  	s25 =	simm.s32 $0x15E00;
	s26 =	simm.s32 $0x7E00;
	s28 =	simm.s32 $0xFE00  }
.LBB2_2:
0x14f: {  	_ =	swait.ge [sflag:s8], $0x2000  }
0x150: {  	s5 =	sld [smem:$0x7DC]  }
0x151: {  	s7 =	sld [smem:$0x7DF]  }
0x152: {  	[sflag:s8] =	ssyncset.done $0x0  }
0x153: {  	s10 =	rddreg [dreg:$0xb];
	[sflag:s8] =	ssyncadd.s32 $0xFFFFE000  }
0x154: {  	[spmem:s5], [sflag:s7] =	dma.local [hbm:s10], $0x100  }
0x155: {  	s10 =	sld [smem:$0x7DD];
	_ =	sdelay $0x1  }
0x156: {  	s5 =	rddreg [dreg:$0xc]  }
0x157: {  	[spmem:s10], [sflag:s7] =	dma.local [hbm:s5], $0x100  }
0x158: {  	s10 =	sld [smem:$0x7DE];
	_ =	sdelay $0x1  }
0x159: {  	s5 =	rddreg [dreg:$0xd]  }
0x15a: {  	[spmem:s10], [sflag:s7] =	dma.local [hbm:s5], $0x100  }
0x15b: {  	s14 =	simm.s32 $0x0;
	s15 =	simm.s32 $0x1800;
	s5 =	rddreg [dreg:$0xe]  }
0x15c: {  	[tilespmem:s15], [sflag:$0x9] =	stream.linear.gather [hbm4b:s5+s14], $0x200, $0x38;
	[tilespmem:$0x19E00] =	vst v63  }
0x15d: {  	s16 =	simm.s32 $0x1A00;
	s13 =	rddreg [dreg:$0xf]  }
0x15e: {  	[tilespmem:s16], [sflag:$0x9] =	stream.linear.gather [hbm4b:s13+s14], $0x200, $0x38;
	[tilespmem:$0x19E00] =	vst v63  }
0x15f: {  	s7 =	simm.s32 $0x1C00;
	s10 =	rddreg [dreg:$0x10]  }
0x160: {  	[tilespmem:s7], [sflag:$0x9] =	stream.linear.gather [hbm4b:s10+s14], $0x200, $0x38;
	[tilespmem:$0x19E00] =	vst v63  }
0x161: {  	_ =	swait.ge [sflag:s11], $0x200  }
0x162: {  	[sflag:s11] =	ssyncset.done $0x0  }
0x163: {  	[sflag:s11] =	ssyncadd.s32 $0xFFFFFE00  }
0x164: {  	_ =	swait.ge [sflag:s11], $0x200  }
0x165: {  	[sflag:s11] =	ssyncset.done $0x0  }
0x166: {  	[sflag:s11] =	ssyncadd.s32 $0xFFFFFE00  }
0x167: {  	_ =	swait.ge [sflag:s11], $0x200  }
0x168: {  	[sflag:s11] =	ssyncset.done $0x0  }
0x169: {  	[sflag:s11] =	ssyncadd.s32 $0xFFFFFE00  }
0x16a: {  	_ =	swait.ge [sflag:s11], $0x100  }
0x16b: {  	[sflag:s11] =	ssyncset.done $0x0  }
0x16c: {  	[sflag:s11] =	ssyncadd.s32 $0xFFFFFF00  }
0x16d: {  	_ =	swait.ge [sflag:s11], $0x100  }
0x16e: {  	[sflag:s11] =	ssyncset.done $0x0  }
0x16f: {  	[sflag:s11] =	ssyncadd.s32 $0xFFFFFF00  }
0x170: {  	_ =	swait.ge [sflag:s11], $0x100  }
0x171: {  	[sflag:s11] =	ssyncset.done $0x0  }
0x172: {  	[sflag:s11] =	ssyncadd.s32 $0xFFFFFF00  }
0x173: {  	s14 =	simm.s32 $0x1E00;
	[bflag:$0x0] =	sbarrier.arrive $0xFFFF  }
0x174: {  	[tilespmem:s14], [sflag:$0x1] =	stream.indirect.gather [spmem:s2], $0x80, s15, s12, $0xb8;
	[tilespmem:$0x19E00] =	vst v63  }
0x175: {  	s15 =	simm.s32 $0x9E00  }
0x176: {  	[tilespmem:s15], [sflag:$0x1] =	stream.indirect.gather [spmem:s3], $0x80, s16, s12, $0xb8;
	[tilespmem:$0x19E00] =	vst v63  }
0x177: {  	s5 =	sld [smem:$0x7E0];
	s16 =	simm.s32 $0x11E00  }
0x178: {  	[tilespmem:s16], [sflag:$0x1] =	stream.indirect.gather [spmem:s4], $0x80, s7, s12, $0xb8;
	[tilespmem:$0x19E00] =	vst v63  }
0x179: {  	s10 =	sld [smem:$0x7E1]  }
0x17a: {  	[tilespmem:s17], [sflag:$0x2] =	stream.indirect.gather [spmem:s2], $0x80, s5, s12, $0xb8;
	[tilespmem:$0x19E00] =	vst v63  }
0x17b: {  	s7 =	sld [smem:$0x7E2]  }
0x17c: {  	[tilespmem:s18], [sflag:$0x2] =	stream.indirect.gather [spmem:s3], $0x80, s10, s12, $0xb8;
	[tilespmem:$0x19E00] =	vst v63  }
0x17d: {  	s5 =	sld [smem:$0x7E3]  }
0x17e: {  	[tilespmem:s19], [sflag:$0x2] =	stream.indirect.gather [spmem:s4], $0x80, s7, s12, $0xb8;
	[tilespmem:$0x19E00] =	vst v63  }
0x17f: {  	s10 =	sld [smem:$0x7E4]  }
0x180: {  	[tilespmem:s20], [sflag:$0x3] =	stream.indirect.gather [spmem:s2], $0x80, s5, s12, $0xb8;
	[tilespmem:$0x19E00] =	vst v63  }
0x181: {  	s7 =	sld [smem:$0x7E5]  }
0x182: {  	[tilespmem:s21], [sflag:$0x3] =	stream.indirect.gather [spmem:s3], $0x80, s10, s12, $0xb8;
	[tilespmem:$0x19E00] =	vst v63  }
0x183: {  	_ = 	snop  }
0x184: {  	[tilespmem:s25], [sflag:$0x3] =	stream.indirect.gather [spmem:s4], $0x80, s7, s12, $0xb8;
	[tilespmem:$0x19E00] =	vst v63  }
0x185: {  	_ =	swait.ge [sflag:s22], $0x2000  }
0x186: {  	[sflag:s22] =	ssyncset.done $0x0  }
0x187: {  	[sflag:s22] =	ssyncadd.s32 $0xFFFFE000  }
0x188: {  	_ =	swait.ge [sflag:s22], $0x2000  }
0x189: {  	[sflag:s22] =	ssyncset.done $0x0  }
0x18a: {  	[sflag:s22] =	ssyncadd.s32 $0xFFFFE000  }
0x18b: {  	_ =	swait.ge [sflag:s22], $0x2000  }
0x18c: {  	s7 =	sld [smem:$0x7E6]  }
0x18d: {  	[sflag:s22] =	ssyncset.done $0x0  }
0x18e: {  	s5 =	rddreg [dreg:$0x11];
	[sflag:s22] =	ssyncadd.s32 $0xFFFFE000  }
0x18f: {  	[hbm4b:s7+s23] =	stream.strided.scatter [tilespmem:s14], [sflag:$0x5], $0x2000, s24, s23, $0x38;
	[tilespmem:$0x19E00] =	vst v63  }
0x190: {  	s10 =	rddreg [dreg:$0x12]  }
0x191: {  	[hbm4b:s5+s23] =	stream.strided.scatter [tilespmem:s15], [sflag:$0x5], $0x2000, s24, s23, $0x38;
	[tilespmem:$0x19E00] =	vst v63  }
0x192: {  	s13 =	sld [smem:$0x7E7]  }
0x193: {  	[hbm4b:s10+s23] =	stream.strided.scatter [tilespmem:s16], [sflag:$0x5], $0x2000, s24, s23, $0x38;
	[tilespmem:$0x19E00] =	vst v63  }
0x194: {  	s7 =	sld [smem:$0x7E8]  }
0x195: {  	[tilespmem:s26], [sflag:$0x4] =	stream.indirect.gather [spmem:s2], $0x80, s13, s12, $0xb8;
	[tilespmem:$0x19E00] =	vst v63  }
0x196: {  	s10 =	sld [smem:$0x7E9]  }
0x197: {  	[tilespmem:s28], [sflag:$0x4] =	stream.indirect.gather [spmem:s3], $0x80, s7, s12, $0xb8;
	[tilespmem:$0x19E00] =	vst v63  }
0x198: {  	s7 =	simm.s32 $0x17E00  }
0x199: {  	[tilespmem:s7], [sflag:$0x4] =	stream.indirect.gather [spmem:s4], $0x80, s10, s12, $0xb8;
	[tilespmem:$0x19E00] =	vst v63  }
0x19a: {  	_ =	swait.ge [sflag:s29], $0x2000  }
0x19b: {  	[sflag:s29] =	ssyncset.done $0x0  }
0x19c: {  	[sflag:s29] =	ssyncadd.s32 $0xFFFFE000  }
0x19d: {  	_ =	swait.ge [sflag:s29], $0x2000  }
0x19e: {  	[sflag:s29] =	ssyncset.done $0x0  }
0x19f: {  	[sflag:s29] =	ssyncadd.s32 $0xFFFFE000  }
0x1a0: {  	_ =	swait.ge [sflag:s29], $0x2000  }
0x1a1: {  	[sflag:s29] =	ssyncset.done $0x0  }
0x1a2: {  	s5 =	rddreg [dreg:$0x13];
	[sflag:s29] =	ssyncadd.s32 $0xFFFFE000  }
0x1a3: {  	[hbm4b:s5+s23] =	stream.strided.scatter [tilespmem:s17], [sflag:$0x6], $0x2000, s24, s23, $0x38;
	[tilespmem:$0x19E00] =	vst v63  }
0x1a4: {  	s13 =	rddreg [dreg:$0x14]  }
0x1a5: {  	[hbm4b:s13+s23] =	stream.strided.scatter [tilespmem:s18], [sflag:$0x6], $0x2000, s24, s23, $0x38;
	[tilespmem:$0x19E00] =	vst v63  }
0x1a6: {  	s10 =	rddreg [dreg:$0x15]  }
0x1a7: {  	[hbm4b:s10+s23] =	stream.strided.scatter [tilespmem:s19], [sflag:$0x6], $0x2000, s24, s23, $0x38;
	[tilespmem:$0x19E00] =	vst v63  }
0x1a8: {  	_ =	swait.ge [sflag:s30], $0x2000  }
0x1a9: {  	[sflag:s30] =	ssyncset.done $0x0  }
0x1aa: {  	[sflag:s30] =	ssyncadd.s32 $0xFFFFE000  }
0x1ab: {  	_ =	swait.ge [sflag:s30], $0x2000  }
0x1ac: {  	[sflag:s30] =	ssyncset.done $0x0  }
0x1ad: {  	[sflag:s30] =	ssyncadd.s32 $0xFFFFE000  }
0x1ae: {  	_ =	swait.ge [sflag:s30], $0x2000  }
0x1af: {  	s5 =	sld [smem:$0x7EA]  }
0x1b0: {  	[sflag:s30] =	ssyncset.done $0x0  }
0x1b1: {  	s13 =	sld [smem:$0x7EB];
	[sflag:s30] =	ssyncadd.s32 $0xFFFFE000  }
0x1b2: {  	[tilespmem:s14], [sflag:$0x1] =	stream.indirect.gather [spmem:s2], $0x80, s5, s12, $0xb8;
	[tilespmem:$0x19E00] =	vst v63  }
0x1b3: {  	s10 =	sld [smem:$0x7EC]  }
0x1b4: {  	[tilespmem:s15], [sflag:$0x1] =	stream.indirect.gather [spmem:s3], $0x80, s13, s12, $0xb8;
	[tilespmem:$0x19E00] =	vst v63  }
0x1b5: {  	_ = 	snop  }
0x1b6: {  	[tilespmem:s16], [sflag:$0x1] =	stream.indirect.gather [spmem:s4], $0x80, s10, s12, $0xb8;
	[tilespmem:$0x19E00] =	vst v63  }
0x1b7: {  	_ =	swait.ge [sflag:s31], $0x2000  }
0x1b8: {  	[sflag:s31] =	ssyncset.done $0x0  }
0x1b9: {  	[sflag:s31] =	ssyncadd.s32 $0xFFFFE000  }
0x1ba: {  	_ =	swait.ge [sflag:s31], $0x2000  }
0x1bb: {  	[sflag:s31] =	ssyncset.done $0x0  }
0x1bc: {  	[sflag:s31] =	ssyncadd.s32 $0xFFFFE000  }
0x1bd: {  	_ =	swait.ge [sflag:s31], $0x2000  }
0x1be: {  	[sflag:s31] =	ssyncset.done $0x0  }
0x1bf: {  	s5 =	rddreg [dreg:$0x16];
	[sflag:s31] =	ssyncadd.s32 $0xFFFFE000  }
0x1c0: {  	[hbm4b:s5+s23] =	stream.strided.scatter [tilespmem:s20], [sflag:$0x7], $0x2000, s24, s23, $0x38;
	[tilespmem:$0x19E00] =	vst v63  }
0x1c1: {  	s13 =	rddreg [dreg:$0x17]  }
0x1c2: {  	[hbm4b:s13+s23] =	stream.strided.scatter [tilespmem:s21], [sflag:$0x7], $0x2000, s24, s23, $0x38;
	[tilespmem:$0x19E00] =	vst v63  }
0x1c3: {  	s10 =	rddreg [dreg:$0x18]  }
0x1c4: {  	[hbm4b:s10+s23] =	stream.strided.scatter [tilespmem:s25], [sflag:$0x7], $0x2000, s24, s23, $0x38;
	[tilespmem:$0x19E00] =	vst v63  }
0x1c5: {  	_ =	swait.ge [sflag:s0], $0x2000  }
0x1c6: {  	[sflag:s0] =	ssyncset.done $0x0  }
0x1c7: {  	[sflag:s0] =	ssyncadd.s32 $0xFFFFE000  }
0x1c8: {  	_ =	swait.ge [sflag:s0], $0x2000  }
0x1c9: {  	[sflag:s0] =	ssyncset.done $0x0  }
0x1ca: {  	[sflag:s0] =	ssyncadd.s32 $0xFFFFE000  }
0x1cb: {  	_ =	swait.ge [sflag:s0], $0x2000  }
0x1cc: {  	s5 =	sld [smem:$0x7ED]  }
0x1cd: {  	[sflag:s0] =	ssyncset.done $0x0  }
0x1ce: {  	s13 =	sld [smem:$0x7EE];
	[sflag:s0] =	ssyncadd.s32 $0xFFFFE000  }
0x1cf: {  	[tilespmem:s17], [sflag:$0x2] =	stream.indirect.gather [spmem:s2], $0x80, s5, s12, $0xb8;
	[tilespmem:$0x19E00] =	vst v63  }
0x1d0: {  	s10 =	sld [smem:$0x7EF]  }
0x1d1: {  	[tilespmem:s18], [sflag:$0x2] =	stream.indirect.gather [spmem:s3], $0x80, s13, s12, $0xb8;
	[tilespmem:$0x19E00] =	vst v63  }
0x1d2: {  	_ = 	snop  }
0x1d3: {  	[tilespmem:s19], [sflag:$0x2] =	stream.indirect.gather [spmem:s4], $0x80, s10, s12, $0xb8;
	[tilespmem:$0x19E00] =	vst v63  }
0x1d4: {  	_ =	swait.ge [sflag:s1], $0x2000  }
0x1d5: {  	[sflag:s1] =	ssyncset.done $0x0  }
0x1d6: {  	[sflag:s1] =	ssyncadd.s32 $0xFFFFE000  }
0x1d7: {  	_ =	swait.ge [sflag:s1], $0x2000  }
0x1d8: {  	[sflag:s1] =	ssyncset.done $0x0  }
0x1d9: {  	[sflag:s1] =	ssyncadd.s32 $0xFFFFE000  }
0x1da: {  	_ =	swait.ge [sflag:s1], $0x2000  }
0x1db: {  	[sflag:s1] =	ssyncset.done $0x0  }
0x1dc: {  	s5 =	rddreg [dreg:$0x19];
	[sflag:s1] =	ssyncadd.s32 $0xFFFFE000  }
0x1dd: {  	[hbm4b:s5+s23] =	stream.strided.scatter [tilespmem:s26], [sflag:$0x8], $0x2000, s24, s23, $0x38;
	[tilespmem:$0x19E00] =	vst v63  }
0x1de: {  	s13 =	rddreg [dreg:$0x1a]  }
0x1df: {  	[hbm4b:s13+s23] =	stream.strided.scatter [tilespmem:s28], [sflag:$0x8], $0x2000, s24, s23, $0x38;
	[tilespmem:$0x19E00] =	vst v63  }
0x1e0: {  	s10 =	rddreg [dreg:$0x1b]  }
0x1e1: {  	[hbm4b:s10+s23] =	stream.strided.scatter [tilespmem:s7], [sflag:$0x8], $0x2000, s24, s23, $0x38;
	[tilespmem:$0x19E00] =	vst v63  }
0x1e2: {  	_ =	swait.ge [sflag:s6], $0x2000  }
0x1e3: {  	[sflag:s6] =	ssyncset.done $0x0  }
0x1e4: {  	[sflag:s6] =	ssyncadd.s32 $0xFFFFE000  }
0x1e5: {  	_ =	swait.ge [sflag:s6], $0x2000  }
0x1e6: {  	[sflag:s6] =	ssyncset.done $0x0  }
0x1e7: {  	[sflag:s6] =	ssyncadd.s32 $0xFFFFE000  }
0x1e8: {  	_ =	swait.ge [sflag:s6], $0x2000  }
0x1e9: {  	s5 =	sld [smem:$0x7F0]  }
0x1ea: {  	[sflag:s6] =	ssyncset.done $0x0  }
0x1eb: {  	s13 =	sld [smem:$0x7F1];
	[sflag:s6] =	ssyncadd.s32 $0xFFFFE000  }
0x1ec: {  	[tilespmem:s20], [sflag:$0x3] =	stream.indirect.gather [spmem:s2], $0x80, s5, s12, $0xb8;
	[tilespmem:$0x19E00] =	vst v63  }
0x1ed: {  	s10 =	sld [smem:$0x7F2]  }
0x1ee: {  	[tilespmem:s21], [sflag:$0x3] =	stream.indirect.gather [spmem:s3], $0x80, s13, s12, $0xb8;
	[tilespmem:$0x19E00] =	vst v63  }
0x1ef: {  	_ = 	snop  }
0x1f0: {  	[tilespmem:s25], [sflag:$0x3] =	stream.indirect.gather [spmem:s4], $0x80, s10, s12, $0xb8;
	[tilespmem:$0x19E00] =	vst v63  }
0x1f1: {  	_ =	swait.ge [sflag:s22], $0x2000  }
0x1f2: {  	[sflag:s22] =	ssyncset.done $0x0  }
0x1f3: {  	[sflag:s22] =	ssyncadd.s32 $0xFFFFE000  }
0x1f4: {  	_ =	swait.ge [sflag:s22], $0x2000  }
0x1f5: {  	[sflag:s22] =	ssyncset.done $0x0  }
0x1f6: {  	[sflag:s22] =	ssyncadd.s32 $0xFFFFE000  }
0x1f7: {  	_ =	swait.ge [sflag:s22], $0x2000  }
0x1f8: {  	[sflag:s22] =	ssyncset.done $0x0  }
0x1f9: {  	s5 =	rddreg [dreg:$0x1c];
	[sflag:s22] =	ssyncadd.s32 $0xFFFFE000  }
0x1fa: {  	[hbm4b:s5+s23] =	stream.strided.scatter [tilespmem:s14], [sflag:$0x5], $0x2000, s24, s23, $0x38;
	[tilespmem:$0x19E00] =	vst v63  }
0x1fb: {  	s13 =	rddreg [dreg:$0x1d]  }
0x1fc: {  	[hbm4b:s13+s23] =	stream.strided.scatter [tilespmem:s15], [sflag:$0x5], $0x2000, s24, s23, $0x38;
	[tilespmem:$0x19E00] =	vst v63  }
0x1fd: {  	s10 =	rddreg [dreg:$0x1e]  }
0x1fe: {  	[hbm4b:s10+s23] =	stream.strided.scatter [tilespmem:s16], [sflag:$0x5], $0x2000, s24, s23, $0x38;
	[tilespmem:$0x19E00] =	vst v63  }
0x1ff: {  	_ =	swait.ge [sflag:s8], $0x2000  }
0x200: {  	[sflag:s8] =	ssyncset.done $0x0  }
0x201: {  	[sflag:s8] =	ssyncadd.s32 $0xFFFFE000  }
0x202: {  	_ =	swait.ge [sflag:s8], $0x2000  }
0x203: {  	[sflag:s8] =	ssyncset.done $0x0  }
0x204: {  	[sflag:s8] =	ssyncadd.s32 $0xFFFFE000  }
0x205: {  	_ =	swait.ge [sflag:s8], $0x2000  }
0x206: {  	s14 =	sld [smem:$0x7F3]  }
0x207: {  	[sflag:s8] =	ssyncset.done $0x0  }
0x208: {  	s16 =	sld [smem:$0x7F4];
	[sflag:s8] =	ssyncadd.s32 $0xFFFFE000  }
0x209: {  	[tilespmem:s26], [sflag:$0x4] =	stream.indirect.gather [spmem:s2], $0x80, s14, s12, $0xb8;
	[tilespmem:$0x19E00] =	vst v63  }
0x20a: {  	s15 =	sld [smem:$0x7F5]  }
0x20b: {  	[tilespmem:s28], [sflag:$0x4] =	stream.indirect.gather [spmem:s3], $0x80, s16, s12, $0xb8;
	[tilespmem:$0x19E00] =	vst v63  }
0x20c: {  	_ = 	snop  }
0x20d: {  	[tilespmem:s7], [sflag:$0x4] =	stream.indirect.gather [spmem:s4], $0x80, s15, s12, $0xb8;
	[tilespmem:$0x19E00] =	vst v63  }
0x20e: {  	_ =	swait.ge [sflag:s29], $0x2000  }
0x20f: {  	[sflag:s29] =	ssyncset.done $0x0  }
0x210: {  	[sflag:s29] =	ssyncadd.s32 $0xFFFFE000  }
0x211: {  	_ =	swait.ge [sflag:s29], $0x2000  }
0x212: {  	[sflag:s29] =	ssyncset.done $0x0  }
0x213: {  	[sflag:s29] =	ssyncadd.s32 $0xFFFFE000  }
0x214: {  	_ =	swait.ge [sflag:s29], $0x2000  }
0x215: {  	[sflag:s29] =	ssyncset.done $0x0;
	s14 =	rddreg [dreg:$0x1f]  }
0x216: {  	s16 =	sld [smem:$0x7F6];
	[sflag:s29] =	ssyncadd.s32 $0xFFFFE000  }
0x217: {  	[hbm4b:s14+s23] =	stream.strided.scatter [tilespmem:s17], [sflag:$0x6], $0x2000, s24, s23, $0x38;
	[tilespmem:$0x19E00] =	vst v63  }
0x218: {  	s15 =	sld [smem:$0x7F7]  }
0x219: {  	[hbm4b:s16+s23] =	stream.strided.scatter [tilespmem:s18], [sflag:$0x6], $0x2000, s24, s23, $0x38;
	[tilespmem:$0x19E00] =	vst v63  }
0x21a: {  	_ = 	snop  }
0x21b: {  	[hbm4b:s15+s23] =	stream.strided.scatter [tilespmem:s19], [sflag:$0x6], $0x2000, s24, s23, $0x38;
	[tilespmem:$0x19E00] =	vst v63  }
0x21c: {  	_ =	swait.ge [sflag:s31], $0x2000  }
0x21d: {  	[sflag:s31] =	ssyncset.done $0x0  }
0x21e: {  	[sflag:s31] =	ssyncadd.s32 $0xFFFFE000  }
0x21f: {  	_ =	swait.ge [sflag:s31], $0x2000  }
0x220: {  	[sflag:s31] =	ssyncset.done $0x0  }
0x221: {  	[sflag:s31] =	ssyncadd.s32 $0xFFFFE000  }
0x222: {  	_ =	swait.ge [sflag:s31], $0x2000  }
0x223: {  	s14 =	sld [smem:$0x7F8]  }
0x224: {  	[sflag:s31] =	ssyncset.done $0x0  }
0x225: {  	s16 =	sld [smem:$0x7F9];
	[sflag:s31] =	ssyncadd.s32 $0xFFFFE000  }
0x226: {  	[hbm4b:s14+s23] =	stream.strided.scatter [tilespmem:s20], [sflag:$0x7], $0x2000, s24, s23, $0x38;
	[tilespmem:$0x19E00] =	vst v63  }
0x227: {  	s15 =	sld [smem:$0x7FA]  }
0x228: {  	[hbm4b:s16+s23] =	stream.strided.scatter [tilespmem:s21], [sflag:$0x7], $0x2000, s24, s23, $0x38;
	[tilespmem:$0x19E00] =	vst v63  }
0x229: {  	_ = 	snop  }
0x22a: {  	[hbm4b:s15+s23] =	stream.strided.scatter [tilespmem:s25], [sflag:$0x7], $0x2000, s24, s23, $0x38;
	[tilespmem:$0x19E00] =	vst v63  }
0x22b: {  	_ =	swait.ge [sflag:s1], $0x2000  }
0x22c: {  	[sflag:s1] =	ssyncset.done $0x0  }
0x22d: {  	[sflag:s1] =	ssyncadd.s32 $0xFFFFE000  }
0x22e: {  	_ =	swait.ge [sflag:s1], $0x2000  }
0x22f: {  	[sflag:s1] =	ssyncset.done $0x0  }
0x230: {  	[sflag:s1] =	ssyncadd.s32 $0xFFFFE000  }
0x231: {  	_ =	swait.ge [sflag:s1], $0x2000  }
0x232: {  	s14 =	sld [smem:$0x7FB]  }
0x233: {  	[sflag:s1] =	ssyncset.done $0x0  }
0x234: {  	s16 =	sld [smem:$0x7FC];
	[sflag:s1] =	ssyncadd.s32 $0xFFFFE000  }
0x235: {  	[hbm4b:s14+s23] =	stream.strided.scatter [tilespmem:s26], [sflag:$0x8], $0x2000, s24, s23, $0x38;
	[tilespmem:$0x19E00] =	vst v63  }
0x236: {  	s15 =	sld [smem:$0x7FD]  }
0x237: {  	[hbm4b:s16+s23] =	stream.strided.scatter [tilespmem:s28], [sflag:$0x8], $0x2000, s24, s23, $0x38;
	[tilespmem:$0x19E00] =	vst v63  }
0x238: {  	_ = 	snop  }
0x239: {  	[hbm4b:s15+s23] =	stream.strided.scatter [tilespmem:s7], [sflag:$0x8], $0x2000, s24, s23, $0x38;
	[tilespmem:$0x19E00] =	vst v63  }
0x23a: {  	_ =	swait.ge [sflag:s30], $0x2000  }
0x23b: {  	[sflag:s30] =	ssyncset.done $0x0  }
0x23c: {  	[sflag:s30] =	ssyncadd.s32 $0xFFFFE000  }
0x23d: {  	_ =	swait.ge [sflag:s30], $0x2000  }
0x23e: {  	[sflag:s30] =	ssyncset.done $0x0  }
0x23f: {  	[sflag:s30] =	ssyncadd.s32 $0xFFFFE000  }
0x240: {  	_ =	swait.ge [sflag:s30], $0x2000  }
0x241: {  	[sflag:s30] =	ssyncset.done $0x0  }
0x242: {  	[sflag:s30] =	ssyncadd.s32 $0xFFFFE000  }
0x243: {  	_ =	swait.ge [sflag:s0], $0x2000  }
0x244: {  	[sflag:s0] =	ssyncset.done $0x0  }
0x245: {  	[sflag:s0] =	ssyncadd.s32 $0xFFFFE000  }
0x246: {  	_ =	swait.ge [sflag:s0], $0x2000  }
0x247: {  	[sflag:s0] =	ssyncset.done $0x0  }
0x248: {  	[sflag:s0] =	ssyncadd.s32 $0xFFFFE000  }
0x249: {  	_ =	swait.ge [sflag:s0], $0x2000  }
0x24a: {  	[sflag:s0] =	ssyncset.done $0x0  }
0x24b: {  	[sflag:s0] =	ssyncadd.s32 $0xFFFFE000  }
0x24c: {  	_ =	swait.ge [sflag:s6], $0x2000  }
0x24d: {  	[sflag:s6] =	ssyncset.done $0x0  }
0x24e: {  	[sflag:s6] =	ssyncadd.s32 $0xFFFFE000  }
0x24f: {  	_ =	swait.ge [sflag:s6], $0x2000  }
0x250: {  	[sflag:s6] =	ssyncset.done $0x0  }
0x251: {  	[sflag:s6] =	ssyncadd.s32 $0xFFFFE000  }
0x252: {  	_ =	swait.ge [sflag:s6], $0x2000  }
0x253: {  	[sflag:s6] =	ssyncset.done $0x0  }
0x254: {  	[sflag:s6] =	ssyncadd.s32 $0xFFFFE000  }
0x255: {  	p0 =	sne.s32 s9, $0x1;
	_ =	swait.ge [sflag:s8], $0x2000  }
.Ltmp1:
0x256: {  	[sflag:s8] =	ssyncset.done $0x0;
	(pc) =	sbr.rel @p0 .LBB2_2-.Ltmp1, $4  }
0x257: {  	[sflag:s8] =	ssyncadd.s32 $0xFFFFE000  }
0x258: {  	_ =	swait.ge [sflag:s8], $0x2000  }
0x259: {  	[sflag:s8] =	ssyncset.done $0x0  }
0x25a: {  	s9 =	sadd.s32 $0xFFFFFFFF, s9;
	[sflag:s8] =	ssyncadd.s32 $0xFFFFE000  }
.LBB2_3:
0x25b: {  	_ =	swait.ge [sflag:s8], $0x2000  }
0x25c: {  	[sflag:s8] =	ssyncset.done $0x0  }
0x25d: {  	[sflag:s8] =	ssyncadd.s32 $0xFFFFE000  }
0x25e: {  	_ =	sfence.sel $0x180000  }
0x25f: {  	[bflag:$0x0] =	sbarrier.arrive $0xFFFF  }
0x260: {  	_ =	strace $0x90000047  }
0x261: {  	s0 =	stileid.u32;
	[bflag:$0x2] =	sbarrier.arrive $0xFFFF  }
0x262: {  	p0 =	sne.s32 s0, $0x0;
	s0 =	rddreg [dreg:$0xa]  }
0x263: {  	s0 =	sadd.s32 @!p0 $0x100000, s0  }
0x264: {  	[sflag:s0] =	ssyncadd.tile.s32 @!p0 $0x1;
	_ =	shalt  }
.Lfunc_end2:
_tile_overlayer_lowered:
.L_overlay_start_2:
0x265: {  	(tag) =	ssettag $0x2  }
0x266: {  	s0 =	rddreg [dreg:$0x0];
	s2 =	stileid.u32  }
0x267: {  	s1 =	rddreg [dreg:$0x1];
	p0 =	sne.s32 s2, $0x0  }
0x268: {  	s3 =	rddreg [dreg:$0x2];
	[bflag:$0x3] =	sbarrier.arrive $0xFFFF;
	s2 =	simm.s32 @!p0 $0x1C0A  }
0x269: {  	[timem:s3], [sflag:s2] =	dma.local @!p0 [hbm:s0], s1  }
0x26a: {  	s0 =	simm.s32 @!p0 $0xA  }
0x26b: {  	_ =	swait.ge @!p0 [sflag:s0], s1  }
0x26c: {  	s1 =	ssub.s32 @!p0 $0x0, s1;
	[sflag:s0] =	ssyncset.done @!p0 $0x0  }
0x26d: {  	[sflag:s0] =	ssyncadd.s32 @!p0 s1  }
0x26e: {  	[bflag:$0x3] =	sbarrier.arrive $0xFFFF  }
0x26f: {  	_ =	shalt  }

</sc_bundles>
